<compile_context>
chip_gen: v7x
topology: tpu7x:2x2x1
jax: 0.10.2.dev20260603
libtpu: 0.0.44.dev20260713+nightly
codegen_flags: <defaults>
</compile_context>

<pallas_src>
import functools

import jax
import jax.numpy as jnp
from jax import lax
from jax.experimental import pallas as pl
from jax.experimental.pallas import tpu as pltpu
from jax.experimental.pallas import tpu_sc as plsc

N_NODES = 10000
D = 128
N_EDGES = 320000

NC = 2
NS = 16
NW = NC * NS

NPAD = 10112
ROWS_PER_TILE = NPAD // NS

CH = 128
NCHUNK = 79
EW = CH * NCHUNK
EPAD = EW * NW
NCHUNKS_TOTAL = EPAD // CH
CPP = 2 * NCHUNK
CN0 = 138
CN1 = CPP - CN0
_ZSIZES = [CH] * (ROWS_PER_TILE // CH) + (
    [ROWS_PER_TILE % CH] if ROWS_PER_TILE % CH else [])

_MESH = plsc.VectorSubcoreMesh(core_axis_name="c", subcore_axis_name="s")



@functools.partial(
    pl.kernel,
    out_type=jax.ShapeDtypeStruct((NC, NPAD, D), jnp.float32),
    mesh=_MESH,
    scratch_types=[
        pltpu.VMEM((2, CH), jnp.int32),
        pltpu.VMEM((CH, D), jnp.float32),
        pltpu.VMEM_SHARED((NPAD, D), jnp.float32),
        pltpu.SemaphoreType.DMA,
    ],
)
def _deg_kernel(onesz_hbm, dst_hbm, out_hbm, dst_v, ones_v, acc, sem_idx):
    c = lax.axis_index("c")
    s = lax.axis_index("s")
    base = (s * NC + c) * NCHUNK

    pltpu.sync_copy(onesz_hbm.at[1], ones_v)
    off = 0
    for sz in _ZSIZES:
        pltpu.sync_copy(ones_v.at[pl.ds(0, sz)],
                        acc.at[pl.ds(s * ROWS_PER_TILE + off, sz)])
        off += sz
    pltpu.sync_copy(onesz_hbm.at[0], ones_v)
    plsc.subcore_barrier()

    pltpu.sync_copy(dst_hbm.at[base], dst_v.at[0])
    pltpu.make_async_copy(dst_hbm.at[base + 1], dst_v.at[1], sem_idx).start()

    def step(j, _):
        b = lax.rem(j, 2)
        pltpu.sync_copy(ones_v, acc.at[dst_v.at[b]], add=True)

        @pl.when(j + 1 < NCHUNK)
        def _():
            pltpu.make_async_copy(dst_hbm.at[base + j + 1],
                                  dst_v.at[1 - b], sem_idx).wait()

        @pl.when(j + 2 < NCHUNK)
        def _():
            pltpu.make_async_copy(dst_hbm.at[base + j + 2],
                                  dst_v.at[b], sem_idx).start()
        return 0
    lax.fori_loop(0, NCHUNK, step, 0)
    plsc.subcore_barrier()

    pltpu.sync_copy(acc.at[pl.ds(s * ROWS_PER_TILE, ROWS_PER_TILE)],
                    out_hbm.at[c, pl.ds(s * ROWS_PER_TILE, ROWS_PER_TILE)])


@functools.partial(
    pl.kernel,
    out_type=jax.ShapeDtypeStruct((NC, NPAD, D), jnp.float32),
    mesh=_MESH,
    scratch_types=[
        pltpu.VMEM((3, CH), jnp.int32),
        pltpu.VMEM((3, CH), jnp.int32),
        pltpu.VMEM((3, CH, D), jnp.float32),
        pltpu.VMEM_SHARED((NPAD, D), jnp.float32),
        pltpu.SemaphoreType.DMA,
        pltpu.SemaphoreType.DMA,
    ],
)
def _scatter_kernel(g_hbm, src_hbm, dst_hbm, out_hbm,
                    src_v, dst_v, rows_v, acc, sem, sem_idx):
    c = lax.axis_index("c")
    s = lax.axis_index("s")
    base = s * CPP + c * CN0
    cnt = jnp.where(c == 0, CN0, CN1)

    zero16 = jnp.zeros((16,), jnp.float32)

    def fill(r, _):
        def fcol(k, _):
            rows_v[0, r, pl.ds(k * 16, 16)] = zero16
            return 0
        return lax.fori_loop(0, D // 16, fcol, 0)
    lax.fori_loop(0, CH, fill, 0)

    off = 0
    for sz in _ZSIZES:
        pltpu.sync_copy(rows_v.at[0, pl.ds(0, sz)],
                        acc.at[pl.ds(s * ROWS_PER_TILE + off, sz)])
        off += sz
    plsc.subcore_barrier()

    @pl.when(0 < cnt)
    def _():
        pltpu.sync_copy(src_hbm.at[base], src_v.at[0])
        pltpu.sync_copy(dst_hbm.at[base], dst_v.at[0])
        pltpu.make_async_copy(g_hbm.at[src_v.at[0]], rows_v.at[0],
                              sem).start()

    @pl.when(1 < cnt)
    def _():
        pltpu.sync_copy(src_hbm.at[base + 1], src_v.at[1])
        pltpu.sync_copy(dst_hbm.at[base + 1], dst_v.at[1])
        pltpu.make_async_copy(g_hbm.at[src_v.at[1]], rows_v.at[1],
                              sem).start()

    @pl.when(2 < cnt)
    def _():
        pltpu.make_async_copy(src_hbm.at[base + 2], src_v.at[2],
                              sem_idx).start()
        pltpu.make_async_copy(dst_hbm.at[base + 2], dst_v.at[2],
                              sem_idx).start()

    def step(j, _):
        b = lax.rem(j, 3)
        b2 = lax.rem(j + 2, 3)
        pltpu.make_async_copy(g_hbm.at[src_v.at[b]], rows_v.at[b], sem).wait()

        @pl.when(j + 2 < cnt)
        def _():
            pltpu.make_async_copy(src_hbm.at[base + j + 2],
                                  src_v.at[b2], sem_idx).wait()
            pltpu.make_async_copy(dst_hbm.at[base + j + 2],
                                  dst_v.at[b2], sem_idx).wait()
            pltpu.make_async_copy(g_hbm.at[src_v.at[b2]],
                                  rows_v.at[b2], sem).start()

        pltpu.sync_copy(rows_v.at[b], acc.at[dst_v.at[b]], add=True)

        @pl.when(j + 3 < cnt)
        def _():
            pltpu.make_async_copy(src_hbm.at[base + j + 3],
                                  src_v.at[b], sem_idx).start()
            pltpu.make_async_copy(dst_hbm.at[base + j + 3],
                                  dst_v.at[b], sem_idx).start()
        return 0
    lax.fori_loop(0, cnt, step, 0)
    plsc.subcore_barrier()

    pltpu.sync_copy(acc.at[pl.ds(s * ROWS_PER_TILE, ROWS_PER_TILE)],
                    out_hbm.at[c, pl.ds(s * ROWS_PER_TILE, ROWS_PER_TILE)])



_BLK = 632


def _scale0(deg_part, x):
    def body(dp, xr, nrm_ref, g1_ref):
        a = dp[...]
        d = a[0, :, 0:1] + a[1, :, 0:1]
        nrm = lax.rsqrt(jnp.maximum(d, 1.0))
        nrm_ref[...] = nrm
        g1_ref[...] = xr[...] * nrm

    return pl.pallas_call(
        body,
        grid=(NPAD // _BLK,),
        in_specs=[pl.BlockSpec((2, _BLK, D), lambda i: (0, i, 0)),
                  pl.BlockSpec((_BLK, D), lambda i: (i, 0))],
        out_specs=(pl.BlockSpec((_BLK, 1), lambda i: (i, 0)),
                   pl.BlockSpec((_BLK, D), lambda i: (i, 0))),
        out_shape=(jax.ShapeDtypeStruct((NPAD, 1), jnp.float32),
                   jax.ShapeDtypeStruct((NPAD, D), jnp.float32)),
    )(deg_part, x)


def _combine1(p, norm):
    def body(pr, nr, h1_ref, g2_ref):
        a = pr[...]
        nrm = nr[...]
        h1 = (a[0] + a[1]) * nrm
        h1_ref[...] = h1
        g2_ref[...] = h1 * nrm

    return pl.pallas_call(
        body,
        grid=(NPAD // _BLK,),
        in_specs=[pl.BlockSpec((2, _BLK, D), lambda i: (0, i, 0)),
                  pl.BlockSpec((_BLK, 1), lambda i: (i, 0))],
        out_specs=(pl.BlockSpec((_BLK, D), lambda i: (i, 0)),
                   pl.BlockSpec((_BLK, D), lambda i: (i, 0))),
        out_shape=(jax.ShapeDtypeStruct((NPAD, D), jnp.float32),
                   jax.ShapeDtypeStruct((NPAD, D), jnp.float32)),
    )(p, norm)


def _final(q, norm, x, h1):
    def body(qr, nr, xr, h1r, o_ref):
        a = qr[...]
        h2 = (a[0] + a[1]) * nr[...]
        o_ref[...] = (xr[...] + h1r[...] + h2) * (1.0 / 3.0)

    return pl.pallas_call(
        body,
        grid=(NPAD // _BLK,),
        in_specs=[pl.BlockSpec((2, _BLK, D), lambda i: (0, i, 0)),
                  pl.BlockSpec((_BLK, 1), lambda i: (i, 0)),
                  pl.BlockSpec((_BLK, D), lambda i: (i, 0)),
                  pl.BlockSpec((_BLK, D), lambda i: (i, 0))],
        out_specs=pl.BlockSpec((_BLK, D), lambda i: (i, 0)),
        out_shape=jax.ShapeDtypeStruct((NPAD, D), jnp.float32),
    )(q, norm, x, h1)



def kernel(features, edge_index):
    ei = edge_index.astype(jnp.int32)
    trash = jnp.full((EPAD - N_EDGES,), NPAD - 1, jnp.int32)
    src = jnp.concatenate([ei[0], trash]).reshape(NCHUNKS_TOTAL, CH)
    dst = jnp.concatenate([ei[1], trash]).reshape(NCHUNKS_TOTAL, CH)
    x = jnp.pad(features, ((0, NPAD - N_NODES), (0, 0)))

    onesz = jnp.stack([jnp.ones((CH, D), jnp.float32),
                       jnp.zeros((CH, D), jnp.float32)])
    deg_part = _deg_kernel(onesz, dst)
    norm, g1 = _scale0(deg_part, x)
    p = _scatter_kernel(g1, src, dst)
    h1, g2 = _combine1(p, norm)
    q = _scatter_kernel(g2, src, dst)
    out = _final(q, norm, x, h1)
    return out[:N_NODES]

# --- scband reference (transcript-rebuilt; emitter-appended) ---
"""Pipeline reference for scband-rsgclayer-56788057587875 (READ-ONLY COPY).

The authoritative reference and input builder live on the scoring server;
editing this copy changes nothing except your own understanding.
"""

import jax, jax.numpy as jnp
import numpy as np

K = 2
N_NODES = 10000
D_FEAT = 128
N_EDGES = 320000

def setup_inputs(seed: int = 0) -> dict:
    key = jax.random.key(seed)
    k1, k2 = jax.random.split(key)
    features = jax.random.normal(k1, (N_NODES, D_FEAT), dtype=jnp.float32)
    edge_index = jax.random.randint(k2, (2, N_EDGES), 0, N_NODES, dtype=jnp.int64)
    return {"features": features, "edge_index": edge_index}

def reference(features, edge_index):
    # DGL semantics: update_all(copy_u, sum) -> h_dst = sum over incoming edges of h_src
    src = edge_index[0]
    dst = edge_index[1]
    n = features.shape[0]
    # in-degrees, clamped to min 1
    deg = jax.ops.segment_sum(jnp.ones((src.shape[0],), dtype=jnp.float32), dst, num_segments=n)
    deg = jnp.maximum(deg, 1.0)
    norm = jnp.power(deg, -0.5)[:, None]
    h = features
    results = [features]
    for _ in range(K):
        h = h * norm
        msgs = jnp.take(h, src, axis=0)
        h = jax.ops.segment_sum(msgs, dst, num_segments=n)
        h = h * norm
        results.append(h)
    # aggr == 'mean'
    H = jnp.stack(results, axis=1)
    H = jnp.mean(H, axis=1)
    return H

if __name__ == "__main__":
    import jax
    _d = setup_inputs()
    print(jax.jit(kernel)(*tuple(_d.values())))

</pallas_src>

<mosaic_0001>
#map = affine_map<(d0, d1) -> (0, 0, 0)>
#map1 = affine_map<(d0, d1) -> (0, 0)>
module attributes {stable_mosaic.version = 14 : i64} {
  func.func @_deg_kernel(%arg0: i32, %arg1: i32, %arg2: memref<2x128x128xf32, #tpu.memory_space<hbm>>, %arg3: memref<2528x128xi32, #tpu.memory_space<hbm>>, %arg4: memref<2x10112x128xf32, #tpu.memory_space<hbm>>, %arg5: memref<2x128xi32, #tpu.memory_space<vmem>>, %arg6: memref<128x128xf32, #tpu.memory_space<vmem>>, %arg7: memref<10112x128xf32, #tpu.memory_space<vmem_shared>>, %arg8: memref<!tpu.dma_semaphore, #tpu.memory_space<semaphore_mem>>) attributes {dimension_semantics = [#tpu.dimension_semantics<core_parallel>, #tpu.dimension_semantics<subcore_parallel>], iteration_bounds = array<i64: 2, 16>, scalar_prefetch = 0 : i64, scratch_operands = 4 : i64, tpu.core_type = #tpu.core_type<sc_vector_subcore>, window_params = [{transform_indices = #map}, {transform_indices = #map1}, {transform_indices = #map}]} {
    %mul3A = arith.constant 2 : i32
    %mul3A_0 = arith.muli %arg1, %mul3A : i32
    %add3A = arith.addi %mul3A_0, %arg0 : i32
    %mul3A_1 = arith.constant 79 : i32
    %mul3A_2 = arith.muli %add3A, %mul3A_1 : i32
    %run_scoped3A = arith.constant 1 : i32
    "tpu.region"() ({
      %run_scoped3A_50 = tpu.sem_alloc : memref<!tpu.dma_semaphore, #tpu.memory_space<semaphore_mem>>
      %dma_start3A_51 = arith.constant 0 : i32
      %dma_start3A_52 = arith.constant 0 : i32
      %dma_start3A_53 = tpu.memref_slice %arg2[%run_scoped3A, %dma_start3A_51, %dma_start3A_52] : memref<2x128x128xf32, #tpu.memory_space<hbm>> -> memref<1x128x128xf32, #tpu.memory_space<hbm>>
      %dma_start3A_54 = tpu.memref_squeeze %dma_start3A_53 : memref<1x128x128xf32, #tpu.memory_space<hbm>> -> memref<128x128xf32, #tpu.memory_space<hbm>>
      %dma_start3A_55 = arith.constant 0 : i32
      %dma_start3A_56 = arith.constant 0 : i32
      %dma_start3A_57 = tpu.memref_slice %arg2[%run_scoped3A, %dma_start3A_55, %dma_start3A_56] : memref<2x128x128xf32, #tpu.memory_space<hbm>> -> memref<1x128x128xf32, #tpu.memory_space<hbm>>
      %dma_start3A_58 = tpu.memref_squeeze %dma_start3A_57 : memref<1x128x128xf32, #tpu.memory_space<hbm>> -> memref<128x128xf32, #tpu.memory_space<hbm>>
      tpu.enqueue_dma source(%dma_start3A_58 : memref<128x128xf32, #tpu.memory_space<hbm>>) target(%arg6 : memref<128x128xf32, #tpu.memory_space<vmem>>) target_semaphore(%run_scoped3A_50 : memref<!tpu.dma_semaphore, #tpu.memory_space<semaphore_mem>>)
      %dma_wait3A = arith.constant 0 : i32
      %dma_wait3A_59 = arith.constant 0 : i32
      %dma_wait3A_60 = tpu.memref_slice %arg2[%run_scoped3A, %dma_wait3A, %dma_wait3A_59] : memref<2x128x128xf32, #tpu.memory_space<hbm>> -> memref<1x128x128xf32, #tpu.memory_space<hbm>>
      %dma_wait3A_61 = tpu.memref_squeeze %dma_wait3A_60 : memref<1x128x128xf32, #tpu.memory_space<hbm>> -> memref<128x128xf32, #tpu.memory_space<hbm>>
      %dma_wait3A_62 = arith.constant 0 : i32
      %dma_wait3A_63 = arith.constant 0 : i32
      %dma_wait3A_64 = tpu.memref_slice %arg2[%run_scoped3A, %dma_wait3A_62, %dma_wait3A_63] : memref<2x128x128xf32, #tpu.memory_space<hbm>> -> memref<1x128x128xf32, #tpu.memory_space<hbm>>
      %dma_wait3A_65 = tpu.memref_squeeze %dma_wait3A_64 : memref<1x128x128xf32, #tpu.memory_space<hbm>> -> memref<128x128xf32, #tpu.memory_space<hbm>>
      tpu.wait_dma2 semaphore(%run_scoped3A_50 : memref<!tpu.dma_semaphore, #tpu.memory_space<semaphore_mem>>) src(%dma_wait3A_65 : memref<128x128xf32, #tpu.memory_space<hbm>>) dst(%arg6 : memref<128x128xf32, #tpu.memory_space<vmem>>)
      tpu.yield
    }) : () -> ()
    %mul3A_3 = arith.constant 632 : i32
    %mul3A_4 = arith.muli %arg1, %mul3A_3 : i32
    %add3A_5 = arith.constant 0 : i32
    %add3A_6 = arith.addi %mul3A_4, %add3A_5 : i32
    "tpu.region"() ({
      %run_scoped3A_50 = tpu.sem_alloc : memref<!tpu.dma_semaphore, #tpu.memory_space<semaphore_mem>>
      %dma_start3A_51 = arith.constant 0 : i32
      %dma_start3A_52 = arith.constant 0 : i32
      %dma_start3A_53 = tpu.memref_slice %arg6[%dma_start3A_51, %dma_start3A_52] : memref<128x128xf32, #tpu.memory_space<vmem>> -> memref<128x128xf32, #tpu.memory_space<vmem>>
      %dma_start3A_54 = arith.constant 0 : i32
      %dma_start3A_55 = tpu.memref_slice %arg7[%add3A_6, %dma_start3A_54] : memref<10112x128xf32, #tpu.memory_space<vmem_shared>> -> memref<128x128xf32, #tpu.memory_space<vmem_shared>>
      %dma_start3A_56 = arith.constant 0 : i32
      %dma_start3A_57 = tpu.memref_slice %arg7[%add3A_6, %dma_start3A_56] : memref<10112x128xf32, #tpu.memory_space<vmem_shared>> -> memref<128x128xf32, #tpu.memory_space<vmem_shared>>
      %dma_start3A_58 = arith.constant 0 : i32
      %dma_start3A_59 = arith.constant 0 : i32
      %dma_start3A_60 = tpu.memref_slice %arg6[%dma_start3A_58, %dma_start3A_59] : memref<128x128xf32, #tpu.memory_space<vmem>> -> memref<128x128xf32, #tpu.memory_space<vmem>>
      tpu.enqueue_dma source(%dma_start3A_60 : memref<128x128xf32, #tpu.memory_space<vmem>>) target(%dma_start3A_57 : memref<128x128xf32, #tpu.memory_space<vmem_shared>>) target_semaphore(%run_scoped3A_50 : memref<!tpu.dma_semaphore, #tpu.memory_space<semaphore_mem>>)
      %dma_wait3A = arith.constant 0 : i32
      %dma_wait3A_61 = arith.constant 0 : i32
      %dma_wait3A_62 = tpu.memref_slice %arg6[%dma_wait3A, %dma_wait3A_61] : memref<128x128xf32, #tpu.memory_space<vmem>> -> memref<128x128xf32, #tpu.memory_space<vmem>>
      %dma_wait3A_63 = arith.constant 0 : i32
      %dma_wait3A_64 = tpu.memref_slice %arg7[%add3A_6, %dma_wait3A_63] : memref<10112x128xf32, #tpu.memory_space<vmem_shared>> -> memref<128x128xf32, #tpu.memory_space<vmem_shared>>
      %dma_wait3A_65 = arith.constant 0 : i32
      %dma_wait3A_66 = tpu.memref_slice %arg7[%add3A_6, %dma_wait3A_65] : memref<10112x128xf32, #tpu.memory_space<vmem_shared>> -> memref<128x128xf32, #tpu.memory_space<vmem_shared>>
      %dma_wait3A_67 = arith.constant 0 : i32
      %dma_wait3A_68 = arith.constant 0 : i32
      %dma_wait3A_69 = tpu.memref_slice %arg6[%dma_wait3A_67, %dma_wait3A_68] : memref<128x128xf32, #tpu.memory_space<vmem>> -> memref<128x128xf32, #tpu.memory_space<vmem>>
      tpu.wait_dma2 semaphore(%run_scoped3A_50 : memref<!tpu.dma_semaphore, #tpu.memory_space<semaphore_mem>>) src(%dma_wait3A_69 : memref<128x128xf32, #tpu.memory_space<vmem>>) dst(%dma_wait3A_66 : memref<128x128xf32, #tpu.memory_space<vmem_shared>>)
      tpu.yield
    }) : () -> ()
    %mul3A_7 = arith.constant 632 : i32
    %mul3A_8 = arith.muli %arg1, %mul3A_7 : i32
    %add3A_9 = arith.constant 128 : i32
    %add3A_10 = arith.addi %mul3A_8, %add3A_9 : i32
    "tpu.region"() ({
      %run_scoped3A_50 = tpu.sem_alloc : memref<!tpu.dma_semaphore, #tpu.memory_space<semaphore_mem>>
      %dma_start3A_51 = arith.constant 0 : i32
      %dma_start3A_52 = arith.constant 0 : i32
      %dma_start3A_53 = tpu.memref_slice %arg6[%dma_start3A_51, %dma_start3A_52] : memref<128x128xf32, #tpu.memory_space<vmem>> -> memref<128x128xf32, #tpu.memory_space<vmem>>
      %dma_start3A_54 = arith.constant 0 : i32
      %dma_start3A_55 = tpu.memref_slice %arg7[%add3A_10, %dma_start3A_54] : memref<10112x128xf32, #tpu.memory_space<vmem_shared>> -> memref<128x128xf32, #tpu.memory_space<vmem_shared>>
      %dma_start3A_56 = arith.constant 0 : i32
      %dma_start3A_57 = tpu.memref_slice %arg7[%add3A_10, %dma_start3A_56] : memref<10112x128xf32, #tpu.memory_space<vmem_shared>> -> memref<128x128xf32, #tpu.memory_space<vmem_shared>>
      %dma_start3A_58 = arith.constant 0 : i32
      %dma_start3A_59 = arith.constant 0 : i32
      %dma_start3A_60 = tpu.memref_slice %arg6[%dma_start3A_58, %dma_start3A_59] : memref<128x128xf32, #tpu.memory_space<vmem>> -> memref<128x128xf32, #tpu.memory_space<vmem>>
      tpu.enqueue_dma source(%dma_start3A_60 : memref<128x128xf32, #tpu.memory_space<vmem>>) target(%dma_start3A_57 : memref<128x128xf32, #tpu.memory_space<vmem_shared>>) target_semaphore(%run_scoped3A_50 : memref<!tpu.dma_semaphore, #tpu.memory_space<semaphore_mem>>)
      %dma_wait3A = arith.constant 0 : i32
      %dma_wait3A_61 = arith.constant 0 : i32
      %dma_wait3A_62 = tpu.memref_slice %arg6[%dma_wait3A, %dma_wait3A_61] : memref<128x128xf32, #tpu.memory_space<vmem>> -> memref<128x128xf32, #tpu.memory_space<vmem>>
      %dma_wait3A_63 = arith.constant 0 : i32
      %dma_wait3A_64 = tpu.memref_slice %arg7[%add3A_10, %dma_wait3A_63] : memref<10112x128xf32, #tpu.memory_space<vmem_shared>> -> memref<128x128xf32, #tpu.memory_space<vmem_shared>>
      %dma_wait3A_65 = arith.constant 0 : i32
      %dma_wait3A_66 = tpu.memref_slice %arg7[%add3A_10, %dma_wait3A_65] : memref<10112x128xf32, #tpu.memory_space<vmem_shared>> -> memref<128x128xf32, #tpu.memory_space<vmem_shared>>
      %dma_wait3A_67 = arith.constant 0 : i32
      %dma_wait3A_68 = arith.constant 0 : i32
      %dma_wait3A_69 = tpu.memref_slice %arg6[%dma_wait3A_67, %dma_wait3A_68] : memref<128x128xf32, #tpu.memory_space<vmem>> -> memref<128x128xf32, #tpu.memory_space<vmem>>
      tpu.wait_dma2 semaphore(%run_scoped3A_50 : memref<!tpu.dma_semaphore, #tpu.memory_space<semaphore_mem>>) src(%dma_wait3A_69 : memref<128x128xf32, #tpu.memory_space<vmem>>) dst(%dma_wait3A_66 : memref<128x128xf32, #tpu.memory_space<vmem_shared>>)
      tpu.yield
    }) : () -> ()
    %mul3A_11 = arith.constant 632 : i32
    %mul3A_12 = arith.muli %arg1, %mul3A_11 : i32
    %add3A_13 = arith.constant 256 : i32
    %add3A_14 = arith.addi %mul3A_12, %add3A_13 : i32
    "tpu.region"() ({
      %run_scoped3A_50 = tpu.sem_alloc : memref<!tpu.dma_semaphore, #tpu.memory_space<semaphore_mem>>
      %dma_start3A_51 = arith.constant 0 : i32
      %dma_start3A_52 = arith.constant 0 : i32
      %dma_start3A_53 = tpu.memref_slice %arg6[%dma_start3A_51, %dma_start3A_52] : memref<128x128xf32, #tpu.memory_space<vmem>> -> memref<128x128xf32, #tpu.memory_space<vmem>>
      %dma_start3A_54 = arith.constant 0 : i32
      %dma_start3A_55 = tpu.memref_slice %arg7[%add3A_14, %dma_start3A_54] : memref<10112x128xf32, #tpu.memory_space<vmem_shared>> -> memref<128x128xf32, #tpu.memory_space<vmem_shared>>
      %dma_start3A_56 = arith.constant 0 : i32
      %dma_start3A_57 = tpu.memref_slice %arg7[%add3A_14, %dma_start3A_56] : memref<10112x128xf32, #tpu.memory_space<vmem_shared>> -> memref<128x128xf32, #tpu.memory_space<vmem_shared>>
      %dma_start3A_58 = arith.constant 0 : i32
      %dma_start3A_59 = arith.constant 0 : i32
      %dma_start3A_60 = tpu.memref_slice %arg6[%dma_start3A_58, %dma_start3A_59] : memref<128x128xf32, #tpu.memory_space<vmem>> -> memref<128x128xf32, #tpu.memory_space<vmem>>
      tpu.enqueue_dma source(%dma_start3A_60 : memref<128x128xf32, #tpu.memory_space<vmem>>) target(%dma_start3A_57 : memref<128x128xf32, #tpu.memory_space<vmem_shared>>) target_semaphore(%run_scoped3A_50 : memref<!tpu.dma_semaphore, #tpu.memory_space<semaphore_mem>>)
      %dma_wait3A = arith.constant 0 : i32
      %dma_wait3A_61 = arith.constant 0 : i32
      %dma_wait3A_62 = tpu.memref_slice %arg6[%dma_wait3A, %dma_wait3A_61] : memref<128x128xf32, #tpu.memory_space<vmem>> -> memref<128x128xf32, #tpu.memory_space<vmem>>
      %dma_wait3A_63 = arith.constant 0 : i32
      %dma_wait3A_64 = tpu.memref_slice %arg7[%add3A_14, %dma_wait3A_63] : memref<10112x128xf32, #tpu.memory_space<vmem_shared>> -> memref<128x128xf32, #tpu.memory_space<vmem_shared>>
      %dma_wait3A_65 = arith.constant 0 : i32
      %dma_wait3A_66 = tpu.memref_slice %arg7[%add3A_14, %dma_wait3A_65] : memref<10112x128xf32, #tpu.memory_space<vmem_shared>> -> memref<128x128xf32, #tpu.memory_space<vmem_shared>>
      %dma_wait3A_67 = arith.constant 0 : i32
      %dma_wait3A_68 = arith.constant 0 : i32
      %dma_wait3A_69 = tpu.memref_slice %arg6[%dma_wait3A_67, %dma_wait3A_68] : memref<128x128xf32, #tpu.memory_space<vmem>> -> memref<128x128xf32, #tpu.memory_space<vmem>>
      tpu.wait_dma2 semaphore(%run_scoped3A_50 : memref<!tpu.dma_semaphore, #tpu.memory_space<semaphore_mem>>) src(%dma_wait3A_69 : memref<128x128xf32, #tpu.memory_space<vmem>>) dst(%dma_wait3A_66 : memref<128x128xf32, #tpu.memory_space<vmem_shared>>)
      tpu.yield
    }) : () -> ()
    %mul3A_15 = arith.constant 632 : i32
    %mul3A_16 = arith.muli %arg1, %mul3A_15 : i32
    %add3A_17 = arith.constant 384 : i32
    %add3A_18 = arith.addi %mul3A_16, %add3A_17 : i32
    "tpu.region"() ({
      %run_scoped3A_50 = tpu.sem_alloc : memref<!tpu.dma_semaphore, #tpu.memory_space<semaphore_mem>>
      %dma_start3A_51 = arith.constant 0 : i32
      %dma_start3A_52 = arith.constant 0 : i32
      %dma_start3A_53 = tpu.memref_slice %arg6[%dma_start3A_51, %dma_start3A_52] : memref<128x128xf32, #tpu.memory_space<vmem>> -> memref<128x128xf32, #tpu.memory_space<vmem>>
      %dma_start3A_54 = arith.constant 0 : i32
      %dma_start3A_55 = tpu.memref_slice %arg7[%add3A_18, %dma_start3A_54] : memref<10112x128xf32, #tpu.memory_space<vmem_shared>> -> memref<128x128xf32, #tpu.memory_space<vmem_shared>>
      %dma_start3A_56 = arith.constant 0 : i32
      %dma_start3A_57 = tpu.memref_slice %arg7[%add3A_18, %dma_start3A_56] : memref<10112x128xf32, #tpu.memory_space<vmem_shared>> -> memref<128x128xf32, #tpu.memory_space<vmem_shared>>
      %dma_start3A_58 = arith.constant 0 : i32
      %dma_start3A_59 = arith.constant 0 : i32
      %dma_start3A_60 = tpu.memref_slice %arg6[%dma_start3A_58, %dma_start3A_59] : memref<128x128xf32, #tpu.memory_space<vmem>> -> memref<128x128xf32, #tpu.memory_space<vmem>>
      tpu.enqueue_dma source(%dma_start3A_60 : memref<128x128xf32, #tpu.memory_space<vmem>>) target(%dma_start3A_57 : memref<128x128xf32, #tpu.memory_space<vmem_shared>>) target_semaphore(%run_scoped3A_50 : memref<!tpu.dma_semaphore, #tpu.memory_space<semaphore_mem>>)
      %dma_wait3A = arith.constant 0 : i32
      %dma_wait3A_61 = arith.constant 0 : i32
      %dma_wait3A_62 = tpu.memref_slice %arg6[%dma_wait3A, %dma_wait3A_61] : memref<128x128xf32, #tpu.memory_space<vmem>> -> memref<128x128xf32, #tpu.memory_space<vmem>>
      %dma_wait3A_63 = arith.constant 0 : i32
      %dma_wait3A_64 = tpu.memref_slice %arg7[%add3A_18, %dma_wait3A_63] : memref<10112x128xf32, #tpu.memory_space<vmem_shared>> -> memref<128x128xf32, #tpu.memory_space<vmem_shared>>
      %dma_wait3A_65 = arith.constant 0 : i32
      %dma_wait3A_66 = tpu.memref_slice %arg7[%add3A_18, %dma_wait3A_65] : memref<10112x128xf32, #tpu.memory_space<vmem_shared>> -> memref<128x128xf32, #tpu.memory_space<vmem_shared>>
      %dma_wait3A_67 = arith.constant 0 : i32
      %dma_wait3A_68 = arith.constant 0 : i32
      %dma_wait3A_69 = tpu.memref_slice %arg6[%dma_wait3A_67, %dma_wait3A_68] : memref<128x128xf32, #tpu.memory_space<vmem>> -> memref<128x128xf32, #tpu.memory_space<vmem>>
      tpu.wait_dma2 semaphore(%run_scoped3A_50 : memref<!tpu.dma_semaphore, #tpu.memory_space<semaphore_mem>>) src(%dma_wait3A_69 : memref<128x128xf32, #tpu.memory_space<vmem>>) dst(%dma_wait3A_66 : memref<128x128xf32, #tpu.memory_space<vmem_shared>>)
      tpu.yield
    }) : () -> ()
    %mul3A_19 = arith.constant 632 : i32
    %mul3A_20 = arith.muli %arg1, %mul3A_19 : i32
    %add3A_21 = arith.constant 512 : i32
    %add3A_22 = arith.addi %mul3A_20, %add3A_21 : i32
    "tpu.region"() ({
      %run_scoped3A_50 = tpu.sem_alloc : memref<!tpu.dma_semaphore, #tpu.memory_space<semaphore_mem>>
      %dma_start3A_51 = arith.constant 0 : i32
      %dma_start3A_52 = arith.constant 0 : i32
      %dma_start3A_53 = tpu.memref_slice %arg6[%dma_start3A_51, %dma_start3A_52] : memref<128x128xf32, #tpu.memory_space<vmem>> -> memref<120x128xf32, #tpu.memory_space<vmem>>
      %dma_start3A_54 = arith.constant 0 : i32
      %dma_start3A_55 = tpu.memref_slice %arg7[%add3A_22, %dma_start3A_54] : memref<10112x128xf32, #tpu.memory_space<vmem_shared>> -> memref<120x128xf32, #tpu.memory_space<vmem_shared>>
      %dma_start3A_56 = arith.constant 0 : i32
      %dma_start3A_57 = tpu.memref_slice %arg7[%add3A_22, %dma_start3A_56] : memref<10112x128xf32, #tpu.memory_space<vmem_shared>> -> memref<120x128xf32, #tpu.memory_space<vmem_shared>>
      %dma_start3A_58 = arith.constant 0 : i32
      %dma_start3A_59 = arith.constant 0 : i32
      %dma_start3A_60 = tpu.memref_slice %arg6[%dma_start3A_58, %dma_start3A_59] : memref<128x128xf32, #tpu.memory_space<vmem>> -> memref<120x128xf32, #tpu.memory_space<vmem>>
      tpu.enqueue_dma source(%dma_start3A_60 : memref<120x128xf32, #tpu.memory_space<vmem>>) target(%dma_start3A_57 : memref<120x128xf32, #tpu.memory_space<vmem_shared>>) target_semaphore(%run_scoped3A_50 : memref<!tpu.dma_semaphore, #tpu.memory_space<semaphore_mem>>)
      %dma_wait3A = arith.constant 0 : i32
      %dma_wait3A_61 = arith.constant 0 : i32
      %dma_wait3A_62 = tpu.memref_slice %arg6[%dma_wait3A, %dma_wait3A_61] : memref<128x128xf32, #tpu.memory_space<vmem>> -> memref<120x128xf32, #tpu.memory_space<vmem>>
      %dma_wait3A_63 = arith.constant 0 : i32
      %dma_wait3A_64 = tpu.memref_slice %arg7[%add3A_22, %dma_wait3A_63] : memref<10112x128xf32, #tpu.memory_space<vmem_shared>> -> memref<120x128xf32, #tpu.memory_space<vmem_shared>>
      %dma_wait3A_65 = arith.constant 0 : i32
      %dma_wait3A_66 = tpu.memref_slice %arg7[%add3A_22, %dma_wait3A_65] : memref<10112x128xf32, #tpu.memory_space<vmem_shared>> -> memref<120x128xf32, #tpu.memory_space<vmem_shared>>
      %dma_wait3A_67 = arith.constant 0 : i32
      %dma_wait3A_68 = arith.constant 0 : i32
      %dma_wait3A_69 = tpu.memref_slice %arg6[%dma_wait3A_67, %dma_wait3A_68] : memref<128x128xf32, #tpu.memory_space<vmem>> -> memref<120x128xf32, #tpu.memory_space<vmem>>
      tpu.wait_dma2 semaphore(%run_scoped3A_50 : memref<!tpu.dma_semaphore, #tpu.memory_space<semaphore_mem>>) src(%dma_wait3A_69 : memref<120x128xf32, #tpu.memory_space<vmem>>) dst(%dma_wait3A_66 : memref<120x128xf32, #tpu.memory_space<vmem_shared>>)
      tpu.yield
    }) : () -> ()
    %run_scoped3A_23 = arith.constant 0 : i32
    "tpu.region"() ({
      %run_scoped3A_50 = tpu.sem_alloc : memref<!tpu.dma_semaphore, #tpu.memory_space<semaphore_mem>>
      %dma_start3A_51 = arith.constant 0 : i32
      %dma_start3A_52 = arith.constant 0 : i32
      %dma_start3A_53 = tpu.memref_slice %arg2[%run_scoped3A_23, %dma_start3A_51, %dma_start3A_52] : memref<2x128x128xf32, #tpu.memory_space<hbm>> -> memref<1x128x128xf32, #tpu.memory_space<hbm>>
      %dma_start3A_54 = tpu.memref_squeeze %dma_start3A_53 : memref<1x128x128xf32, #tpu.memory_space<hbm>> -> memref<128x128xf32, #tpu.memory_space<hbm>>
      %dma_start3A_55 = arith.constant 0 : i32
      %dma_start3A_56 = arith.constant 0 : i32
      %dma_start3A_57 = tpu.memref_slice %arg2[%run_scoped3A_23, %dma_start3A_55, %dma_start3A_56] : memref<2x128x128xf32, #tpu.memory_space<hbm>> -> memref<1x128x128xf32, #tpu.memory_space<hbm>>
      %dma_start3A_58 = tpu.memref_squeeze %dma_start3A_57 : memref<1x128x128xf32, #tpu.memory_space<hbm>> -> memref<128x128xf32, #tpu.memory_space<hbm>>
      tpu.enqueue_dma source(%dma_start3A_58 : memref<128x128xf32, #tpu.memory_space<hbm>>) target(%arg6 : memref<128x128xf32, #tpu.memory_space<vmem>>) target_semaphore(%run_scoped3A_50 : memref<!tpu.dma_semaphore, #tpu.memory_space<semaphore_mem>>)
      %dma_wait3A = arith.constant 0 : i32
      %dma_wait3A_59 = arith.constant 0 : i32
      %dma_wait3A_60 = tpu.memref_slice %arg2[%run_scoped3A_23, %dma_wait3A, %dma_wait3A_59] : memref<2x128x128xf32, #tpu.memory_space<hbm>> -> memref<1x128x128xf32, #tpu.memory_space<hbm>>
      %dma_wait3A_61 = tpu.memref_squeeze %dma_wait3A_60 : memref<1x128x128xf32, #tpu.memory_space<hbm>> -> memref<128x128xf32, #tpu.memory_space<hbm>>
      %dma_wait3A_62 = arith.constant 0 : i32
      %dma_wait3A_63 = arith.constant 0 : i32
      %dma_wait3A_64 = tpu.memref_slice %arg2[%run_scoped3A_23, %dma_wait3A_62, %dma_wait3A_63] : memref<2x128x128xf32, #tpu.memory_space<hbm>> -> memref<1x128x128xf32, #tpu.memory_space<hbm>>
      %dma_wait3A_65 = tpu.memref_squeeze %dma_wait3A_64 : memref<1x128x128xf32, #tpu.memory_space<hbm>> -> memref<128x128xf32, #tpu.memory_space<hbm>>
      tpu.wait_dma2 semaphore(%run_scoped3A_50 : memref<!tpu.dma_semaphore, #tpu.memory_space<semaphore_mem>>) src(%dma_wait3A_65 : memref<128x128xf32, #tpu.memory_space<hbm>>) dst(%arg6 : memref<128x128xf32, #tpu.memory_space<vmem>>)
      tpu.yield
    }) : () -> ()
    %barrier3A = arith.constant 0 : index
    tpu.barrier barrier_id(%barrier3A)
    %run_scoped3A_24 = arith.constant 0 : i32
    "tpu.region"() ({
      %run_scoped3A_50 = tpu.sem_alloc : memref<!tpu.dma_semaphore, #tpu.memory_space<semaphore_mem>>
      %dma_start3A_51 = arith.constant 0 : i32
      %dma_start3A_52 = tpu.memref_slice %arg5[%run_scoped3A_24, %dma_start3A_51] : memref<2x128xi32, #tpu.memory_space<vmem>> -> memref<1x128xi32, #tpu.memory_space<vmem>>
      %dma_start3A_53 = tpu.memref_squeeze %dma_start3A_52 : memref<1x128xi32, #tpu.memory_space<vmem>> -> memref<128xi32, #tpu.memory_space<vmem>>
      %dma_start3A_54 = arith.constant 0 : i32
      %dma_start3A_55 = tpu.memref_slice %arg3[%mul3A_2, %dma_start3A_54] : memref<2528x128xi32, #tpu.memory_space<hbm>> -> memref<1x128xi32, #tpu.memory_space<hbm>>
      %dma_start3A_56 = tpu.memref_squeeze %dma_start3A_55 : memref<1x128xi32, #tpu.memory_space<hbm>> -> memref<128xi32, #tpu.memory_space<hbm>>
      %dma_start3A_57 = arith.constant 0 : i32
      %dma_start3A_58 = tpu.memref_slice %arg5[%run_scoped3A_24, %dma_start3A_57] : memref<2x128xi32, #tpu.memory_space<vmem>> -> memref<1x128xi32, #tpu.memory_space<vmem>>
      %dma_start3A_59 = tpu.memref_squeeze %dma_start3A_58 : memref<1x128xi32, #tpu.memory_space<vmem>> -> memref<128xi32, #tpu.memory_space<vmem>>
      %dma_start3A_60 = arith.constant 0 : i32
      %dma_start3A_61 = tpu.memref_slice %arg3[%mul3A_2, %dma_start3A_60] : memref<2528x128xi32, #tpu.memory_space<hbm>> -> memref<1x128xi32, #tpu.memory_space<hbm>>
      %dma_start3A_62 = tpu.memref_squeeze %dma_start3A_61 : memref<1x128xi32, #tpu.memory_space<hbm>> -> memref<128xi32, #tpu.memory_space<hbm>>
      tpu.enqueue_dma source(%dma_start3A_62 : memref<128xi32, #tpu.memory_space<hbm>>) target(%dma_start3A_59 : memref<128xi32, #tpu.memory_space<vmem>>) target_semaphore(%run_scoped3A_50 : memref<!tpu.dma_semaphore, #tpu.memory_space<semaphore_mem>>)
      %dma_wait3A = arith.constant 0 : i32
      %dma_wait3A_63 = tpu.memref_slice %arg5[%run_scoped3A_24, %dma_wait3A] : memref<2x128xi32, #tpu.memory_space<vmem>> -> memref<1x128xi32, #tpu.memory_space<vmem>>
      %dma_wait3A_64 = tpu.memref_squeeze %dma_wait3A_63 : memref<1x128xi32, #tpu.memory_space<vmem>> -> memref<128xi32, #tpu.memory_space<vmem>>
      %dma_wait3A_65 = arith.constant 0 : i32
      %dma_wait3A_66 = tpu.memref_slice %arg3[%mul3A_2, %dma_wait3A_65] : memref<2528x128xi32, #tpu.memory_space<hbm>> -> memref<1x128xi32, #tpu.memory_space<hbm>>
      %dma_wait3A_67 = tpu.memref_squeeze %dma_wait3A_66 : memref<1x128xi32, #tpu.memory_space<hbm>> -> memref<128xi32, #tpu.memory_space<hbm>>
      %dma_wait3A_68 = arith.constant 0 : i32
      %dma_wait3A_69 = tpu.memref_slice %arg5[%run_scoped3A_24, %dma_wait3A_68] : memref<2x128xi32, #tpu.memory_space<vmem>> -> memref<1x128xi32, #tpu.memory_space<vmem>>
      %dma_wait3A_70 = tpu.memref_squeeze %dma_wait3A_69 : memref<1x128xi32, #tpu.memory_space<vmem>> -> memref<128xi32, #tpu.memory_space<vmem>>
      %dma_wait3A_71 = arith.constant 0 : i32
      %dma_wait3A_72 = tpu.memref_slice %arg3[%mul3A_2, %dma_wait3A_71] : memref<2528x128xi32, #tpu.memory_space<hbm>> -> memref<1x128xi32, #tpu.memory_space<hbm>>
      %dma_wait3A_73 = tpu.memref_squeeze %dma_wait3A_72 : memref<1x128xi32, #tpu.memory_space<hbm>> -> memref<128xi32, #tpu.memory_space<hbm>>
      tpu.wait_dma2 semaphore(%run_scoped3A_50 : memref<!tpu.dma_semaphore, #tpu.memory_space<semaphore_mem>>) src(%dma_wait3A_73 : memref<128xi32, #tpu.memory_space<hbm>>) dst(%dma_wait3A_70 : memref<128xi32, #tpu.memory_space<vmem>>)
      tpu.yield
    }) : () -> ()
    %add3A_25 = arith.constant 1 : i32
    %add3A_26 = arith.addi %mul3A_2, %add3A_25 : i32
    %dma_start3A = arith.constant 1 : i32
    %dma_start3A_27 = arith.constant 0 : i32
    %dma_start3A_28 = tpu.memref_slice %arg5[%dma_start3A, %dma_start3A_27] : memref<2x128xi32, #tpu.memory_space<vmem>> -> memref<1x128xi32, #tpu.memory_space<vmem>>
    %dma_start3A_29 = tpu.memref_squeeze %dma_start3A_28 : memref<1x128xi32, #tpu.memory_space<vmem>> -> memref<128xi32, #tpu.memory_space<vmem>>
    %dma_start3A_30 = arith.constant 0 : i32
    %dma_start3A_31 = tpu.memref_slice %arg3[%add3A_26, %dma_start3A_30] : memref<2528x128xi32, #tpu.memory_space<hbm>> -> memref<1x128xi32, #tpu.memory_space<hbm>>
    %dma_start3A_32 = tpu.memref_squeeze %dma_start3A_31 : memref<1x128xi32, #tpu.memory_space<hbm>> -> memref<128xi32, #tpu.memory_space<hbm>>
    %dma_start3A_33 = arith.constant 0 : i32
    %dma_start3A_34 = tpu.memref_slice %arg5[%dma_start3A, %dma_start3A_33] : memref<2x128xi32, #tpu.memory_space<vmem>> -> memref<1x128xi32, #tpu.memory_space<vmem>>
    %dma_start3A_35 = tpu.memref_squeeze %dma_start3A_34 : memref<1x128xi32, #tpu.memory_space<vmem>> -> memref<128xi32, #tpu.memory_space<vmem>>
    %dma_start3A_36 = arith.constant 0 : i32
    %dma_start3A_37 = tpu.memref_slice %arg3[%add3A_26, %dma_start3A_36] : memref<2528x128xi32, #tpu.memory_space<hbm>> -> memref<1x128xi32, #tpu.memory_space<hbm>>
    %dma_start3A_38 = tpu.memref_squeeze %dma_start3A_37 : memref<1x128xi32, #tpu.memory_space<hbm>> -> memref<128xi32, #tpu.memory_space<hbm>>
    tpu.enqueue_dma source(%dma_start3A_38 : memref<128xi32, #tpu.memory_space<hbm>>) target(%dma_start3A_35 : memref<128xi32, #tpu.memory_space<vmem>>) target_semaphore(%arg8 : memref<!tpu.dma_semaphore, #tpu.memory_space<semaphore_mem>>)
    %scan3A = arith.constant 0 : i32
    %scan3A_39 = arith.constant 0 : i32
    %scan3A_40 = arith.constant 79 : i32
    %scan3A_41 = arith.addi %scan3A_39, %scan3A_40 : i32
    %scan3A_42 = arith.constant 1 : i32
    %scan3A_43 = scf.for %scan3A_50 = %scan3A_39 to %scan3A_41 step %scan3A_42 iter_args(%scan3A_51 = %scan3A) -> (i32)  : i32 {
      %rem3A = arith.constant 2 : i32
      %rem3A_52 = arith.remsi %scan3A_50, %rem3A : i32
      "tpu.region"() ({
        %run_scoped3A_65 = tpu.sem_alloc : memref<!tpu.dma_semaphore, #tpu.memory_space<semaphore_mem>>
        %dma_start3A_66 = arith.constant 0 : i32
        %dma_start3A_67 = tpu.memref_slice %arg5[%rem3A_52, %dma_start3A_66] : memref<2x128xi32, #tpu.memory_space<vmem>> -> memref<1x128xi32, #tpu.memory_space<vmem>>
        %dma_start3A_68 = tpu.memref_squeeze %dma_start3A_67 : memref<1x128xi32, #tpu.memory_space<vmem>> -> memref<128xi32, #tpu.memory_space<vmem>>
        %dma_start3A_69 = arith.constant 0 : i32
        %dma_start3A_70 = arith.constant 0 : i32
        %dma_start3A_71 = tpu.memref_slice %arg7[%dma_start3A_69, %dma_start3A_70] : memref<10112x128xf32, #tpu.memory_space<vmem_shared>> -> memref<10112x128xf32, #tpu.memory_space<vmem_shared>>
        tpu.enqueue_indirect_dma source(%arg6 : memref<128x128xf32, #tpu.memory_space<vmem>>) target(%dma_start3A_71 : memref<10112x128xf32, #tpu.memory_space<vmem_shared>>) offsets(%dma_start3A_68 : memref<128xi32, #tpu.memory_space<vmem>>) semaphore(%run_scoped3A_65 : memref<!tpu.dma_semaphore, #tpu.memory_space<semaphore_mem>>) {add = true}
        %dma_wait3A = arith.constant 0 : i32
        %dma_wait3A_72 = tpu.memref_slice %arg5[%rem3A_52, %dma_wait3A] : memref<2x128xi32, #tpu.memory_space<vmem>> -> memref<1x128xi32, #tpu.memory_space<vmem>>
        %dma_wait3A_73 = tpu.memref_squeeze %dma_wait3A_72 : memref<1x128xi32, #tpu.memory_space<vmem>> -> memref<128xi32, #tpu.memory_space<vmem>>
        %dma_wait3A_74 = arith.constant 0 : i32
        %dma_wait3A_75 = arith.constant 0 : i32
        %dma_wait3A_76 = tpu.memref_slice %arg7[%dma_wait3A_74, %dma_wait3A_75] : memref<10112x128xf32, #tpu.memory_space<vmem_shared>> -> memref<10112x128xf32, #tpu.memory_space<vmem_shared>>
        tpu.wait_indirect_dma semaphore(%run_scoped3A_65 : memref<!tpu.dma_semaphore, #tpu.memory_space<semaphore_mem>>) src(%arg6 : memref<128x128xf32, #tpu.memory_space<vmem>>) dst(%dma_wait3A_76 : memref<10112x128xf32, #tpu.memory_space<vmem_shared>>)
        tpu.yield
      }) : () -> ()
      %add3A_53 = arith.constant 1 : i32
      %add3A_54 = arith.addi %scan3A_50, %add3A_53 : i32
      %lt3A = arith.constant 79 : i32
      %lt3A_55 = arith.cmpi slt, %add3A_54, %lt3A : i32
      %convert_element_type3A = arith.extui %lt3A_55 : i1 to i32
      %cond3A = arith.constant 0 : i32
      %cond3A_56 = arith.cmpi ne, %convert_element_type3A, %cond3A : i32
      scf.if %cond3A_56 {
        %add3A_65 = arith.addi %mul3A_2, %scan3A_50 : i32
        %add3A_66 = arith.constant 1 : i32
        %add3A_67 = arith.addi %add3A_65, %add3A_66 : i32
        %sub3A = arith.constant 1 : i32
        %sub3A_68 = arith.subi %sub3A, %rem3A_52 : i32
        %dma_wait3A = arith.constant 0 : i32
        %dma_wait3A_69 = tpu.memref_slice %arg5[%sub3A_68, %dma_wait3A] : memref<2x128xi32, #tpu.memory_space<vmem>> -> memref<1x128xi32, #tpu.memory_space<vmem>>
        %dma_wait3A_70 = tpu.memref_squeeze %dma_wait3A_69 : memref<1x128xi32, #tpu.memory_space<vmem>> -> memref<128xi32, #tpu.memory_space<vmem>>
        %dma_wait3A_71 = arith.constant 0 : i32
        %dma_wait3A_72 = tpu.memref_slice %arg3[%add3A_67, %dma_wait3A_71] : memref<2528x128xi32, #tpu.memory_space<hbm>> -> memref<1x128xi32, #tpu.memory_space<hbm>>
        %dma_wait3A_73 = tpu.memref_squeeze %dma_wait3A_72 : memref<1x128xi32, #tpu.memory_space<hbm>> -> memref<128xi32, #tpu.memory_space<hbm>>
        %dma_wait3A_74 = arith.constant 0 : i32
        %dma_wait3A_75 = tpu.memref_slice %arg5[%sub3A_68, %dma_wait3A_74] : memref<2x128xi32, #tpu.memory_space<vmem>> -> memref<1x128xi32, #tpu.memory_space<vmem>>
        %dma_wait3A_76 = tpu.memref_squeeze %dma_wait3A_75 : memref<1x128xi32, #tpu.memory_space<vmem>> -> memref<128xi32, #tpu.memory_space<vmem>>
        %dma_wait3A_77 = arith.constant 0 : i32
        %dma_wait3A_78 = tpu.memref_slice %arg3[%add3A_67, %dma_wait3A_77] : memref<2528x128xi32, #tpu.memory_space<hbm>> -> memref<1x128xi32, #tpu.memory_space<hbm>>
        %dma_wait3A_79 = tpu.memref_squeeze %dma_wait3A_78 : memref<1x128xi32, #tpu.memory_space<hbm>> -> memref<128xi32, #tpu.memory_space<hbm>>
        tpu.wait_dma2 semaphore(%arg8 : memref<!tpu.dma_semaphore, #tpu.memory_space<semaphore_mem>>) src(%dma_wait3A_79 : memref<128xi32, #tpu.memory_space<hbm>>) dst(%dma_wait3A_76 : memref<128xi32, #tpu.memory_space<vmem>>)
      } else {
      }
      %add3A_57 = arith.constant 2 : i32
      %add3A_58 = arith.addi %scan3A_50, %add3A_57 : i32
      %lt3A_59 = arith.constant 79 : i32
      %lt3A_60 = arith.cmpi slt, %add3A_58, %lt3A_59 : i32
      %convert_element_type3A_61 = arith.extui %lt3A_60 : i1 to i32
      %cond3A_62 = arith.constant 0 : i32
      %cond3A_63 = arith.cmpi ne, %convert_element_type3A_61, %cond3A_62 : i32
      scf.if %cond3A_63 {
        %add3A_65 = arith.addi %mul3A_2, %scan3A_50 : i32
        %add3A_66 = arith.constant 2 : i32
        %add3A_67 = arith.addi %add3A_65, %add3A_66 : i32
        %dma_start3A_68 = arith.constant 0 : i32
        %dma_start3A_69 = tpu.memref_slice %arg5[%rem3A_52, %dma_start3A_68] : memref<2x128xi32, #tpu.memory_space<vmem>> -> memref<1x128xi32, #tpu.memory_space<vmem>>
        %dma_start3A_70 = tpu.memref_squeeze %dma_start3A_69 : memref<1x128xi32, #tpu.memory_space<vmem>> -> memref<128xi32, #tpu.memory_space<vmem>>
        %dma_start3A_71 = arith.constant 0 : i32
        %dma_start3A_72 = tpu.memref_slice %arg3[%add3A_67, %dma_start3A_71] : memref<2528x128xi32, #tpu.memory_space<hbm>> -> memref<1x128xi32, #tpu.memory_space<hbm>>
        %dma_start3A_73 = tpu.memref_squeeze %dma_start3A_72 : memref<1x128xi32, #tpu.memory_space<hbm>> -> memref<128xi32, #tpu.memory_space<hbm>>
        %dma_start3A_74 = arith.constant 0 : i32
        %dma_start3A_75 = tpu.memref_slice %arg5[%rem3A_52, %dma_start3A_74] : memref<2x128xi32, #tpu.memory_space<vmem>> -> memref<1x128xi32, #tpu.memory_space<vmem>>
        %dma_start3A_76 = tpu.memref_squeeze %dma_start3A_75 : memref<1x128xi32, #tpu.memory_space<vmem>> -> memref<128xi32, #tpu.memory_space<vmem>>
        %dma_start3A_77 = arith.constant 0 : i32
        %dma_start3A_78 = tpu.memref_slice %arg3[%add3A_67, %dma_start3A_77] : memref<2528x128xi32, #tpu.memory_space<hbm>> -> memref<1x128xi32, #tpu.memory_space<hbm>>
        %dma_start3A_79 = tpu.memref_squeeze %dma_start3A_78 : memref<1x128xi32, #tpu.memory_space<hbm>> -> memref<128xi32, #tpu.memory_space<hbm>>
        tpu.enqueue_dma source(%dma_start3A_79 : memref<128xi32, #tpu.memory_space<hbm>>) target(%dma_start3A_76 : memref<128xi32, #tpu.memory_space<vmem>>) target_semaphore(%arg8 : memref<!tpu.dma_semaphore, #tpu.memory_space<semaphore_mem>>)
      } else {
      }
      %scan3A_64 = arith.constant 0 : i32
      scf.yield %scan3A_64 : i32
    }
    %scan3A_44 = arith.constant 79 : i32
    %barrier3A_45 = arith.constant 0 : index
    tpu.barrier barrier_id(%barrier3A_45)
    %mul3A_46 = arith.constant 632 : i32
    %mul3A_47 = arith.muli %arg1, %mul3A_46 : i32
    %mul3A_48 = arith.constant 632 : i32
    %mul3A_49 = arith.muli %arg1, %mul3A_48 : i32
    "tpu.region"() ({
      %run_scoped3A_50 = tpu.sem_alloc : memref<!tpu.dma_semaphore, #tpu.memory_space<semaphore_mem>>
      %dma_start3A_51 = arith.constant 0 : i32
      %dma_start3A_52 = tpu.memref_slice %arg4[%arg0, %mul3A_49, %dma_start3A_51] : memref<2x10112x128xf32, #tpu.memory_space<hbm>> -> memref<1x632x128xf32, #tpu.memory_space<hbm>>
      %dma_start3A_53 = tpu.memref_squeeze %dma_start3A_52 : memref<1x632x128xf32, #tpu.memory_space<hbm>> -> memref<632x128xf32, #tpu.memory_space<hbm>>
      %dma_start3A_54 = arith.constant 0 : i32
      %dma_start3A_55 = tpu.memref_slice %arg7[%mul3A_47, %dma_start3A_54] : memref<10112x128xf32, #tpu.memory_space<vmem_shared>> -> memref<632x128xf32, #tpu.memory_space<vmem_shared>>
      tpu.enqueue_dma source(%dma_start3A_55 : memref<632x128xf32, #tpu.memory_space<vmem_shared>>) target(%dma_start3A_53 : memref<632x128xf32, #tpu.memory_space<hbm>>) target_semaphore(%run_scoped3A_50 : memref<!tpu.dma_semaphore, #tpu.memory_space<semaphore_mem>>)
      %dma_wait3A = arith.constant 0 : i32
      %dma_wait3A_56 = tpu.memref_slice %arg4[%arg0, %mul3A_49, %dma_wait3A] : memref<2x10112x128xf32, #tpu.memory_space<hbm>> -> memref<1x632x128xf32, #tpu.memory_space<hbm>>
      %dma_wait3A_57 = tpu.memref_squeeze %dma_wait3A_56 : memref<1x632x128xf32, #tpu.memory_space<hbm>> -> memref<632x128xf32, #tpu.memory_space<hbm>>
      %dma_wait3A_58 = arith.constant 0 : i32
      %dma_wait3A_59 = tpu.memref_slice %arg7[%mul3A_47, %dma_wait3A_58] : memref<10112x128xf32, #tpu.memory_space<vmem_shared>> -> memref<632x128xf32, #tpu.memory_space<vmem_shared>>
      tpu.wait_dma2 semaphore(%run_scoped3A_50 : memref<!tpu.dma_semaphore, #tpu.memory_space<semaphore_mem>>) src(%dma_wait3A_59 : memref<632x128xf32, #tpu.memory_space<vmem_shared>>) dst(%dma_wait3A_57 : memref<632x128xf32, #tpu.memory_space<hbm>>)
      tpu.yield
    }) : () -> ()
    return
  }
}

#map = affine_map<(d0, d1) -> (0, 0)>
#map1 = affine_map<(d0, d1) -> (0, 0, 0)>
module attributes {stable_mosaic.version = 14 : i64} {
  func.func @_scatter_kernel(%arg0: i32, %arg1: i32, %arg2: memref<10112x128xf32, #tpu.memory_space<hbm>>, %arg3: memref<2528x128xi32, #tpu.memory_space<hbm>>, %arg4: memref<2528x128xi32, #tpu.memory_space<hbm>>, %arg5: memref<2x10112x128xf32, #tpu.memory_space<hbm>>, %arg6: memref<3x128xi32, #tpu.memory_space<vmem>>, %arg7: memref<3x128xi32, #tpu.memory_space<vmem>>, %arg8: memref<3x128x128xf32, #tpu.memory_space<vmem>>, %arg9: memref<10112x128xf32, #tpu.memory_space<vmem_shared>>, %arg10: memref<!tpu.dma_semaphore, #tpu.memory_space<semaphore_mem>>, %arg11: memref<!tpu.dma_semaphore, #tpu.memory_space<semaphore_mem>>) attributes {dimension_semantics = [#tpu.dimension_semantics<core_parallel>, #tpu.dimension_semantics<subcore_parallel>], iteration_bounds = array<i64: 2, 16>, scalar_prefetch = 0 : i64, scratch_operands = 6 : i64, tpu.core_type = #tpu.core_type<sc_vector_subcore>, window_params = [{transform_indices = #map}, {transform_indices = #map}, {transform_indices = #map}, {transform_indices = #map1}]} {
    %mul3A = arith.constant 158 : i32
    %mul3A_0 = arith.muli %arg1, %mul3A : i32
    %mul3A_1 = arith.constant 138 : i32
    %mul3A_2 = arith.muli %arg0, %mul3A_1 : i32
    %add3A = arith.addi %mul3A_0, %mul3A_2 : i32
    %eq3A = arith.constant 0 : i32
    %eq3A_3 = arith.cmpi eq, %arg0, %eq3A : i32
    %jit3A = arith.constant 138 : i32
    %jit3A_4 = arith.constant 20 : i32
    %select_n3A = arith.select %eq3A_3, %jit3A, %jit3A_4 : i32
    %broadcast_in_dim3A = arith.constant 0.000000e+00 : f32
    %broadcast_in_dim3A_5 = vector.broadcast %broadcast_in_dim3A : f32 to vector<16xf32>
    %scan3A = arith.constant 0 : i32
    %scan3A_6 = arith.constant 0 : i32
    %scan3A_7 = arith.constant 128 : i32
    %scan3A_8 = arith.addi %scan3A_6, %scan3A_7 : i32
    %scan3A_9 = arith.constant 1 : i32
    %scan3A_10 = scf.for %scan3A_64 = %scan3A_6 to %scan3A_8 step %scan3A_9 iter_args(%scan3A_65 = %scan3A) -> (i32)  : i32 {
      %scan3A_66 = arith.constant 0 : i32
      %scan3A_67 = arith.constant 0 : i32
      %scan3A_68 = arith.constant 8 : i32
      %scan3A_69 = arith.addi %scan3A_67, %scan3A_68 : i32
      %scan3A_70 = arith.constant 1 : i32
      %scan3A_71 = scf.for %scan3A_73 = %scan3A_67 to %scan3A_69 step %scan3A_70 iter_args(%scan3A_74 = %scan3A_66) -> (i32)  : i32 {
        %mul3A_75 = arith.constant 16 : i32
        %mul3A_76 = arith.muli %scan3A_73, %mul3A_75 : i32
        %swap3A = arith.constant 0 : i32
        %swap3A_77 = arith.index_cast %swap3A : i32 to index
        %swap3A_78 = arith.index_cast %scan3A_64 : i32 to index
        %swap3A_79 = arith.index_cast %mul3A_76 : i32 to index
        %swap3A_80 = tpu.vector_load %arg8[%swap3A_77, %swap3A_78, %swap3A_79] {strides = array<i32>} : memref<3x128x128xf32, #tpu.memory_space<vmem>>, vector<1x1x16xf32>,
        %swap3A_81 = vector.shape_cast %swap3A_80 : vector<1x1x16xf32> to vector<16xf32>
        %swap3A_82 = vector.shape_cast %broadcast_in_dim3A_5 : vector<16xf32> to vector<1x1x16xf32>
        tpu.vector_store %arg8[%swap3A_77, %swap3A_78, %swap3A_79], %swap3A_82 {strides = array<i32>} : memref<3x128x128xf32, #tpu.memory_space<vmem>>, vector<1x1x16xf32>,
        %scan3A_83 = arith.constant 0 : i32
        scf.yield %scan3A_83 : i32
      }
      %scan3A_72 = arith.constant 8 : i32
      scf.yield %scan3A_71 : i32
    }
    %scan3A_11 = arith.constant 128 : i32
    %mul3A_12 = arith.constant 632 : i32
    %mul3A_13 = arith.muli %arg1, %mul3A_12 : i32
    %add3A_14 = arith.constant 0 : i32
    %add3A_15 = arith.addi %mul3A_13, %add3A_14 : i32
    %run_scoped3A = arith.constant 0 : i32
    "tpu.region"() ({
      %run_scoped3A_64 = tpu.sem_alloc : memref<!tpu.dma_semaphore, #tpu.memory_space<semaphore_mem>>
      %dma_start3A = arith.constant 0 : i32
      %dma_start3A_65 = arith.constant 0 : i32
      %dma_start3A_66 = tpu.memref_slice %arg8[%run_scoped3A, %dma_start3A, %dma_start3A_65] : memref<3x128x128xf32, #tpu.memory_space<vmem>> -> memref<1x128x128xf32, #tpu.memory_space<vmem>>
      %dma_start3A_67 = tpu.memref_squeeze %dma_start3A_66 : memref<1x128x128xf32, #tpu.memory_space<vmem>> -> memref<128x128xf32, #tpu.memory_space<vmem>>
      %dma_start3A_68 = arith.constant 0 : i32
      %dma_start3A_69 = tpu.memref_slice %arg9[%add3A_15, %dma_start3A_68] : memref<10112x128xf32, #tpu.memory_space<vmem_shared>> -> memref<128x128xf32, #tpu.memory_space<vmem_shared>>
      %dma_start3A_70 = arith.constant 0 : i32
      %dma_start3A_71 = tpu.memref_slice %arg9[%add3A_15, %dma_start3A_70] : memref<10112x128xf32, #tpu.memory_space<vmem_shared>> -> memref<128x128xf32, #tpu.memory_space<vmem_shared>>
      %dma_start3A_72 = arith.constant 0 : i32
      %dma_start3A_73 = arith.constant 0 : i32
      %dma_start3A_74 = tpu.memref_slice %arg8[%run_scoped3A, %dma_start3A_72, %dma_start3A_73] : memref<3x128x128xf32, #tpu.memory_space<vmem>> -> memref<1x128x128xf32, #tpu.memory_space<vmem>>
      %dma_start3A_75 = tpu.memref_squeeze %dma_start3A_74 : memref<1x128x128xf32, #tpu.memory_space<vmem>> -> memref<128x128xf32, #tpu.memory_space<vmem>>
      tpu.enqueue_dma source(%dma_start3A_75 : memref<128x128xf32, #tpu.memory_space<vmem>>) target(%dma_start3A_71 : memref<128x128xf32, #tpu.memory_space<vmem_shared>>) target_semaphore(%run_scoped3A_64 : memref<!tpu.dma_semaphore, #tpu.memory_space<semaphore_mem>>)
      %dma_wait3A = arith.constant 0 : i32
      %dma_wait3A_76 = arith.constant 0 : i32
      %dma_wait3A_77 = tpu.memref_slice %arg8[%run_scoped3A, %dma_wait3A, %dma_wait3A_76] : memref<3x128x128xf32, #tpu.memory_space<vmem>> -> memref<1x128x128xf32, #tpu.memory_space<vmem>>
      %dma_wait3A_78 = tpu.memref_squeeze %dma_wait3A_77 : memref<1x128x128xf32, #tpu.memory_space<vmem>> -> memref<128x128xf32, #tpu.memory_space<vmem>>
      %dma_wait3A_79 = arith.constant 0 : i32
      %dma_wait3A_80 = tpu.memref_slice %arg9[%add3A_15, %dma_wait3A_79] : memref<10112x128xf32, #tpu.memory_space<vmem_shared>> -> memref<128x128xf32, #tpu.memory_space<vmem_shared>>
      %dma_wait3A_81 = arith.constant 0 : i32
      %dma_wait3A_82 = tpu.memref_slice %arg9[%add3A_15, %dma_wait3A_81] : memref<10112x128xf32, #tpu.memory_space<vmem_shared>> -> memref<128x128xf32, #tpu.memory_space<vmem_shared>>
      %dma_wait3A_83 = arith.constant 0 : i32
      %dma_wait3A_84 = arith.constant 0 : i32
      %dma_wait3A_85 = tpu.memref_slice %arg8[%run_scoped3A, %dma_wait3A_83, %dma_wait3A_84] : memref<3x128x128xf32, #tpu.memory_space<vmem>> -> memref<1x128x128xf32, #tpu.memory_space<vmem>>
      %dma_wait3A_86 = tpu.memref_squeeze %dma_wait3A_85 : memref<1x128x128xf32, #tpu.memory_space<vmem>> -> memref<128x128xf32, #tpu.memory_space<vmem>>
      tpu.wait_dma2 semaphore(%run_scoped3A_64 : memref<!tpu.dma_semaphore, #tpu.memory_space<semaphore_mem>>) src(%dma_wait3A_86 : memref<128x128xf32, #tpu.memory_space<vmem>>) dst(%dma_wait3A_82 : memref<128x128xf32, #tpu.memory_space<vmem_shared>>)
      tpu.yield
    }) : () -> ()
    %mul3A_16 = arith.constant 632 : i32
    %mul3A_17 = arith.muli %arg1, %mul3A_16 : i32
    %add3A_18 = arith.constant 128 : i32
    %add3A_19 = arith.addi %mul3A_17, %add3A_18 : i32
    %run_scoped3A_20 = arith.constant 0 : i32
    "tpu.region"() ({
      %run_scoped3A_64 = tpu.sem_alloc : memref<!tpu.dma_semaphore, #tpu.memory_space<semaphore_mem>>
      %dma_start3A = arith.constant 0 : i32
      %dma_start3A_65 = arith.constant 0 : i32
      %dma_start3A_66 = tpu.memref_slice %arg8[%run_scoped3A_20, %dma_start3A, %dma_start3A_65] : memref<3x128x128xf32, #tpu.memory_space<vmem>> -> memref<1x128x128xf32, #tpu.memory_space<vmem>>
      %dma_start3A_67 = tpu.memref_squeeze %dma_start3A_66 : memref<1x128x128xf32, #tpu.memory_space<vmem>> -> memref<128x128xf32, #tpu.memory_space<vmem>>
      %dma_start3A_68 = arith.constant 0 : i32
      %dma_start3A_69 = tpu.memref_slice %arg9[%add3A_19, %dma_start3A_68] : memref<10112x128xf32, #tpu.memory_space<vmem_shared>> -> memref<128x128xf32, #tpu.memory_space<vmem_shared>>
      %dma_start3A_70 = arith.constant 0 : i32
      %dma_start3A_71 = tpu.memref_slice %arg9[%add3A_19, %dma_start3A_70] : memref<10112x128xf32, #tpu.memory_space<vmem_shared>> -> memref<128x128xf32, #tpu.memory_space<vmem_shared>>
      %dma_start3A_72 = arith.constant 0 : i32
      %dma_start3A_73 = arith.constant 0 : i32
      %dma_start3A_74 = tpu.memref_slice %arg8[%run_scoped3A_20, %dma_start3A_72, %dma_start3A_73] : memref<3x128x128xf32, #tpu.memory_space<vmem>> -> memref<1x128x128xf32, #tpu.memory_space<vmem>>
      %dma_start3A_75 = tpu.memref_squeeze %dma_start3A_74 : memref<1x128x128xf32, #tpu.memory_space<vmem>> -> memref<128x128xf32, #tpu.memory_space<vmem>>
      tpu.enqueue_dma source(%dma_start3A_75 : memref<128x128xf32, #tpu.memory_space<vmem>>) target(%dma_start3A_71 : memref<128x128xf32, #tpu.memory_space<vmem_shared>>) target_semaphore(%run_scoped3A_64 : memref<!tpu.dma_semaphore, #tpu.memory_space<semaphore_mem>>)
      %dma_wait3A = arith.constant 0 : i32
      %dma_wait3A_76 = arith.constant 0 : i32
      %dma_wait3A_77 = tpu.memref_slice %arg8[%run_scoped3A_20, %dma_wait3A, %dma_wait3A_76] : memref<3x128x128xf32, #tpu.memory_space<vmem>> -> memref<1x128x128xf32, #tpu.memory_space<vmem>>
      %dma_wait3A_78 = tpu.memref_squeeze %dma_wait3A_77 : memref<1x128x128xf32, #tpu.memory_space<vmem>> -> memref<128x128xf32, #tpu.memory_space<vmem>>
      %dma_wait3A_79 = arith.constant 0 : i32
      %dma_wait3A_80 = tpu.memref_slice %arg9[%add3A_19, %dma_wait3A_79] : memref<10112x128xf32, #tpu.memory_space<vmem_shared>> -> memref<128x128xf32, #tpu.memory_space<vmem_shared>>
      %dma_wait3A_81 = arith.constant 0 : i32
      %dma_wait3A_82 = tpu.memref_slice %arg9[%add3A_19, %dma_wait3A_81] : memref<10112x128xf32, #tpu.memory_space<vmem_shared>> -> memref<128x128xf32, #tpu.memory_space<vmem_shared>>
      %dma_wait3A_83 = arith.constant 0 : i32
      %dma_wait3A_84 = arith.constant 0 : i32
      %dma_wait3A_85 = tpu.memref_slice %arg8[%run_scoped3A_20, %dma_wait3A_83, %dma_wait3A_84] : memref<3x128x128xf32, #tpu.memory_space<vmem>> -> memref<1x128x128xf32, #tpu.memory_space<vmem>>
      %dma_wait3A_86 = tpu.memref_squeeze %dma_wait3A_85 : memref<1x128x128xf32, #tpu.memory_space<vmem>> -> memref<128x128xf32, #tpu.memory_space<vmem>>
      tpu.wait_dma2 semaphore(%run_scoped3A_64 : memref<!tpu.dma_semaphore, #tpu.memory_space<semaphore_mem>>) src(%dma_wait3A_86 : memref<128x128xf32, #tpu.memory_space<vmem>>) dst(%dma_wait3A_82 : memref<128x128xf32, #tpu.memory_space<vmem_shared>>)
      tpu.yield
    }) : () -> ()
    %mul3A_21 = arith.constant 632 : i32
    %mul3A_22 = arith.muli %arg1, %mul3A_21 : i32
    %add3A_23 = arith.constant 256 : i32
    %add3A_24 = arith.addi %mul3A_22, %add3A_23 : i32
    %run_scoped3A_25 = arith.constant 0 : i32
    "tpu.region"() ({
      %run_scoped3A_64 = tpu.sem_alloc : memref<!tpu.dma_semaphore, #tpu.memory_space<semaphore_mem>>
      %dma_start3A = arith.constant 0 : i32
      %dma_start3A_65 = arith.constant 0 : i32
      %dma_start3A_66 = tpu.memref_slice %arg8[%run_scoped3A_25, %dma_start3A, %dma_start3A_65] : memref<3x128x128xf32, #tpu.memory_space<vmem>> -> memref<1x128x128xf32, #tpu.memory_space<vmem>>
      %dma_start3A_67 = tpu.memref_squeeze %dma_start3A_66 : memref<1x128x128xf32, #tpu.memory_space<vmem>> -> memref<128x128xf32, #tpu.memory_space<vmem>>
      %dma_start3A_68 = arith.constant 0 : i32
      %dma_start3A_69 = tpu.memref_slice %arg9[%add3A_24, %dma_start3A_68] : memref<10112x128xf32, #tpu.memory_space<vmem_shared>> -> memref<128x128xf32, #tpu.memory_space<vmem_shared>>
      %dma_start3A_70 = arith.constant 0 : i32
      %dma_start3A_71 = tpu.memref_slice %arg9[%add3A_24, %dma_start3A_70] : memref<10112x128xf32, #tpu.memory_space<vmem_shared>> -> memref<128x128xf32, #tpu.memory_space<vmem_shared>>
      %dma_start3A_72 = arith.constant 0 : i32
      %dma_start3A_73 = arith.constant 0 : i32
      %dma_start3A_74 = tpu.memref_slice %arg8[%run_scoped3A_25, %dma_start3A_72, %dma_start3A_73] : memref<3x128x128xf32, #tpu.memory_space<vmem>> -> memref<1x128x128xf32, #tpu.memory_space<vmem>>
      %dma_start3A_75 = tpu.memref_squeeze %dma_start3A_74 : memref<1x128x128xf32, #tpu.memory_space<vmem>> -> memref<128x128xf32, #tpu.memory_space<vmem>>
      tpu.enqueue_dma source(%dma_start3A_75 : memref<128x128xf32, #tpu.memory_space<vmem>>) target(%dma_start3A_71 : memref<128x128xf32, #tpu.memory_space<vmem_shared>>) target_semaphore(%run_scoped3A_64 : memref<!tpu.dma_semaphore, #tpu.memory_space<semaphore_mem>>)
      %dma_wait3A = arith.constant 0 : i32
      %dma_wait3A_76 = arith.constant 0 : i32
      %dma_wait3A_77 = tpu.memref_slice %arg8[%run_scoped3A_25, %dma_wait3A, %dma_wait3A_76] : memref<3x128x128xf32, #tpu.memory_space<vmem>> -> memref<1x128x128xf32, #tpu.memory_space<vmem>>
      %dma_wait3A_78 = tpu.memref_squeeze %dma_wait3A_77 : memref<1x128x128xf32, #tpu.memory_space<vmem>> -> memref<128x128xf32, #tpu.memory_space<vmem>>
      %dma_wait3A_79 = arith.constant 0 : i32
      %dma_wait3A_80 = tpu.memref_slice %arg9[%add3A_24, %dma_wait3A_79] : memref<10112x128xf32, #tpu.memory_space<vmem_shared>> -> memref<128x128xf32, #tpu.memory_space<vmem_shared>>
      %dma_wait3A_81 = arith.constant 0 : i32
      %dma_wait3A_82 = tpu.memref_slice %arg9[%add3A_24, %dma_wait3A_81] : memref<10112x128xf32, #tpu.memory_space<vmem_shared>> -> memref<128x128xf32, #tpu.memory_space<vmem_shared>>
      %dma_wait3A_83 = arith.constant 0 : i32
      %dma_wait3A_84 = arith.constant 0 : i32
      %dma_wait3A_85 = tpu.memref_slice %arg8[%run_scoped3A_25, %dma_wait3A_83, %dma_wait3A_84] : memref<3x128x128xf32, #tpu.memory_space<vmem>> -> memref<1x128x128xf32, #tpu.memory_space<vmem>>
      %dma_wait3A_86 = tpu.memref_squeeze %dma_wait3A_85 : memref<1x128x128xf32, #tpu.memory_space<vmem>> -> memref<128x128xf32, #tpu.memory_space<vmem>>
      tpu.wait_dma2 semaphore(%run_scoped3A_64 : memref<!tpu.dma_semaphore, #tpu.memory_space<semaphore_mem>>) src(%dma_wait3A_86 : memref<128x128xf32, #tpu.memory_space<vmem>>) dst(%dma_wait3A_82 : memref<128x128xf32, #tpu.memory_space<vmem_shared>>)
      tpu.yield
    }) : () -> ()
    %mul3A_26 = arith.constant 632 : i32
    %mul3A_27 = arith.muli %arg1, %mul3A_26 : i32
    %add3A_28 = arith.constant 384 : i32
    %add3A_29 = arith.addi %mul3A_27, %add3A_28 : i32
    %run_scoped3A_30 = arith.constant 0 : i32
    "tpu.region"() ({
      %run_scoped3A_64 = tpu.sem_alloc : memref<!tpu.dma_semaphore, #tpu.memory_space<semaphore_mem>>
      %dma_start3A = arith.constant 0 : i32
      %dma_start3A_65 = arith.constant 0 : i32
      %dma_start3A_66 = tpu.memref_slice %arg8[%run_scoped3A_30, %dma_start3A, %dma_start3A_65] : memref<3x128x128xf32, #tpu.memory_space<vmem>> -> memref<1x128x128xf32, #tpu.memory_space<vmem>>
      %dma_start3A_67 = tpu.memref_squeeze %dma_start3A_66 : memref<1x128x128xf32, #tpu.memory_space<vmem>> -> memref<128x128xf32, #tpu.memory_space<vmem>>
      %dma_start3A_68 = arith.constant 0 : i32
      %dma_start3A_69 = tpu.memref_slice %arg9[%add3A_29, %dma_start3A_68] : memref<10112x128xf32, #tpu.memory_space<vmem_shared>> -> memref<128x128xf32, #tpu.memory_space<vmem_shared>>
      %dma_start3A_70 = arith.constant 0 : i32
      %dma_start3A_71 = tpu.memref_slice %arg9[%add3A_29, %dma_start3A_70] : memref<10112x128xf32, #tpu.memory_space<vmem_shared>> -> memref<128x128xf32, #tpu.memory_space<vmem_shared>>
      %dma_start3A_72 = arith.constant 0 : i32
      %dma_start3A_73 = arith.constant 0 : i32
      %dma_start3A_74 = tpu.memref_slice %arg8[%run_scoped3A_30, %dma_start3A_72, %dma_start3A_73] : memref<3x128x128xf32, #tpu.memory_space<vmem>> -> memref<1x128x128xf32, #tpu.memory_space<vmem>>
      %dma_start3A_75 = tpu.memref_squeeze %dma_start3A_74 : memref<1x128x128xf32, #tpu.memory_space<vmem>> -> memref<128x128xf32, #tpu.memory_space<vmem>>
      tpu.enqueue_dma source(%dma_start3A_75 : memref<128x128xf32, #tpu.memory_space<vmem>>) target(%dma_start3A_71 : memref<128x128xf32, #tpu.memory_space<vmem_shared>>) target_semaphore(%run_scoped3A_64 : memref<!tpu.dma_semaphore, #tpu.memory_space<semaphore_mem>>)
      %dma_wait3A = arith.constant 0 : i32
      %dma_wait3A_76 = arith.constant 0 : i32
      %dma_wait3A_77 = tpu.memref_slice %arg8[%run_scoped3A_30, %dma_wait3A, %dma_wait3A_76] : memref<3x128x128xf32, #tpu.memory_space<vmem>> -> memref<1x128x128xf32, #tpu.memory_space<vmem>>
      %dma_wait3A_78 = tpu.memref_squeeze %dma_wait3A_77 : memref<1x128x128xf32, #tpu.memory_space<vmem>> -> memref<128x128xf32, #tpu.memory_space<vmem>>
      %dma_wait3A_79 = arith.constant 0 : i32
      %dma_wait3A_80 = tpu.memref_slice %arg9[%add3A_29, %dma_wait3A_79] : memref<10112x128xf32, #tpu.memory_space<vmem_shared>> -> memref<128x128xf32, #tpu.memory_space<vmem_shared>>
      %dma_wait3A_81 = arith.constant 0 : i32
      %dma_wait3A_82 = tpu.memref_slice %arg9[%add3A_29, %dma_wait3A_81] : memref<10112x128xf32, #tpu.memory_space<vmem_shared>> -> memref<128x128xf32, #tpu.memory_space<vmem_shared>>
      %dma_wait3A_83 = arith.constant 0 : i32
      %dma_wait3A_84 = arith.constant 0 : i32
      %dma_wait3A_85 = tpu.memref_slice %arg8[%run_scoped3A_30, %dma_wait3A_83, %dma_wait3A_84] : memref<3x128x128xf32, #tpu.memory_space<vmem>> -> memref<1x128x128xf32, #tpu.memory_space<vmem>>
      %dma_wait3A_86 = tpu.memref_squeeze %dma_wait3A_85 : memref<1x128x128xf32, #tpu.memory_space<vmem>> -> memref<128x128xf32, #tpu.memory_space<vmem>>
      tpu.wait_dma2 semaphore(%run_scoped3A_64 : memref<!tpu.dma_semaphore, #tpu.memory_space<semaphore_mem>>) src(%dma_wait3A_86 : memref<128x128xf32, #tpu.memory_space<vmem>>) dst(%dma_wait3A_82 : memref<128x128xf32, #tpu.memory_space<vmem_shared>>)
      tpu.yield
    }) : () -> ()
    %mul3A_31 = arith.constant 632 : i32
    %mul3A_32 = arith.muli %arg1, %mul3A_31 : i32
    %add3A_33 = arith.constant 512 : i32
    %add3A_34 = arith.addi %mul3A_32, %add3A_33 : i32
    %run_scoped3A_35 = arith.constant 0 : i32
    "tpu.region"() ({
      %run_scoped3A_64 = tpu.sem_alloc : memref<!tpu.dma_semaphore, #tpu.memory_space<semaphore_mem>>
      %dma_start3A = arith.constant 0 : i32
      %dma_start3A_65 = arith.constant 0 : i32
      %dma_start3A_66 = tpu.memref_slice %arg8[%run_scoped3A_35, %dma_start3A, %dma_start3A_65] : memref<3x128x128xf32, #tpu.memory_space<vmem>> -> memref<1x120x128xf32, #tpu.memory_space<vmem>>
      %dma_start3A_67 = tpu.memref_squeeze %dma_start3A_66 : memref<1x120x128xf32, #tpu.memory_space<vmem>> -> memref<120x128xf32, #tpu.memory_space<vmem>>
      %dma_start3A_68 = arith.constant 0 : i32
      %dma_start3A_69 = tpu.memref_slice %arg9[%add3A_34, %dma_start3A_68] : memref<10112x128xf32, #tpu.memory_space<vmem_shared>> -> memref<120x128xf32, #tpu.memory_space<vmem_shared>>
      %dma_start3A_70 = arith.constant 0 : i32
      %dma_start3A_71 = tpu.memref_slice %arg9[%add3A_34, %dma_start3A_70] : memref<10112x128xf32, #tpu.memory_space<vmem_shared>> -> memref<120x128xf32, #tpu.memory_space<vmem_shared>>
      %dma_start3A_72 = arith.constant 0 : i32
      %dma_start3A_73 = arith.constant 0 : i32
      %dma_start3A_74 = tpu.memref_slice %arg8[%run_scoped3A_35, %dma_start3A_72, %dma_start3A_73] : memref<3x128x128xf32, #tpu.memory_space<vmem>> -> memref<1x120x128xf32, #tpu.memory_space<vmem>>
      %dma_start3A_75 = tpu.memref_squeeze %dma_start3A_74 : memref<1x120x128xf32, #tpu.memory_space<vmem>> -> memref<120x128xf32, #tpu.memory_space<vmem>>
      tpu.enqueue_dma source(%dma_start3A_75 : memref<120x128xf32, #tpu.memory_space<vmem>>) target(%dma_start3A_71 : memref<120x128xf32, #tpu.memory_space<vmem_shared>>) target_semaphore(%run_scoped3A_64 : memref<!tpu.dma_semaphore, #tpu.memory_space<semaphore_mem>>)
      %dma_wait3A = arith.constant 0 : i32
      %dma_wait3A_76 = arith.constant 0 : i32
      %dma_wait3A_77 = tpu.memref_slice %arg8[%run_scoped3A_35, %dma_wait3A, %dma_wait3A_76] : memref<3x128x128xf32, #tpu.memory_space<vmem>> -> memref<1x120x128xf32, #tpu.memory_space<vmem>>
      %dma_wait3A_78 = tpu.memref_squeeze %dma_wait3A_77 : memref<1x120x128xf32, #tpu.memory_space<vmem>> -> memref<120x128xf32, #tpu.memory_space<vmem>>
      %dma_wait3A_79 = arith.constant 0 : i32
      %dma_wait3A_80 = tpu.memref_slice %arg9[%add3A_34, %dma_wait3A_79] : memref<10112x128xf32, #tpu.memory_space<vmem_shared>> -> memref<120x128xf32, #tpu.memory_space<vmem_shared>>
      %dma_wait3A_81 = arith.constant 0 : i32
      %dma_wait3A_82 = tpu.memref_slice %arg9[%add3A_34, %dma_wait3A_81] : memref<10112x128xf32, #tpu.memory_space<vmem_shared>> -> memref<120x128xf32, #tpu.memory_space<vmem_shared>>
      %dma_wait3A_83 = arith.constant 0 : i32
      %dma_wait3A_84 = arith.constant 0 : i32
      %dma_wait3A_85 = tpu.memref_slice %arg8[%run_scoped3A_35, %dma_wait3A_83, %dma_wait3A_84] : memref<3x128x128xf32, #tpu.memory_space<vmem>> -> memref<1x120x128xf32, #tpu.memory_space<vmem>>
      %dma_wait3A_86 = tpu.memref_squeeze %dma_wait3A_85 : memref<1x120x128xf32, #tpu.memory_space<vmem>> -> memref<120x128xf32, #tpu.memory_space<vmem>>
      tpu.wait_dma2 semaphore(%run_scoped3A_64 : memref<!tpu.dma_semaphore, #tpu.memory_space<semaphore_mem>>) src(%dma_wait3A_86 : memref<120x128xf32, #tpu.memory_space<vmem>>) dst(%dma_wait3A_82 : memref<120x128xf32, #tpu.memory_space<vmem_shared>>)
      tpu.yield
    }) : () -> ()
    %barrier3A = arith.constant 0 : index
    tpu.barrier barrier_id(%barrier3A)
    %gt3A = arith.constant 0 : i32
    %gt3A_36 = arith.cmpi sgt, %select_n3A, %gt3A : i32
    %convert_element_type3A = arith.extui %gt3A_36 : i1 to i32
    %cond3A = arith.constant 0 : i32
    %cond3A_37 = arith.cmpi ne, %convert_element_type3A, %cond3A : i32
    scf.if %cond3A_37 {
      %run_scoped3A_64 = arith.constant 0 : i32
      "tpu.region"() ({
        %run_scoped3A_77 = tpu.sem_alloc : memref<!tpu.dma_semaphore, #tpu.memory_space<semaphore_mem>>
        %dma_start3A_78 = arith.constant 0 : i32
        %dma_start3A_79 = tpu.memref_slice %arg6[%run_scoped3A_64, %dma_start3A_78] : memref<3x128xi32, #tpu.memory_space<vmem>> -> memref<1x128xi32, #tpu.memory_space<vmem>>
        %dma_start3A_80 = tpu.memref_squeeze %dma_start3A_79 : memref<1x128xi32, #tpu.memory_space<vmem>> -> memref<128xi32, #tpu.memory_space<vmem>>
        %dma_start3A_81 = arith.constant 0 : i32
        %dma_start3A_82 = tpu.memref_slice %arg3[%add3A, %dma_start3A_81] : memref<2528x128xi32, #tpu.memory_space<hbm>> -> memref<1x128xi32, #tpu.memory_space<hbm>>
        %dma_start3A_83 = tpu.memref_squeeze %dma_start3A_82 : memref<1x128xi32, #tpu.memory_space<hbm>> -> memref<128xi32, #tpu.memory_space<hbm>>
        %dma_start3A_84 = arith.constant 0 : i32
        %dma_start3A_85 = tpu.memref_slice %arg6[%run_scoped3A_64, %dma_start3A_84] : memref<3x128xi32, #tpu.memory_space<vmem>> -> memref<1x128xi32, #tpu.memory_space<vmem>>
        %dma_start3A_86 = tpu.memref_squeeze %dma_start3A_85 : memref<1x128xi32, #tpu.memory_space<vmem>> -> memref<128xi32, #tpu.memory_space<vmem>>
        %dma_start3A_87 = arith.constant 0 : i32
        %dma_start3A_88 = tpu.memref_slice %arg3[%add3A, %dma_start3A_87] : memref<2528x128xi32, #tpu.memory_space<hbm>> -> memref<1x128xi32, #tpu.memory_space<hbm>>
        %dma_start3A_89 = tpu.memref_squeeze %dma_start3A_88 : memref<1x128xi32, #tpu.memory_space<hbm>> -> memref<128xi32, #tpu.memory_space<hbm>>
        tpu.enqueue_dma source(%dma_start3A_89 : memref<128xi32, #tpu.memory_space<hbm>>) target(%dma_start3A_86 : memref<128xi32, #tpu.memory_space<vmem>>) target_semaphore(%run_scoped3A_77 : memref<!tpu.dma_semaphore, #tpu.memory_space<semaphore_mem>>)
        %dma_wait3A = arith.constant 0 : i32
        %dma_wait3A_90 = tpu.memref_slice %arg6[%run_scoped3A_64, %dma_wait3A] : memref<3x128xi32, #tpu.memory_space<vmem>> -> memref<1x128xi32, #tpu.memory_space<vmem>>
        %dma_wait3A_91 = tpu.memref_squeeze %dma_wait3A_90 : memref<1x128xi32, #tpu.memory_space<vmem>> -> memref<128xi32, #tpu.memory_space<vmem>>
        %dma_wait3A_92 = arith.constant 0 : i32
        %dma_wait3A_93 = tpu.memref_slice %arg3[%add3A, %dma_wait3A_92] : memref<2528x128xi32, #tpu.memory_space<hbm>> -> memref<1x128xi32, #tpu.memory_space<hbm>>
        %dma_wait3A_94 = tpu.memref_squeeze %dma_wait3A_93 : memref<1x128xi32, #tpu.memory_space<hbm>> -> memref<128xi32, #tpu.memory_space<hbm>>
        %dma_wait3A_95 = arith.constant 0 : i32
        %dma_wait3A_96 = tpu.memref_slice %arg6[%run_scoped3A_64, %dma_wait3A_95] : memref<3x128xi32, #tpu.memory_space<vmem>> -> memref<1x128xi32, #tpu.memory_space<vmem>>
        %dma_wait3A_97 = tpu.memref_squeeze %dma_wait3A_96 : memref<1x128xi32, #tpu.memory_space<vmem>> -> memref<128xi32, #tpu.memory_space<vmem>>
        %dma_wait3A_98 = arith.constant 0 : i32
        %dma_wait3A_99 = tpu.memref_slice %arg3[%add3A, %dma_wait3A_98] : memref<2528x128xi32, #tpu.memory_space<hbm>> -> memref<1x128xi32, #tpu.memory_space<hbm>>
        %dma_wait3A_100 = tpu.memref_squeeze %dma_wait3A_99 : memref<1x128xi32, #tpu.memory_space<hbm>> -> memref<128xi32, #tpu.memory_space<hbm>>
        tpu.wait_dma2 semaphore(%run_scoped3A_77 : memref<!tpu.dma_semaphore, #tpu.memory_space<semaphore_mem>>) src(%dma_wait3A_100 : memref<128xi32, #tpu.memory_space<hbm>>) dst(%dma_wait3A_97 : memref<128xi32, #tpu.memory_space<vmem>>)
        tpu.yield
      }) : () -> ()
      %run_scoped3A_65 = arith.constant 0 : i32
      "tpu.region"() ({
        %run_scoped3A_77 = tpu.sem_alloc : memref<!tpu.dma_semaphore, #tpu.memory_space<semaphore_mem>>
        %dma_start3A_78 = arith.constant 0 : i32
        %dma_start3A_79 = tpu.memref_slice %arg7[%run_scoped3A_65, %dma_start3A_78] : memref<3x128xi32, #tpu.memory_space<vmem>> -> memref<1x128xi32, #tpu.memory_space<vmem>>
        %dma_start3A_80 = tpu.memref_squeeze %dma_start3A_79 : memref<1x128xi32, #tpu.memory_space<vmem>> -> memref<128xi32, #tpu.memory_space<vmem>>
        %dma_start3A_81 = arith.constant 0 : i32
        %dma_start3A_82 = tpu.memref_slice %arg4[%add3A, %dma_start3A_81] : memref<2528x128xi32, #tpu.memory_space<hbm>> -> memref<1x128xi32, #tpu.memory_space<hbm>>
        %dma_start3A_83 = tpu.memref_squeeze %dma_start3A_82 : memref<1x128xi32, #tpu.memory_space<hbm>> -> memref<128xi32, #tpu.memory_space<hbm>>
        %dma_start3A_84 = arith.constant 0 : i32
        %dma_start3A_85 = tpu.memref_slice %arg7[%run_scoped3A_65, %dma_start3A_84] : memref<3x128xi32, #tpu.memory_space<vmem>> -> memref<1x128xi32, #tpu.memory_space<vmem>>
        %dma_start3A_86 = tpu.memref_squeeze %dma_start3A_85 : memref<1x128xi32, #tpu.memory_space<vmem>> -> memref<128xi32, #tpu.memory_space<vmem>>
        %dma_start3A_87 = arith.constant 0 : i32
        %dma_start3A_88 = tpu.memref_slice %arg4[%add3A, %dma_start3A_87] : memref<2528x128xi32, #tpu.memory_space<hbm>> -> memref<1x128xi32, #tpu.memory_space<hbm>>
        %dma_start3A_89 = tpu.memref_squeeze %dma_start3A_88 : memref<1x128xi32, #tpu.memory_space<hbm>> -> memref<128xi32, #tpu.memory_space<hbm>>
        tpu.enqueue_dma source(%dma_start3A_89 : memref<128xi32, #tpu.memory_space<hbm>>) target(%dma_start3A_86 : memref<128xi32, #tpu.memory_space<vmem>>) target_semaphore(%run_scoped3A_77 : memref<!tpu.dma_semaphore, #tpu.memory_space<semaphore_mem>>)
        %dma_wait3A = arith.constant 0 : i32
        %dma_wait3A_90 = tpu.memref_slice %arg7[%run_scoped3A_65, %dma_wait3A] : memref<3x128xi32, #tpu.memory_space<vmem>> -> memref<1x128xi32, #tpu.memory_space<vmem>>
        %dma_wait3A_91 = tpu.memref_squeeze %dma_wait3A_90 : memref<1x128xi32, #tpu.memory_space<vmem>> -> memref<128xi32, #tpu.memory_space<vmem>>
        %dma_wait3A_92 = arith.constant 0 : i32
        %dma_wait3A_93 = tpu.memref_slice %arg4[%add3A, %dma_wait3A_92] : memref<2528x128xi32, #tpu.memory_space<hbm>> -> memref<1x128xi32, #tpu.memory_space<hbm>>
        %dma_wait3A_94 = tpu.memref_squeeze %dma_wait3A_93 : memref<1x128xi32, #tpu.memory_space<hbm>> -> memref<128xi32, #tpu.memory_space<hbm>>
        %dma_wait3A_95 = arith.constant 0 : i32
        %dma_wait3A_96 = tpu.memref_slice %arg7[%run_scoped3A_65, %dma_wait3A_95] : memref<3x128xi32, #tpu.memory_space<vmem>> -> memref<1x128xi32, #tpu.memory_space<vmem>>
        %dma_wait3A_97 = tpu.memref_squeeze %dma_wait3A_96 : memref<1x128xi32, #tpu.memory_space<vmem>> -> memref<128xi32, #tpu.memory_space<vmem>>
        %dma_wait3A_98 = arith.constant 0 : i32
        %dma_wait3A_99 = tpu.memref_slice %arg4[%add3A, %dma_wait3A_98] : memref<2528x128xi32, #tpu.memory_space<hbm>> -> memref<1x128xi32, #tpu.memory_space<hbm>>
        %dma_wait3A_100 = tpu.memref_squeeze %dma_wait3A_99 : memref<1x128xi32, #tpu.memory_space<hbm>> -> memref<128xi32, #tpu.memory_space<hbm>>
        tpu.wait_dma2 semaphore(%run_scoped3A_77 : memref<!tpu.dma_semaphore, #tpu.memory_space<semaphore_mem>>) src(%dma_wait3A_100 : memref<128xi32, #tpu.memory_space<hbm>>) dst(%dma_wait3A_97 : memref<128xi32, #tpu.memory_space<vmem>>)
        tpu.yield
      }) : () -> ()
      %dma_start3A = arith.constant 0 : i32
      %dma_start3A_66 = arith.constant 0 : i32
      %dma_start3A_67 = arith.constant 0 : i32
      %dma_start3A_68 = arith.constant 0 : i32
      %dma_start3A_69 = tpu.memref_slice %arg8[%dma_start3A_66, %dma_start3A_67, %dma_start3A_68] : memref<3x128x128xf32, #tpu.memory_space<vmem>> -> memref<1x128x128xf32, #tpu.memory_space<vmem>>
      %dma_start3A_70 = tpu.memref_squeeze %dma_start3A_69 : memref<1x128x128xf32, #tpu.memory_space<vmem>> -> memref<128x128xf32, #tpu.memory_space<vmem>>
      %dma_start3A_71 = arith.constant 0 : i32
      %dma_start3A_72 = tpu.memref_slice %arg6[%dma_start3A, %dma_start3A_71] : memref<3x128xi32, #tpu.memory_space<vmem>> -> memref<1x128xi32, #tpu.memory_space<vmem>>
      %dma_start3A_73 = tpu.memref_squeeze %dma_start3A_72 : memref<1x128xi32, #tpu.memory_space<vmem>> -> memref<128xi32, #tpu.memory_space<vmem>>
      %dma_start3A_74 = arith.constant 0 : i32
      %dma_start3A_75 = arith.constant 0 : i32
      %dma_start3A_76 = tpu.memref_slice %arg2[%dma_start3A_74, %dma_start3A_75] : memref<10112x128xf32, #tpu.memory_space<hbm>> -> memref<10112x128xf32, #tpu.memory_space<hbm>>
      tpu.enqueue_indirect_dma source(%dma_start3A_76 : memref<10112x128xf32, #tpu.memory_space<hbm>>) target(%dma_start3A_70 : memref<128x128xf32, #tpu.memory_space<vmem>>) offsets(%dma_start3A_73 : memref<128xi32, #tpu.memory_space<vmem>>) semaphore(%arg10 : memref<!tpu.dma_semaphore, #tpu.memory_space<semaphore_mem>>)
    } else {
    }
    %gt3A_38 = arith.constant 1 : i32
    %gt3A_39 = arith.cmpi sgt, %select_n3A, %gt3A_38 : i32
    %convert_element_type3A_40 = arith.extui %gt3A_39 : i1 to i32
    %cond3A_41 = arith.constant 0 : i32
    %cond3A_42 = arith.cmpi ne, %convert_element_type3A_40, %cond3A_41 : i32
    scf.if %cond3A_42 {
      %add3A_64 = arith.constant 1 : i32
      %add3A_65 = arith.addi %add3A, %add3A_64 : i32
      %run_scoped3A_66 = arith.constant 1 : i32
      "tpu.region"() ({
        %run_scoped3A_81 = tpu.sem_alloc : memref<!tpu.dma_semaphore, #tpu.memory_space<semaphore_mem>>
        %dma_start3A_82 = arith.constant 0 : i32
        %dma_start3A_83 = tpu.memref_slice %arg6[%run_scoped3A_66, %dma_start3A_82] : memref<3x128xi32, #tpu.memory_space<vmem>> -> memref<1x128xi32, #tpu.memory_space<vmem>>
        %dma_start3A_84 = tpu.memref_squeeze %dma_start3A_83 : memref<1x128xi32, #tpu.memory_space<vmem>> -> memref<128xi32, #tpu.memory_space<vmem>>
        %dma_start3A_85 = arith.constant 0 : i32
        %dma_start3A_86 = tpu.memref_slice %arg3[%add3A_65, %dma_start3A_85] : memref<2528x128xi32, #tpu.memory_space<hbm>> -> memref<1x128xi32, #tpu.memory_space<hbm>>
        %dma_start3A_87 = tpu.memref_squeeze %dma_start3A_86 : memref<1x128xi32, #tpu.memory_space<hbm>> -> memref<128xi32, #tpu.memory_space<hbm>>
        %dma_start3A_88 = arith.constant 0 : i32
        %dma_start3A_89 = tpu.memref_slice %arg6[%run_scoped3A_66, %dma_start3A_88] : memref<3x128xi32, #tpu.memory_space<vmem>> -> memref<1x128xi32, #tpu.memory_space<vmem>>
        %dma_start3A_90 = tpu.memref_squeeze %dma_start3A_89 : memref<1x128xi32, #tpu.memory_space<vmem>> -> memref<128xi32, #tpu.memory_space<vmem>>
        %dma_start3A_91 = arith.constant 0 : i32
        %dma_start3A_92 = tpu.memref_slice %arg3[%add3A_65, %dma_start3A_91] : memref<2528x128xi32, #tpu.memory_space<hbm>> -> memref<1x128xi32, #tpu.memory_space<hbm>>
        %dma_start3A_93 = tpu.memref_squeeze %dma_start3A_92 : memref<1x128xi32, #tpu.memory_space<hbm>> -> memref<128xi32, #tpu.memory_space<hbm>>
        tpu.enqueue_dma source(%dma_start3A_93 : memref<128xi32, #tpu.memory_space<hbm>>) target(%dma_start3A_90 : memref<128xi32, #tpu.memory_space<vmem>>) target_semaphore(%run_scoped3A_81 : memref<!tpu.dma_semaphore, #tpu.memory_space<semaphore_mem>>)
        %dma_wait3A = arith.constant 0 : i32
        %dma_wait3A_94 = tpu.memref_slice %arg6[%run_scoped3A_66, %dma_wait3A] : memref<3x128xi32, #tpu.memory_space<vmem>> -> memref<1x128xi32, #tpu.memory_space<vmem>>
        %dma_wait3A_95 = tpu.memref_squeeze %dma_wait3A_94 : memref<1x128xi32, #tpu.memory_space<vmem>> -> memref<128xi32, #tpu.memory_space<vmem>>
        %dma_wait3A_96 = arith.constant 0 : i32
        %dma_wait3A_97 = tpu.memref_slice %arg3[%add3A_65, %dma_wait3A_96] : memref<2528x128xi32, #tpu.memory_space<hbm>> -> memref<1x128xi32, #tpu.memory_space<hbm>>
        %dma_wait3A_98 = tpu.memref_squeeze %dma_wait3A_97 : memref<1x128xi32, #tpu.memory_space<hbm>> -> memref<128xi32, #tpu.memory_space<hbm>>
        %dma_wait3A_99 = arith.constant 0 : i32
        %dma_wait3A_100 = tpu.memref_slice %arg6[%run_scoped3A_66, %dma_wait3A_99] : memref<3x128xi32, #tpu.memory_space<vmem>> -> memref<1x128xi32, #tpu.memory_space<vmem>>
        %dma_wait3A_101 = tpu.memref_squeeze %dma_wait3A_100 : memref<1x128xi32, #tpu.memory_space<vmem>> -> memref<128xi32, #tpu.memory_space<vmem>>
        %dma_wait3A_102 = arith.constant 0 : i32
        %dma_wait3A_103 = tpu.memref_slice %arg3[%add3A_65, %dma_wait3A_102] : memref<2528x128xi32, #tpu.memory_space<hbm>> -> memref<1x128xi32, #tpu.memory_space<hbm>>
        %dma_wait3A_104 = tpu.memref_squeeze %dma_wait3A_103 : memref<1x128xi32, #tpu.memory_space<hbm>> -> memref<128xi32, #tpu.memory_space<hbm>>
        tpu.wait_dma2 semaphore(%run_scoped3A_81 : memref<!tpu.dma_semaphore, #tpu.memory_space<semaphore_mem>>) src(%dma_wait3A_104 : memref<128xi32, #tpu.memory_space<hbm>>) dst(%dma_wait3A_101 : memref<128xi32, #tpu.memory_space<vmem>>)
        tpu.yield
      }) : () -> ()
      %add3A_67 = arith.constant 1 : i32
      %add3A_68 = arith.addi %add3A, %add3A_67 : i32
      %run_scoped3A_69 = arith.constant 1 : i32
      "tpu.region"() ({
        %run_scoped3A_81 = tpu.sem_alloc : memref<!tpu.dma_semaphore, #tpu.memory_space<semaphore_mem>>
        %dma_start3A_82 = arith.constant 0 : i32
        %dma_start3A_83 = tpu.memref_slice %arg7[%run_scoped3A_69, %dma_start3A_82] : memref<3x128xi32, #tpu.memory_space<vmem>> -> memref<1x128xi32, #tpu.memory_space<vmem>>
        %dma_start3A_84 = tpu.memref_squeeze %dma_start3A_83 : memref<1x128xi32, #tpu.memory_space<vmem>> -> memref<128xi32, #tpu.memory_space<vmem>>
        %dma_start3A_85 = arith.constant 0 : i32
        %dma_start3A_86 = tpu.memref_slice %arg4[%add3A_68, %dma_start3A_85] : memref<2528x128xi32, #tpu.memory_space<hbm>> -> memref<1x128xi32, #tpu.memory_space<hbm>>
        %dma_start3A_87 = tpu.memref_squeeze %dma_start3A_86 : memref<1x128xi32, #tpu.memory_space<hbm>> -> memref<128xi32, #tpu.memory_space<hbm>>
        %dma_start3A_88 = arith.constant 0 : i32
        %dma_start3A_89 = tpu.memref_slice %arg7[%run_scoped3A_69, %dma_start3A_88] : memref<3x128xi32, #tpu.memory_space<vmem>> -> memref<1x128xi32, #tpu.memory_space<vmem>>
        %dma_start3A_90 = tpu.memref_squeeze %dma_start3A_89 : memref<1x128xi32, #tpu.memory_space<vmem>> -> memref<128xi32, #tpu.memory_space<vmem>>
        %dma_start3A_91 = arith.constant 0 : i32
        %dma_start3A_92 = tpu.memref_slice %arg4[%add3A_68, %dma_start3A_91] : memref<2528x128xi32, #tpu.memory_space<hbm>> -> memref<1x128xi32, #tpu.memory_space<hbm>>
        %dma_start3A_93 = tpu.memref_squeeze %dma_start3A_92 : memref<1x128xi32, #tpu.memory_space<hbm>> -> memref<128xi32, #tpu.memory_space<hbm>>
        tpu.enqueue_dma source(%dma_start3A_93 : memref<128xi32, #tpu.memory_space<hbm>>) target(%dma_start3A_90 : memref<128xi32, #tpu.memory_space<vmem>>) target_semaphore(%run_scoped3A_81 : memref<!tpu.dma_semaphore, #tpu.memory_space<semaphore_mem>>)
        %dma_wait3A = arith.constant 0 : i32
        %dma_wait3A_94 = tpu.memref_slice %arg7[%run_scoped3A_69, %dma_wait3A] : memref<3x128xi32, #tpu.memory_space<vmem>> -> memref<1x128xi32, #tpu.memory_space<vmem>>
        %dma_wait3A_95 = tpu.memref_squeeze %dma_wait3A_94 : memref<1x128xi32, #tpu.memory_space<vmem>> -> memref<128xi32, #tpu.memory_space<vmem>>
        %dma_wait3A_96 = arith.constant 0 : i32
        %dma_wait3A_97 = tpu.memref_slice %arg4[%add3A_68, %dma_wait3A_96] : memref<2528x128xi32, #tpu.memory_space<hbm>> -> memref<1x128xi32, #tpu.memory_space<hbm>>
        %dma_wait3A_98 = tpu.memref_squeeze %dma_wait3A_97 : memref<1x128xi32, #tpu.memory_space<hbm>> -> memref<128xi32, #tpu.memory_space<hbm>>
        %dma_wait3A_99 = arith.constant 0 : i32
        %dma_wait3A_100 = tpu.memref_slice %arg7[%run_scoped3A_69, %dma_wait3A_99] : memref<3x128xi32, #tpu.memory_space<vmem>> -> memref<1x128xi32, #tpu.memory_space<vmem>>
        %dma_wait3A_101 = tpu.memref_squeeze %dma_wait3A_100 : memref<1x128xi32, #tpu.memory_space<vmem>> -> memref<128xi32, #tpu.memory_space<vmem>>
        %dma_wait3A_102 = arith.constant 0 : i32
        %dma_wait3A_103 = tpu.memref_slice %arg4[%add3A_68, %dma_wait3A_102] : memref<2528x128xi32, #tpu.memory_space<hbm>> -> memref<1x128xi32, #tpu.memory_space<hbm>>
        %dma_wait3A_104 = tpu.memref_squeeze %dma_wait3A_103 : memref<1x128xi32, #tpu.memory_space<hbm>> -> memref<128xi32, #tpu.memory_space<hbm>>
        tpu.wait_dma2 semaphore(%run_scoped3A_81 : memref<!tpu.dma_semaphore, #tpu.memory_space<semaphore_mem>>) src(%dma_wait3A_104 : memref<128xi32, #tpu.memory_space<hbm>>) dst(%dma_wait3A_101 : memref<128xi32, #tpu.memory_space<vmem>>)
        tpu.yield
      }) : () -> ()
      %dma_start3A = arith.constant 1 : i32
      %dma_start3A_70 = arith.constant 1 : i32
      %dma_start3A_71 = arith.constant 0 : i32
      %dma_start3A_72 = arith.constant 0 : i32
      %dma_start3A_73 = tpu.memref_slice %arg8[%dma_start3A_70, %dma_start3A_71, %dma_start3A_72] : memref<3x128x128xf32, #tpu.memory_space<vmem>> -> memref<1x128x128xf32, #tpu.memory_space<vmem>>
      %dma_start3A_74 = tpu.memref_squeeze %dma_start3A_73 : memref<1x128x128xf32, #tpu.memory_space<vmem>> -> memref<128x128xf32, #tpu.memory_space<vmem>>
      %dma_start3A_75 = arith.constant 0 : i32
      %dma_start3A_76 = tpu.memref_slice %arg6[%dma_start3A, %dma_start3A_75] : memref<3x128xi32, #tpu.memory_space<vmem>> -> memref<1x128xi32, #tpu.memory_space<vmem>>
      %dma_start3A_77 = tpu.memref_squeeze %dma_start3A_76 : memref<1x128xi32, #tpu.memory_space<vmem>> -> memref<128xi32, #tpu.memory_space<vmem>>
      %dma_start3A_78 = arith.constant 0 : i32
      %dma_start3A_79 = arith.constant 0 : i32
      %dma_start3A_80 = tpu.memref_slice %arg2[%dma_start3A_78, %dma_start3A_79] : memref<10112x128xf32, #tpu.memory_space<hbm>> -> memref<10112x128xf32, #tpu.memory_space<hbm>>
      tpu.enqueue_indirect_dma source(%dma_start3A_80 : memref<10112x128xf32, #tpu.memory_space<hbm>>) target(%dma_start3A_74 : memref<128x128xf32, #tpu.memory_space<vmem>>) offsets(%dma_start3A_77 : memref<128xi32, #tpu.memory_space<vmem>>) semaphore(%arg10 : memref<!tpu.dma_semaphore, #tpu.memory_space<semaphore_mem>>)
    } else {
    }
    %gt3A_43 = arith.constant 2 : i32
    %gt3A_44 = arith.cmpi sgt, %select_n3A, %gt3A_43 : i32
    %convert_element_type3A_45 = arith.extui %gt3A_44 : i1 to i32
    %cond3A_46 = arith.constant 0 : i32
    %cond3A_47 = arith.cmpi ne, %convert_element_type3A_45, %cond3A_46 : i32
    scf.if %cond3A_47 {
      %add3A_64 = arith.constant 2 : i32
      %add3A_65 = arith.addi %add3A, %add3A_64 : i32
      %dma_start3A = arith.constant 2 : i32
      %dma_start3A_66 = arith.constant 0 : i32
      %dma_start3A_67 = tpu.memref_slice %arg6[%dma_start3A, %dma_start3A_66] : memref<3x128xi32, #tpu.memory_space<vmem>> -> memref<1x128xi32, #tpu.memory_space<vmem>>
      %dma_start3A_68 = tpu.memref_squeeze %dma_start3A_67 : memref<1x128xi32, #tpu.memory_space<vmem>> -> memref<128xi32, #tpu.memory_space<vmem>>
      %dma_start3A_69 = arith.constant 0 : i32
      %dma_start3A_70 = tpu.memref_slice %arg3[%add3A_65, %dma_start3A_69] : memref<2528x128xi32, #tpu.memory_space<hbm>> -> memref<1x128xi32, #tpu.memory_space<hbm>>
      %dma_start3A_71 = tpu.memref_squeeze %dma_start3A_70 : memref<1x128xi32, #tpu.memory_space<hbm>> -> memref<128xi32, #tpu.memory_space<hbm>>
      %dma_start3A_72 = arith.constant 0 : i32
      %dma_start3A_73 = tpu.memref_slice %arg6[%dma_start3A, %dma_start3A_72] : memref<3x128xi32, #tpu.memory_space<vmem>> -> memref<1x128xi32, #tpu.memory_space<vmem>>
      %dma_start3A_74 = tpu.memref_squeeze %dma_start3A_73 : memref<1x128xi32, #tpu.memory_space<vmem>> -> memref<128xi32, #tpu.memory_space<vmem>>
      %dma_start3A_75 = arith.constant 0 : i32
      %dma_start3A_76 = tpu.memref_slice %arg3[%add3A_65, %dma_start3A_75] : memref<2528x128xi32, #tpu.memory_space<hbm>> -> memref<1x128xi32, #tpu.memory_space<hbm>>
      %dma_start3A_77 = tpu.memref_squeeze %dma_start3A_76 : memref<1x128xi32, #tpu.memory_space<hbm>> -> memref<128xi32, #tpu.memory_space<hbm>>
      tpu.enqueue_dma source(%dma_start3A_77 : memref<128xi32, #tpu.memory_space<hbm>>) target(%dma_start3A_74 : memref<128xi32, #tpu.memory_space<vmem>>) target_semaphore(%arg11 : memref<!tpu.dma_semaphore, #tpu.memory_space<semaphore_mem>>)
      %add3A_78 = arith.constant 2 : i32
      %add3A_79 = arith.addi %add3A, %add3A_78 : i32
      %dma_start3A_80 = arith.constant 2 : i32
      %dma_start3A_81 = arith.constant 0 : i32
      %dma_start3A_82 = tpu.memref_slice %arg7[%dma_start3A_80, %dma_start3A_81] : memref<3x128xi32, #tpu.memory_space<vmem>> -> memref<1x128xi32, #tpu.memory_space<vmem>>
      %dma_start3A_83 = tpu.memref_squeeze %dma_start3A_82 : memref<1x128xi32, #tpu.memory_space<vmem>> -> memref<128xi32, #tpu.memory_space<vmem>>
      %dma_start3A_84 = arith.constant 0 : i32
      %dma_start3A_85 = tpu.memref_slice %arg4[%add3A_79, %dma_start3A_84] : memref<2528x128xi32, #tpu.memory_space<hbm>> -> memref<1x128xi32, #tpu.memory_space<hbm>>
      %dma_start3A_86 = tpu.memref_squeeze %dma_start3A_85 : memref<1x128xi32, #tpu.memory_space<hbm>> -> memref<128xi32, #tpu.memory_space<hbm>>
      %dma_start3A_87 = arith.constant 0 : i32
      %dma_start3A_88 = tpu.memref_slice %arg7[%dma_start3A_80, %dma_start3A_87] : memref<3x128xi32, #tpu.memory_space<vmem>> -> memref<1x128xi32, #tpu.memory_space<vmem>>
      %dma_start3A_89 = tpu.memref_squeeze %dma_start3A_88 : memref<1x128xi32, #tpu.memory_space<vmem>> -> memref<128xi32, #tpu.memory_space<vmem>>
      %dma_start3A_90 = arith.constant 0 : i32
      %dma_start3A_91 = tpu.memref_slice %arg4[%add3A_79, %dma_start3A_90] : memref<2528x128xi32, #tpu.memory_space<hbm>> -> memref<1x128xi32, #tpu.memory_space<hbm>>
      %dma_start3A_92 = tpu.memref_squeeze %dma_start3A_91 : memref<1x128xi32, #tpu.memory_space<hbm>> -> memref<128xi32, #tpu.memory_space<hbm>>
      tpu.enqueue_dma source(%dma_start3A_92 : memref<128xi32, #tpu.memory_space<hbm>>) target(%dma_start3A_89 : memref<128xi32, #tpu.memory_space<vmem>>) target_semaphore(%arg11 : memref<!tpu.dma_semaphore, #tpu.memory_space<semaphore_mem>>)
    } else {
    }
    %while3A = arith.constant 0 : i32
    %while3A_48 = arith.constant 0 : i32
    %while3A_49 = arith.subi %select_n3A, %while3A : i32
    %while3A_50 = arith.addi %while3A, %while3A_49 : i32
    %while3A_51 = arith.constant 1 : i32
    %while3A_52 = arith.divsi %while3A_49, %while3A_51 : i32
    %while3A_53 = arith.muli %while3A_52, %while3A_51 : i32
    %while3A_54 = arith.addi %while3A, %while3A_53 : i32
    %while3A_55 = arith.constant 1 : i32
    %while3A_56 = scf.for %while3A_64 = %while3A to %while3A_54 step %while3A_55 iter_args(%while3A_65 = %while3A_48) -> (i32)  : i32 {
      %rem3A = arith.constant 3 : i32
      %rem3A_66 = arith.remsi %while3A_64, %rem3A : i32
      %add3A_67 = arith.constant 2 : i32
      %add3A_68 = arith.addi %while3A_64, %add3A_67 : i32
      %rem3A_69 = arith.constant 3 : i32
      %rem3A_70 = arith.remsi %add3A_68, %rem3A_69 : i32
      %dma_wait3A = arith.constant 0 : i32
      %dma_wait3A_71 = arith.constant 0 : i32
      %dma_wait3A_72 = tpu.memref_slice %arg8[%rem3A_66, %dma_wait3A, %dma_wait3A_71] : memref<3x128x128xf32, #tpu.memory_space<vmem>> -> memref<1x128x128xf32, #tpu.memory_space<vmem>>
      %dma_wait3A_73 = tpu.memref_squeeze %dma_wait3A_72 : memref<1x128x128xf32, #tpu.memory_space<vmem>> -> memref<128x128xf32, #tpu.memory_space<vmem>>
      %dma_wait3A_74 = arith.constant 0 : i32
      %dma_wait3A_75 = tpu.memref_slice %arg6[%rem3A_66, %dma_wait3A_74] : memref<3x128xi32, #tpu.memory_space<vmem>> -> memref<1x128xi32, #tpu.memory_space<vmem>>
      %dma_wait3A_76 = tpu.memref_squeeze %dma_wait3A_75 : memref<1x128xi32, #tpu.memory_space<vmem>> -> memref<128xi32, #tpu.memory_space<vmem>>
      %dma_wait3A_77 = arith.constant 0 : i32
      %dma_wait3A_78 = arith.constant 0 : i32
      %dma_wait3A_79 = tpu.memref_slice %arg2[%dma_wait3A_77, %dma_wait3A_78] : memref<10112x128xf32, #tpu.memory_space<hbm>> -> memref<10112x128xf32, #tpu.memory_space<hbm>>
      tpu.wait_indirect_dma semaphore(%arg10 : memref<!tpu.dma_semaphore, #tpu.memory_space<semaphore_mem>>) src(%dma_wait3A_79 : memref<10112x128xf32, #tpu.memory_space<hbm>>) dst(%dma_wait3A_73 : memref<128x128xf32, #tpu.memory_space<vmem>>)
      %add3A_80 = arith.constant 2 : i32
      %add3A_81 = arith.addi %while3A_64, %add3A_80 : i32
      %lt3A = arith.cmpi slt, %add3A_81, %select_n3A : i32
      %convert_element_type3A_82 = arith.extui %lt3A : i1 to i32
      %cond3A_83 = arith.constant 0 : i32
      %cond3A_84 = arith.cmpi ne, %convert_element_type3A_82, %cond3A_83 : i32
      scf.if %cond3A_84 {
        %add3A_92 = arith.addi %add3A, %while3A_64 : i32
        %add3A_93 = arith.constant 2 : i32
        %add3A_94 = arith.addi %add3A_92, %add3A_93 : i32
        %dma_wait3A_95 = arith.constant 0 : i32
        %dma_wait3A_96 = tpu.memref_slice %arg6[%rem3A_70, %dma_wait3A_95] : memref<3x128xi32, #tpu.memory_space<vmem>> -> memref<1x128xi32, #tpu.memory_space<vmem>>
        %dma_wait3A_97 = tpu.memref_squeeze %dma_wait3A_96 : memref<1x128xi32, #tpu.memory_space<vmem>> -> memref<128xi32, #tpu.memory_space<vmem>>
        %dma_wait3A_98 = arith.constant 0 : i32
        %dma_wait3A_99 = tpu.memref_slice %arg3[%add3A_94, %dma_wait3A_98] : memref<2528x128xi32, #tpu.memory_space<hbm>> -> memref<1x128xi32, #tpu.memory_space<hbm>>
        %dma_wait3A_100 = tpu.memref_squeeze %dma_wait3A_99 : memref<1x128xi32, #tpu.memory_space<hbm>> -> memref<128xi32, #tpu.memory_space<hbm>>
        %dma_wait3A_101 = arith.constant 0 : i32
        %dma_wait3A_102 = tpu.memref_slice %arg6[%rem3A_70, %dma_wait3A_101] : memref<3x128xi32, #tpu.memory_space<vmem>> -> memref<1x128xi32, #tpu.memory_space<vmem>>
        %dma_wait3A_103 = tpu.memref_squeeze %dma_wait3A_102 : memref<1x128xi32, #tpu.memory_space<vmem>> -> memref<128xi32, #tpu.memory_space<vmem>>
        %dma_wait3A_104 = arith.constant 0 : i32
        %dma_wait3A_105 = tpu.memref_slice %arg3[%add3A_94, %dma_wait3A_104] : memref<2528x128xi32, #tpu.memory_space<hbm>> -> memref<1x128xi32, #tpu.memory_space<hbm>>
        %dma_wait3A_106 = tpu.memref_squeeze %dma_wait3A_105 : memref<1x128xi32, #tpu.memory_space<hbm>> -> memref<128xi32, #tpu.memory_space<hbm>>
        tpu.wait_dma2 semaphore(%arg11 : memref<!tpu.dma_semaphore, #tpu.memory_space<semaphore_mem>>) src(%dma_wait3A_106 : memref<128xi32, #tpu.memory_space<hbm>>) dst(%dma_wait3A_103 : memref<128xi32, #tpu.memory_space<vmem>>)
        %add3A_107 = arith.addi %add3A, %while3A_64 : i32
        %add3A_108 = arith.constant 2 : i32
        %add3A_109 = arith.addi %add3A_107, %add3A_108 : i32
        %dma_wait3A_110 = arith.constant 0 : i32
        %dma_wait3A_111 = tpu.memref_slice %arg7[%rem3A_70, %dma_wait3A_110] : memref<3x128xi32, #tpu.memory_space<vmem>> -> memref<1x128xi32, #tpu.memory_space<vmem>>
        %dma_wait3A_112 = tpu.memref_squeeze %dma_wait3A_111 : memref<1x128xi32, #tpu.memory_space<vmem>> -> memref<128xi32, #tpu.memory_space<vmem>>
        %dma_wait3A_113 = arith.constant 0 : i32
        %dma_wait3A_114 = tpu.memref_slice %arg4[%add3A_109, %dma_wait3A_113] : memref<2528x128xi32, #tpu.memory_space<hbm>> -> memref<1x128xi32, #tpu.memory_space<hbm>>
        %dma_wait3A_115 = tpu.memref_squeeze %dma_wait3A_114 : memref<1x128xi32, #tpu.memory_space<hbm>> -> memref<128xi32, #tpu.memory_space<hbm>>
        %dma_wait3A_116 = arith.constant 0 : i32
        %dma_wait3A_117 = tpu.memref_slice %arg7[%rem3A_70, %dma_wait3A_116] : memref<3x128xi32, #tpu.memory_space<vmem>> -> memref<1x128xi32, #tpu.memory_space<vmem>>
        %dma_wait3A_118 = tpu.memref_squeeze %dma_wait3A_117 : memref<1x128xi32, #tpu.memory_space<vmem>> -> memref<128xi32, #tpu.memory_space<vmem>>
        %dma_wait3A_119 = arith.constant 0 : i32
        %dma_wait3A_120 = tpu.memref_slice %arg4[%add3A_109, %dma_wait3A_119] : memref<2528x128xi32, #tpu.memory_space<hbm>> -> memref<1x128xi32, #tpu.memory_space<hbm>>
        %dma_wait3A_121 = tpu.memref_squeeze %dma_wait3A_120 : memref<1x128xi32, #tpu.memory_space<hbm>> -> memref<128xi32, #tpu.memory_space<hbm>>
        tpu.wait_dma2 semaphore(%arg11 : memref<!tpu.dma_semaphore, #tpu.memory_space<semaphore_mem>>) src(%dma_wait3A_121 : memref<128xi32, #tpu.memory_space<hbm>>) dst(%dma_wait3A_118 : memref<128xi32, #tpu.memory_space<vmem>>)
        %dma_start3A = arith.constant 0 : i32
        %dma_start3A_122 = arith.constant 0 : i32
        %dma_start3A_123 = tpu.memref_slice %arg8[%rem3A_70, %dma_start3A, %dma_start3A_122] : memref<3x128x128xf32, #tpu.memory_space<vmem>> -> memref<1x128x128xf32, #tpu.memory_space<vmem>>
        %dma_start3A_124 = tpu.memref_squeeze %dma_start3A_123 : memref<1x128x128xf32, #tpu.memory_space<vmem>> -> memref<128x128xf32, #tpu.memory_space<vmem>>
        %dma_start3A_125 = arith.constant 0 : i32
        %dma_start3A_126 = tpu.memref_slice %arg6[%rem3A_70, %dma_start3A_125] : memref<3x128xi32, #tpu.memory_space<vmem>> -> memref<1x128xi32, #tpu.memory_space<vmem>>
        %dma_start3A_127 = tpu.memref_squeeze %dma_start3A_126 : memref<1x128xi32, #tpu.memory_space<vmem>> -> memref<128xi32, #tpu.memory_space<vmem>>
        %dma_start3A_128 = arith.constant 0 : i32
        %dma_start3A_129 = arith.constant 0 : i32
        %dma_start3A_130 = tpu.memref_slice %arg2[%dma_start3A_128, %dma_start3A_129] : memref<10112x128xf32, #tpu.memory_space<hbm>> -> memref<10112x128xf32, #tpu.memory_space<hbm>>
        tpu.enqueue_indirect_dma source(%dma_start3A_130 : memref<10112x128xf32, #tpu.memory_space<hbm>>) target(%dma_start3A_124 : memref<128x128xf32, #tpu.memory_space<vmem>>) offsets(%dma_start3A_127 : memref<128xi32, #tpu.memory_space<vmem>>) semaphore(%arg10 : memref<!tpu.dma_semaphore, #tpu.memory_space<semaphore_mem>>)
      } else {
      }
      "tpu.region"() ({
        %run_scoped3A_92 = tpu.sem_alloc : memref<!tpu.dma_semaphore, #tpu.memory_space<semaphore_mem>>
        %dma_start3A = arith.constant 0 : i32
        %dma_start3A_93 = arith.constant 0 : i32
        %dma_start3A_94 = tpu.memref_slice %arg8[%rem3A_66, %dma_start3A, %dma_start3A_93] : memref<3x128x128xf32, #tpu.memory_space<vmem>> -> memref<1x128x128xf32, #tpu.memory_space<vmem>>
        %dma_start3A_95 = tpu.memref_squeeze %dma_start3A_94 : memref<1x128x128xf32, #tpu.memory_space<vmem>> -> memref<128x128xf32, #tpu.memory_space<vmem>>
        %dma_start3A_96 = arith.constant 0 : i32
        %dma_start3A_97 = tpu.memref_slice %arg7[%rem3A_66, %dma_start3A_96] : memref<3x128xi32, #tpu.memory_space<vmem>> -> memref<1x128xi32, #tpu.memory_space<vmem>>
        %dma_start3A_98 = tpu.memref_squeeze %dma_start3A_97 : memref<1x128xi32, #tpu.memory_space<vmem>> -> memref<128xi32, #tpu.memory_space<vmem>>
        %dma_start3A_99 = arith.constant 0 : i32
        %dma_start3A_100 = arith.constant 0 : i32
        %dma_start3A_101 = tpu.memref_slice %arg9[%dma_start3A_99, %dma_start3A_100] : memref<10112x128xf32, #tpu.memory_space<vmem_shared>> -> memref<10112x128xf32, #tpu.memory_space<vmem_shared>>
        tpu.enqueue_indirect_dma source(%dma_start3A_95 : memref<128x128xf32, #tpu.memory_space<vmem>>) target(%dma_start3A_101 : memref<10112x128xf32, #tpu.memory_space<vmem_shared>>) offsets(%dma_start3A_98 : memref<128xi32, #tpu.memory_space<vmem>>) semaphore(%run_scoped3A_92 : memref<!tpu.dma_semaphore, #tpu.memory_space<semaphore_mem>>) {add = true}
        %dma_wait3A_102 = arith.constant 0 : i32
        %dma_wait3A_103 = arith.constant 0 : i32
        %dma_wait3A_104 = tpu.memref_slice %arg8[%rem3A_66, %dma_wait3A_102, %dma_wait3A_103] : memref<3x128x128xf32, #tpu.memory_space<vmem>> -> memref<1x128x128xf32, #tpu.memory_space<vmem>>
        %dma_wait3A_105 = tpu.memref_squeeze %dma_wait3A_104 : memref<1x128x128xf32, #tpu.memory_space<vmem>> -> memref<128x128xf32, #tpu.memory_space<vmem>>
        %dma_wait3A_106 = arith.constant 0 : i32
        %dma_wait3A_107 = tpu.memref_slice %arg7[%rem3A_66, %dma_wait3A_106] : memref<3x128xi32, #tpu.memory_space<vmem>> -> memref<1x128xi32, #tpu.memory_space<vmem>>
        %dma_wait3A_108 = tpu.memref_squeeze %dma_wait3A_107 : memref<1x128xi32, #tpu.memory_space<vmem>> -> memref<128xi32, #tpu.memory_space<vmem>>
        %dma_wait3A_109 = arith.constant 0 : i32
        %dma_wait3A_110 = arith.constant 0 : i32
        %dma_wait3A_111 = tpu.memref_slice %arg9[%dma_wait3A_109, %dma_wait3A_110] : memref<10112x128xf32, #tpu.memory_space<vmem_shared>> -> memref<10112x128xf32, #tpu.memory_space<vmem_shared>>
        tpu.wait_indirect_dma semaphore(%run_scoped3A_92 : memref<!tpu.dma_semaphore, #tpu.memory_space<semaphore_mem>>) src(%dma_wait3A_105 : memref<128x128xf32, #tpu.memory_space<vmem>>) dst(%dma_wait3A_111 : memref<10112x128xf32, #tpu.memory_space<vmem_shared>>)
        tpu.yield
      }) : () -> ()
      %add3A_85 = arith.constant 3 : i32
      %add3A_86 = arith.addi %while3A_64, %add3A_85 : i32
      %lt3A_87 = arith.cmpi slt, %add3A_86, %select_n3A : i32
      %convert_element_type3A_88 = arith.extui %lt3A_87 : i1 to i32
      %cond3A_89 = arith.constant 0 : i32
      %cond3A_90 = arith.cmpi ne, %convert_element_type3A_88, %cond3A_89 : i32
      scf.if %cond3A_90 {
        %add3A_92 = arith.addi %add3A, %while3A_64 : i32
        %add3A_93 = arith.constant 3 : i32
        %add3A_94 = arith.addi %add3A_92, %add3A_93 : i32
        %dma_start3A = arith.constant 0 : i32
        %dma_start3A_95 = tpu.memref_slice %arg6[%rem3A_66, %dma_start3A] : memref<3x128xi32, #tpu.memory_space<vmem>> -> memref<1x128xi32, #tpu.memory_space<vmem>>
        %dma_start3A_96 = tpu.memref_squeeze %dma_start3A_95 : memref<1x128xi32, #tpu.memory_space<vmem>> -> memref<128xi32, #tpu.memory_space<vmem>>
        %dma_start3A_97 = arith.constant 0 : i32
        %dma_start3A_98 = tpu.memref_slice %arg3[%add3A_94, %dma_start3A_97] : memref<2528x128xi32, #tpu.memory_space<hbm>> -> memref<1x128xi32, #tpu.memory_space<hbm>>
        %dma_start3A_99 = tpu.memref_squeeze %dma_start3A_98 : memref<1x128xi32, #tpu.memory_space<hbm>> -> memref<128xi32, #tpu.memory_space<hbm>>
        %dma_start3A_100 = arith.constant 0 : i32
        %dma_start3A_101 = tpu.memref_slice %arg6[%rem3A_66, %dma_start3A_100] : memref<3x128xi32, #tpu.memory_space<vmem>> -> memref<1x128xi32, #tpu.memory_space<vmem>>
        %dma_start3A_102 = tpu.memref_squeeze %dma_start3A_101 : memref<1x128xi32, #tpu.memory_space<vmem>> -> memref<128xi32, #tpu.memory_space<vmem>>
        %dma_start3A_103 = arith.constant 0 : i32
        %dma_start3A_104 = tpu.memref_slice %arg3[%add3A_94, %dma_start3A_103] : memref<2528x128xi32, #tpu.memory_space<hbm>> -> memref<1x128xi32, #tpu.memory_space<hbm>>
        %dma_start3A_105 = tpu.memref_squeeze %dma_start3A_104 : memref<1x128xi32, #tpu.memory_space<hbm>> -> memref<128xi32, #tpu.memory_space<hbm>>
        tpu.enqueue_dma source(%dma_start3A_105 : memref<128xi32, #tpu.memory_space<hbm>>) target(%dma_start3A_102 : memref<128xi32, #tpu.memory_space<vmem>>) target_semaphore(%arg11 : memref<!tpu.dma_semaphore, #tpu.memory_space<semaphore_mem>>)
        %add3A_106 = arith.addi %add3A, %while3A_64 : i32
        %add3A_107 = arith.constant 3 : i32
        %add3A_108 = arith.addi %add3A_106, %add3A_107 : i32
        %dma_start3A_109 = arith.constant 0 : i32
        %dma_start3A_110 = tpu.memref_slice %arg7[%rem3A_66, %dma_start3A_109] : memref<3x128xi32, #tpu.memory_space<vmem>> -> memref<1x128xi32, #tpu.memory_space<vmem>>
        %dma_start3A_111 = tpu.memref_squeeze %dma_start3A_110 : memref<1x128xi32, #tpu.memory_space<vmem>> -> memref<128xi32, #tpu.memory_space<vmem>>
        %dma_start3A_112 = arith.constant 0 : i32
        %dma_start3A_113 = tpu.memref_slice %arg4[%add3A_108, %dma_start3A_112] : memref<2528x128xi32, #tpu.memory_space<hbm>> -> memref<1x128xi32, #tpu.memory_space<hbm>>
        %dma_start3A_114 = tpu.memref_squeeze %dma_start3A_113 : memref<1x128xi32, #tpu.memory_space<hbm>> -> memref<128xi32, #tpu.memory_space<hbm>>
        %dma_start3A_115 = arith.constant 0 : i32
        %dma_start3A_116 = tpu.memref_slice %arg7[%rem3A_66, %dma_start3A_115] : memref<3x128xi32, #tpu.memory_space<vmem>> -> memref<1x128xi32, #tpu.memory_space<vmem>>
        %dma_start3A_117 = tpu.memref_squeeze %dma_start3A_116 : memref<1x128xi32, #tpu.memory_space<vmem>> -> memref<128xi32, #tpu.memory_space<vmem>>
        %dma_start3A_118 = arith.constant 0 : i32
        %dma_start3A_119 = tpu.memref_slice %arg4[%add3A_108, %dma_start3A_118] : memref<2528x128xi32, #tpu.memory_space<hbm>> -> memref<1x128xi32, #tpu.memory_space<hbm>>
        %dma_start3A_120 = tpu.memref_squeeze %dma_start3A_119 : memref<1x128xi32, #tpu.memory_space<hbm>> -> memref<128xi32, #tpu.memory_space<hbm>>
        tpu.enqueue_dma source(%dma_start3A_120 : memref<128xi32, #tpu.memory_space<hbm>>) target(%dma_start3A_117 : memref<128xi32, #tpu.memory_space<vmem>>) target_semaphore(%arg11 : memref<!tpu.dma_semaphore, #tpu.memory_space<semaphore_mem>>)
      } else {
      }
      %while3A_91 = arith.constant 0 : i32
      scf.yield %while3A_91 : i32
    }
    %while3A_57 = arith.constant 1 : i32
    %while3A_58 = scf.for %while3A_64 = %while3A_54 to %while3A_50 step %while3A_57 iter_args(%while3A_65 = %while3A_56) -> (i32)  : i32 {
      %rem3A = arith.constant 3 : i32
      %rem3A_66 = arith.remsi %while3A_64, %rem3A : i32
      %add3A_67 = arith.constant 2 : i32
      %add3A_68 = arith.addi %while3A_64, %add3A_67 : i32
      %rem3A_69 = arith.constant 3 : i32
      %rem3A_70 = arith.remsi %add3A_68, %rem3A_69 : i32
      %dma_wait3A = arith.constant 0 : i32
      %dma_wait3A_71 = arith.constant 0 : i32
      %dma_wait3A_72 = tpu.memref_slice %arg8[%rem3A_66, %dma_wait3A, %dma_wait3A_71] : memref<3x128x128xf32, #tpu.memory_space<vmem>> -> memref<1x128x128xf32, #tpu.memory_space<vmem>>
      %dma_wait3A_73 = tpu.memref_squeeze %dma_wait3A_72 : memref<1x128x128xf32, #tpu.memory_space<vmem>> -> memref<128x128xf32, #tpu.memory_space<vmem>>
      %dma_wait3A_74 = arith.constant 0 : i32
      %dma_wait3A_75 = tpu.memref_slice %arg6[%rem3A_66, %dma_wait3A_74] : memref<3x128xi32, #tpu.memory_space<vmem>> -> memref<1x128xi32, #tpu.memory_space<vmem>>
      %dma_wait3A_76 = tpu.memref_squeeze %dma_wait3A_75 : memref<1x128xi32, #tpu.memory_space<vmem>> -> memref<128xi32, #tpu.memory_space<vmem>>
      %dma_wait3A_77 = arith.constant 0 : i32
      %dma_wait3A_78 = arith.constant 0 : i32
      %dma_wait3A_79 = tpu.memref_slice %arg2[%dma_wait3A_77, %dma_wait3A_78] : memref<10112x128xf32, #tpu.memory_space<hbm>> -> memref<10112x128xf32, #tpu.memory_space<hbm>>
      tpu.wait_indirect_dma semaphore(%arg10 : memref<!tpu.dma_semaphore, #tpu.memory_space<semaphore_mem>>) src(%dma_wait3A_79 : memref<10112x128xf32, #tpu.memory_space<hbm>>) dst(%dma_wait3A_73 : memref<128x128xf32, #tpu.memory_space<vmem>>)
      %add3A_80 = arith.constant 2 : i32
      %add3A_81 = arith.addi %while3A_64, %add3A_80 : i32
      %lt3A = arith.cmpi slt, %add3A_81, %select_n3A : i32
      %convert_element_type3A_82 = arith.extui %lt3A : i1 to i32
      %cond3A_83 = arith.constant 0 : i32
      %cond3A_84 = arith.cmpi ne, %convert_element_type3A_82, %cond3A_83 : i32
      scf.if %cond3A_84 {
        %add3A_92 = arith.addi %add3A, %while3A_64 : i32
        %add3A_93 = arith.constant 2 : i32
        %add3A_94 = arith.addi %add3A_92, %add3A_93 : i32
        %dma_wait3A_95 = arith.constant 0 : i32
        %dma_wait3A_96 = tpu.memref_slice %arg6[%rem3A_70, %dma_wait3A_95] : memref<3x128xi32, #tpu.memory_space<vmem>> -> memref<1x128xi32, #tpu.memory_space<vmem>>
        %dma_wait3A_97 = tpu.memref_squeeze %dma_wait3A_96 : memref<1x128xi32, #tpu.memory_space<vmem>> -> memref<128xi32, #tpu.memory_space<vmem>>
        %dma_wait3A_98 = arith.constant 0 : i32
        %dma_wait3A_99 = tpu.memref_slice %arg3[%add3A_94, %dma_wait3A_98] : memref<2528x128xi32, #tpu.memory_space<hbm>> -> memref<1x128xi32, #tpu.memory_space<hbm>>
        %dma_wait3A_100 = tpu.memref_squeeze %dma_wait3A_99 : memref<1x128xi32, #tpu.memory_space<hbm>> -> memref<128xi32, #tpu.memory_space<hbm>>
        %dma_wait3A_101 = arith.constant 0 : i32
        %dma_wait3A_102 = tpu.memref_slice %arg6[%rem3A_70, %dma_wait3A_101] : memref<3x128xi32, #tpu.memory_space<vmem>> -> memref<1x128xi32, #tpu.memory_space<vmem>>
        %dma_wait3A_103 = tpu.memref_squeeze %dma_wait3A_102 : memref<1x128xi32, #tpu.memory_space<vmem>> -> memref<128xi32, #tpu.memory_space<vmem>>
        %dma_wait3A_104 = arith.constant 0 : i32
        %dma_wait3A_105 = tpu.memref_slice %arg3[%add3A_94, %dma_wait3A_104] : memref<2528x128xi32, #tpu.memory_space<hbm>> -> memref<1x128xi32, #tpu.memory_space<hbm>>
        %dma_wait3A_106 = tpu.memref_squeeze %dma_wait3A_105 : memref<1x128xi32, #tpu.memory_space<hbm>> -> memref<128xi32, #tpu.memory_space<hbm>>
        tpu.wait_dma2 semaphore(%arg11 : memref<!tpu.dma_semaphore, #tpu.memory_space<semaphore_mem>>) src(%dma_wait3A_106 : memref<128xi32, #tpu.memory_space<hbm>>) dst(%dma_wait3A_103 : memref<128xi32, #tpu.memory_space<vmem>>)
        %add3A_107 = arith.addi %add3A, %while3A_64 : i32
        %add3A_108 = arith.constant 2 : i32
        %add3A_109 = arith.addi %add3A_107, %add3A_108 : i32
        %dma_wait3A_110 = arith.constant 0 : i32
        %dma_wait3A_111 = tpu.memref_slice %arg7[%rem3A_70, %dma_wait3A_110] : memref<3x128xi32, #tpu.memory_space<vmem>> -> memref<1x128xi32, #tpu.memory_space<vmem>>
        %dma_wait3A_112 = tpu.memref_squeeze %dma_wait3A_111 : memref<1x128xi32, #tpu.memory_space<vmem>> -> memref<128xi32, #tpu.memory_space<vmem>>
        %dma_wait3A_113 = arith.constant 0 : i32
        %dma_wait3A_114 = tpu.memref_slice %arg4[%add3A_109, %dma_wait3A_113] : memref<2528x128xi32, #tpu.memory_space<hbm>> -> memref<1x128xi32, #tpu.memory_space<hbm>>
        %dma_wait3A_115 = tpu.memref_squeeze %dma_wait3A_114 : memref<1x128xi32, #tpu.memory_space<hbm>> -> memref<128xi32, #tpu.memory_space<hbm>>
        %dma_wait3A_116 = arith.constant 0 : i32
        %dma_wait3A_117 = tpu.memref_slice %arg7[%rem3A_70, %dma_wait3A_116] : memref<3x128xi32, #tpu.memory_space<vmem>> -> memref<1x128xi32, #tpu.memory_space<vmem>>
        %dma_wait3A_118 = tpu.memref_squeeze %dma_wait3A_117 : memref<1x128xi32, #tpu.memory_space<vmem>> -> memref<128xi32, #tpu.memory_space<vmem>>
        %dma_wait3A_119 = arith.constant 0 : i32
        %dma_wait3A_120 = tpu.memref_slice %arg4[%add3A_109, %dma_wait3A_119] : memref<2528x128xi32, #tpu.memory_space<hbm>> -> memref<1x128xi32, #tpu.memory_space<hbm>>
        %dma_wait3A_121 = tpu.memref_squeeze %dma_wait3A_120 : memref<1x128xi32, #tpu.memory_space<hbm>> -> memref<128xi32, #tpu.memory_space<hbm>>
        tpu.wait_dma2 semaphore(%arg11 : memref<!tpu.dma_semaphore, #tpu.memory_space<semaphore_mem>>) src(%dma_wait3A_121 : memref<128xi32, #tpu.memory_space<hbm>>) dst(%dma_wait3A_118 : memref<128xi32, #tpu.memory_space<vmem>>)
        %dma_start3A = arith.constant 0 : i32
        %dma_start3A_122 = arith.constant 0 : i32
        %dma_start3A_123 = tpu.memref_slice %arg8[%rem3A_70, %dma_start3A, %dma_start3A_122] : memref<3x128x128xf32, #tpu.memory_space<vmem>> -> memref<1x128x128xf32, #tpu.memory_space<vmem>>
        %dma_start3A_124 = tpu.memref_squeeze %dma_start3A_123 : memref<1x128x128xf32, #tpu.memory_space<vmem>> -> memref<128x128xf32, #tpu.memory_space<vmem>>
        %dma_start3A_125 = arith.constant 0 : i32
        %dma_start3A_126 = tpu.memref_slice %arg6[%rem3A_70, %dma_start3A_125] : memref<3x128xi32, #tpu.memory_space<vmem>> -> memref<1x128xi32, #tpu.memory_space<vmem>>
        %dma_start3A_127 = tpu.memref_squeeze %dma_start3A_126 : memref<1x128xi32, #tpu.memory_space<vmem>> -> memref<128xi32, #tpu.memory_space<vmem>>
        %dma_start3A_128 = arith.constant 0 : i32
        %dma_start3A_129 = arith.constant 0 : i32
        %dma_start3A_130 = tpu.memref_slice %arg2[%dma_start3A_128, %dma_start3A_129] : memref<10112x128xf32, #tpu.memory_space<hbm>> -> memref<10112x128xf32, #tpu.memory_space<hbm>>
        tpu.enqueue_indirect_dma source(%dma_start3A_130 : memref<10112x128xf32, #tpu.memory_space<hbm>>) target(%dma_start3A_124 : memref<128x128xf32, #tpu.memory_space<vmem>>) offsets(%dma_start3A_127 : memref<128xi32, #tpu.memory_space<vmem>>) semaphore(%arg10 : memref<!tpu.dma_semaphore, #tpu.memory_space<semaphore_mem>>)
      } else {
      }
      "tpu.region"() ({
        %run_scoped3A_92 = tpu.sem_alloc : memref<!tpu.dma_semaphore, #tpu.memory_space<semaphore_mem>>
        %dma_start3A = arith.constant 0 : i32
        %dma_start3A_93 = arith.constant 0 : i32
        %dma_start3A_94 = tpu.memref_slice %arg8[%rem3A_66, %dma_start3A, %dma_start3A_93] : memref<3x128x128xf32, #tpu.memory_space<vmem>> -> memref<1x128x128xf32, #tpu.memory_space<vmem>>
        %dma_start3A_95 = tpu.memref_squeeze %dma_start3A_94 : memref<1x128x128xf32, #tpu.memory_space<vmem>> -> memref<128x128xf32, #tpu.memory_space<vmem>>
        %dma_start3A_96 = arith.constant 0 : i32
        %dma_start3A_97 = tpu.memref_slice %arg7[%rem3A_66, %dma_start3A_96] : memref<3x128xi32, #tpu.memory_space<vmem>> -> memref<1x128xi32, #tpu.memory_space<vmem>>
        %dma_start3A_98 = tpu.memref_squeeze %dma_start3A_97 : memref<1x128xi32, #tpu.memory_space<vmem>> -> memref<128xi32, #tpu.memory_space<vmem>>
        %dma_start3A_99 = arith.constant 0 : i32
        %dma_start3A_100 = arith.constant 0 : i32
        %dma_start3A_101 = tpu.memref_slice %arg9[%dma_start3A_99, %dma_start3A_100] : memref<10112x128xf32, #tpu.memory_space<vmem_shared>> -> memref<10112x128xf32, #tpu.memory_space<vmem_shared>>
        tpu.enqueue_indirect_dma source(%dma_start3A_95 : memref<128x128xf32, #tpu.memory_space<vmem>>) target(%dma_start3A_101 : memref<10112x128xf32, #tpu.memory_space<vmem_shared>>) offsets(%dma_start3A_98 : memref<128xi32, #tpu.memory_space<vmem>>) semaphore(%run_scoped3A_92 : memref<!tpu.dma_semaphore, #tpu.memory_space<semaphore_mem>>) {add = true}
        %dma_wait3A_102 = arith.constant 0 : i32
        %dma_wait3A_103 = arith.constant 0 : i32
        %dma_wait3A_104 = tpu.memref_slice %arg8[%rem3A_66, %dma_wait3A_102, %dma_wait3A_103] : memref<3x128x128xf32, #tpu.memory_space<vmem>> -> memref<1x128x128xf32, #tpu.memory_space<vmem>>
        %dma_wait3A_105 = tpu.memref_squeeze %dma_wait3A_104 : memref<1x128x128xf32, #tpu.memory_space<vmem>> -> memref<128x128xf32, #tpu.memory_space<vmem>>
        %dma_wait3A_106 = arith.constant 0 : i32
        %dma_wait3A_107 = tpu.memref_slice %arg7[%rem3A_66, %dma_wait3A_106] : memref<3x128xi32, #tpu.memory_space<vmem>> -> memref<1x128xi32, #tpu.memory_space<vmem>>
        %dma_wait3A_108 = tpu.memref_squeeze %dma_wait3A_107 : memref<1x128xi32, #tpu.memory_space<vmem>> -> memref<128xi32, #tpu.memory_space<vmem>>
        %dma_wait3A_109 = arith.constant 0 : i32
        %dma_wait3A_110 = arith.constant 0 : i32
        %dma_wait3A_111 = tpu.memref_slice %arg9[%dma_wait3A_109, %dma_wait3A_110] : memref<10112x128xf32, #tpu.memory_space<vmem_shared>> -> memref<10112x128xf32, #tpu.memory_space<vmem_shared>>
        tpu.wait_indirect_dma semaphore(%run_scoped3A_92 : memref<!tpu.dma_semaphore, #tpu.memory_space<semaphore_mem>>) src(%dma_wait3A_105 : memref<128x128xf32, #tpu.memory_space<vmem>>) dst(%dma_wait3A_111 : memref<10112x128xf32, #tpu.memory_space<vmem_shared>>)
        tpu.yield
      }) : () -> ()
      %add3A_85 = arith.constant 3 : i32
      %add3A_86 = arith.addi %while3A_64, %add3A_85 : i32
      %lt3A_87 = arith.cmpi slt, %add3A_86, %select_n3A : i32
      %convert_element_type3A_88 = arith.extui %lt3A_87 : i1 to i32
      %cond3A_89 = arith.constant 0 : i32
      %cond3A_90 = arith.cmpi ne, %convert_element_type3A_88, %cond3A_89 : i32
      scf.if %cond3A_90 {
        %add3A_92 = arith.addi %add3A, %while3A_64 : i32
        %add3A_93 = arith.constant 3 : i32
        %add3A_94 = arith.addi %add3A_92, %add3A_93 : i32
        %dma_start3A = arith.constant 0 : i32
        %dma_start3A_95 = tpu.memref_slice %arg6[%rem3A_66, %dma_start3A] : memref<3x128xi32, #tpu.memory_space<vmem>> -> memref<1x128xi32, #tpu.memory_space<vmem>>
        %dma_start3A_96 = tpu.memref_squeeze %dma_start3A_95 : memref<1x128xi32, #tpu.memory_space<vmem>> -> memref<128xi32, #tpu.memory_space<vmem>>
        %dma_start3A_97 = arith.constant 0 : i32
        %dma_start3A_98 = tpu.memref_slice %arg3[%add3A_94, %dma_start3A_97] : memref<2528x128xi32, #tpu.memory_space<hbm>> -> memref<1x128xi32, #tpu.memory_space<hbm>>
        %dma_start3A_99 = tpu.memref_squeeze %dma_start3A_98 : memref<1x128xi32, #tpu.memory_space<hbm>> -> memref<128xi32, #tpu.memory_space<hbm>>
        %dma_start3A_100 = arith.constant 0 : i32
        %dma_start3A_101 = tpu.memref_slice %arg6[%rem3A_66, %dma_start3A_100] : memref<3x128xi32, #tpu.memory_space<vmem>> -> memref<1x128xi32, #tpu.memory_space<vmem>>
        %dma_start3A_102 = tpu.memref_squeeze %dma_start3A_101 : memref<1x128xi32, #tpu.memory_space<vmem>> -> memref<128xi32, #tpu.memory_space<vmem>>
        %dma_start3A_103 = arith.constant 0 : i32
        %dma_start3A_104 = tpu.memref_slice %arg3[%add3A_94, %dma_start3A_103] : memref<2528x128xi32, #tpu.memory_space<hbm>> -> memref<1x128xi32, #tpu.memory_space<hbm>>
        %dma_start3A_105 = tpu.memref_squeeze %dma_start3A_104 : memref<1x128xi32, #tpu.memory_space<hbm>> -> memref<128xi32, #tpu.memory_space<hbm>>
        tpu.enqueue_dma source(%dma_start3A_105 : memref<128xi32, #tpu.memory_space<hbm>>) target(%dma_start3A_102 : memref<128xi32, #tpu.memory_space<vmem>>) target_semaphore(%arg11 : memref<!tpu.dma_semaphore, #tpu.memory_space<semaphore_mem>>)
        %add3A_106 = arith.addi %add3A, %while3A_64 : i32
        %add3A_107 = arith.constant 3 : i32
        %add3A_108 = arith.addi %add3A_106, %add3A_107 : i32
        %dma_start3A_109 = arith.constant 0 : i32
        %dma_start3A_110 = tpu.memref_slice %arg7[%rem3A_66, %dma_start3A_109] : memref<3x128xi32, #tpu.memory_space<vmem>> -> memref<1x128xi32, #tpu.memory_space<vmem>>
        %dma_start3A_111 = tpu.memref_squeeze %dma_start3A_110 : memref<1x128xi32, #tpu.memory_space<vmem>> -> memref<128xi32, #tpu.memory_space<vmem>>
        %dma_start3A_112 = arith.constant 0 : i32
        %dma_start3A_113 = tpu.memref_slice %arg4[%add3A_108, %dma_start3A_112] : memref<2528x128xi32, #tpu.memory_space<hbm>> -> memref<1x128xi32, #tpu.memory_space<hbm>>
        %dma_start3A_114 = tpu.memref_squeeze %dma_start3A_113 : memref<1x128xi32, #tpu.memory_space<hbm>> -> memref<128xi32, #tpu.memory_space<hbm>>
        %dma_start3A_115 = arith.constant 0 : i32
        %dma_start3A_116 = tpu.memref_slice %arg7[%rem3A_66, %dma_start3A_115] : memref<3x128xi32, #tpu.memory_space<vmem>> -> memref<1x128xi32, #tpu.memory_space<vmem>>
        %dma_start3A_117 = tpu.memref_squeeze %dma_start3A_116 : memref<1x128xi32, #tpu.memory_space<vmem>> -> memref<128xi32, #tpu.memory_space<vmem>>
        %dma_start3A_118 = arith.constant 0 : i32
        %dma_start3A_119 = tpu.memref_slice %arg4[%add3A_108, %dma_start3A_118] : memref<2528x128xi32, #tpu.memory_space<hbm>> -> memref<1x128xi32, #tpu.memory_space<hbm>>
        %dma_start3A_120 = tpu.memref_squeeze %dma_start3A_119 : memref<1x128xi32, #tpu.memory_space<hbm>> -> memref<128xi32, #tpu.memory_space<hbm>>
        tpu.enqueue_dma source(%dma_start3A_120 : memref<128xi32, #tpu.memory_space<hbm>>) target(%dma_start3A_117 : memref<128xi32, #tpu.memory_space<vmem>>) target_semaphore(%arg11 : memref<!tpu.dma_semaphore, #tpu.memory_space<semaphore_mem>>)
      } else {
      }
      %while3A_91 = arith.constant 0 : i32
      scf.yield %while3A_91 : i32
    }
    %barrier3A_59 = arith.constant 0 : index
    tpu.barrier barrier_id(%barrier3A_59)
    %mul3A_60 = arith.constant 632 : i32
    %mul3A_61 = arith.muli %arg1, %mul3A_60 : i32
    %mul3A_62 = arith.constant 632 : i32
    %mul3A_63 = arith.muli %arg1, %mul3A_62 : i32
    "tpu.region"() ({
      %run_scoped3A_64 = tpu.sem_alloc : memref<!tpu.dma_semaphore, #tpu.memory_space<semaphore_mem>>
      %dma_start3A = arith.constant 0 : i32
      %dma_start3A_65 = tpu.memref_slice %arg5[%arg0, %mul3A_63, %dma_start3A] : memref<2x10112x128xf32, #tpu.memory_space<hbm>> -> memref<1x632x128xf32, #tpu.memory_space<hbm>>
      %dma_start3A_66 = tpu.memref_squeeze %dma_start3A_65 : memref<1x632x128xf32, #tpu.memory_space<hbm>> -> memref<632x128xf32, #tpu.memory_space<hbm>>
      %dma_start3A_67 = arith.constant 0 : i32
      %dma_start3A_68 = tpu.memref_slice %arg9[%mul3A_61, %dma_start3A_67] : memref<10112x128xf32, #tpu.memory_space<vmem_shared>> -> memref<632x128xf32, #tpu.memory_space<vmem_shared>>
      tpu.enqueue_dma source(%dma_start3A_68 : memref<632x128xf32, #tpu.memory_space<vmem_shared>>) target(%dma_start3A_66 : memref<632x128xf32, #tpu.memory_space<hbm>>) target_semaphore(%run_scoped3A_64 : memref<!tpu.dma_semaphore, #tpu.memory_space<semaphore_mem>>)
      %dma_wait3A = arith.constant 0 : i32
      %dma_wait3A_69 = tpu.memref_slice %arg5[%arg0, %mul3A_63, %dma_wait3A] : memref<2x10112x128xf32, #tpu.memory_space<hbm>> -> memref<1x632x128xf32, #tpu.memory_space<hbm>>
      %dma_wait3A_70 = tpu.memref_squeeze %dma_wait3A_69 : memref<1x632x128xf32, #tpu.memory_space<hbm>> -> memref<632x128xf32, #tpu.memory_space<hbm>>
      %dma_wait3A_71 = arith.constant 0 : i32
      %dma_wait3A_72 = tpu.memref_slice %arg9[%mul3A_61, %dma_wait3A_71] : memref<10112x128xf32, #tpu.memory_space<vmem_shared>> -> memref<632x128xf32, #tpu.memory_space<vmem_shared>>
      tpu.wait_dma2 semaphore(%run_scoped3A_64 : memref<!tpu.dma_semaphore, #tpu.memory_space<semaphore_mem>>) src(%dma_wait3A_72 : memref<632x128xf32, #tpu.memory_space<vmem_shared>>) dst(%dma_wait3A_70 : memref<632x128xf32, #tpu.memory_space<hbm>>)
      tpu.yield
    }) : () -> ()
    return
  }
}

#map = affine_map<(d0, d1) -> (0, 0)>
#map1 = affine_map<(d0, d1) -> (0, 0, 0)>
module attributes {stable_mosaic.version = 14 : i64} {
  func.func @_scatter_kernel(%arg0: i32, %arg1: i32, %arg2: memref<10112x128xf32, #tpu.memory_space<hbm>>, %arg3: memref<2528x128xi32, #tpu.memory_space<hbm>>, %arg4: memref<2528x128xi32, #tpu.memory_space<hbm>>, %arg5: memref<2x10112x128xf32, #tpu.memory_space<hbm>>, %arg6: memref<3x128xi32, #tpu.memory_space<vmem>>, %arg7: memref<3x128xi32, #tpu.memory_space<vmem>>, %arg8: memref<3x128x128xf32, #tpu.memory_space<vmem>>, %arg9: memref<10112x128xf32, #tpu.memory_space<vmem_shared>>, %arg10: memref<!tpu.dma_semaphore, #tpu.memory_space<semaphore_mem>>, %arg11: memref<!tpu.dma_semaphore, #tpu.memory_space<semaphore_mem>>) attributes {dimension_semantics = [#tpu.dimension_semantics<core_parallel>, #tpu.dimension_semantics<subcore_parallel>], iteration_bounds = array<i64: 2, 16>, scalar_prefetch = 0 : i64, scratch_operands = 6 : i64, tpu.core_type = #tpu.core_type<sc_vector_subcore>, window_params = [{transform_indices = #map}, {transform_indices = #map}, {transform_indices = #map}, {transform_indices = #map1}]} {
    %mul3A = arith.constant 158 : i32
    %mul3A_0 = arith.muli %arg1, %mul3A : i32
    %mul3A_1 = arith.constant 138 : i32
    %mul3A_2 = arith.muli %arg0, %mul3A_1 : i32
    %add3A = arith.addi %mul3A_0, %mul3A_2 : i32
    %eq3A = arith.constant 0 : i32
    %eq3A_3 = arith.cmpi eq, %arg0, %eq3A : i32
    %jit3A = arith.constant 138 : i32
    %jit3A_4 = arith.constant 20 : i32
    %select_n3A = arith.select %eq3A_3, %jit3A, %jit3A_4 : i32
    %broadcast_in_dim3A = arith.constant 0.000000e+00 : f32
    %broadcast_in_dim3A_5 = vector.broadcast %broadcast_in_dim3A : f32 to vector<16xf32>
    %scan3A = arith.constant 0 : i32
    %scan3A_6 = arith.constant 0 : i32
    %scan3A_7 = arith.constant 128 : i32
    %scan3A_8 = arith.addi %scan3A_6, %scan3A_7 : i32
    %scan3A_9 = arith.constant 1 : i32
    %scan3A_10 = scf.for %scan3A_64 = %scan3A_6 to %scan3A_8 step %scan3A_9 iter_args(%scan3A_65 = %scan3A) -> (i32)  : i32 {
      %scan3A_66 = arith.constant 0 : i32
      %scan3A_67 = arith.constant 0 : i32
      %scan3A_68 = arith.constant 8 : i32
      %scan3A_69 = arith.addi %scan3A_67, %scan3A_68 : i32
      %scan3A_70 = arith.constant 1 : i32
      %scan3A_71 = scf.for %scan3A_73 = %scan3A_67 to %scan3A_69 step %scan3A_70 iter_args(%scan3A_74 = %scan3A_66) -> (i32)  : i32 {
        %mul3A_75 = arith.constant 16 : i32
        %mul3A_76 = arith.muli %scan3A_73, %mul3A_75 : i32
        %swap3A = arith.constant 0 : i32
        %swap3A_77 = arith.index_cast %swap3A : i32 to index
        %swap3A_78 = arith.index_cast %scan3A_64 : i32 to index
        %swap3A_79 = arith.index_cast %mul3A_76 : i32 to index
        %swap3A_80 = tpu.vector_load %arg8[%swap3A_77, %swap3A_78, %swap3A_79] {strides = array<i32>} : memref<3x128x128xf32, #tpu.memory_space<vmem>>, vector<1x1x16xf32>,
        %swap3A_81 = vector.shape_cast %swap3A_80 : vector<1x1x16xf32> to vector<16xf32>
        %swap3A_82 = vector.shape_cast %broadcast_in_dim3A_5 : vector<16xf32> to vector<1x1x16xf32>
        tpu.vector_store %arg8[%swap3A_77, %swap3A_78, %swap3A_79], %swap3A_82 {strides = array<i32>} : memref<3x128x128xf32, #tpu.memory_space<vmem>>, vector<1x1x16xf32>,
        %scan3A_83 = arith.constant 0 : i32
        scf.yield %scan3A_83 : i32
      }
      %scan3A_72 = arith.constant 8 : i32
      scf.yield %scan3A_71 : i32
    }
    %scan3A_11 = arith.constant 128 : i32
    %mul3A_12 = arith.constant 632 : i32
    %mul3A_13 = arith.muli %arg1, %mul3A_12 : i32
    %add3A_14 = arith.constant 0 : i32
    %add3A_15 = arith.addi %mul3A_13, %add3A_14 : i32
    %run_scoped3A = arith.constant 0 : i32
    "tpu.region"() ({
      %run_scoped3A_64 = tpu.sem_alloc : memref<!tpu.dma_semaphore, #tpu.memory_space<semaphore_mem>>
      %dma_start3A = arith.constant 0 : i32
      %dma_start3A_65 = arith.constant 0 : i32
      %dma_start3A_66 = tpu.memref_slice %arg8[%run_scoped3A, %dma_start3A, %dma_start3A_65] : memref<3x128x128xf32, #tpu.memory_space<vmem>> -> memref<1x128x128xf32, #tpu.memory_space<vmem>>
      %dma_start3A_67 = tpu.memref_squeeze %dma_start3A_66 : memref<1x128x128xf32, #tpu.memory_space<vmem>> -> memref<128x128xf32, #tpu.memory_space<vmem>>
      %dma_start3A_68 = arith.constant 0 : i32
      %dma_start3A_69 = tpu.memref_slice %arg9[%add3A_15, %dma_start3A_68] : memref<10112x128xf32, #tpu.memory_space<vmem_shared>> -> memref<128x128xf32, #tpu.memory_space<vmem_shared>>
      %dma_start3A_70 = arith.constant 0 : i32
      %dma_start3A_71 = tpu.memref_slice %arg9[%add3A_15, %dma_start3A_70] : memref<10112x128xf32, #tpu.memory_space<vmem_shared>> -> memref<128x128xf32, #tpu.memory_space<vmem_shared>>
      %dma_start3A_72 = arith.constant 0 : i32
      %dma_start3A_73 = arith.constant 0 : i32
      %dma_start3A_74 = tpu.memref_slice %arg8[%run_scoped3A, %dma_start3A_72, %dma_start3A_73] : memref<3x128x128xf32, #tpu.memory_space<vmem>> -> memref<1x128x128xf32, #tpu.memory_space<vmem>>
      %dma_start3A_75 = tpu.memref_squeeze %dma_start3A_74 : memref<1x128x128xf32, #tpu.memory_space<vmem>> -> memref<128x128xf32, #tpu.memory_space<vmem>>
      tpu.enqueue_dma source(%dma_start3A_75 : memref<128x128xf32, #tpu.memory_space<vmem>>) target(%dma_start3A_71 : memref<128x128xf32, #tpu.memory_space<vmem_shared>>) target_semaphore(%run_scoped3A_64 : memref<!tpu.dma_semaphore, #tpu.memory_space<semaphore_mem>>)
      %dma_wait3A = arith.constant 0 : i32
      %dma_wait3A_76 = arith.constant 0 : i32
      %dma_wait3A_77 = tpu.memref_slice %arg8[%run_scoped3A, %dma_wait3A, %dma_wait3A_76] : memref<3x128x128xf32, #tpu.memory_space<vmem>> -> memref<1x128x128xf32, #tpu.memory_space<vmem>>
      %dma_wait3A_78 = tpu.memref_squeeze %dma_wait3A_77 : memref<1x128x128xf32, #tpu.memory_space<vmem>> -> memref<128x128xf32, #tpu.memory_space<vmem>>
      %dma_wait3A_79 = arith.constant 0 : i32
      %dma_wait3A_80 = tpu.memref_slice %arg9[%add3A_15, %dma_wait3A_79] : memref<10112x128xf32, #tpu.memory_space<vmem_shared>> -> memref<128x128xf32, #tpu.memory_space<vmem_shared>>
      %dma_wait3A_81 = arith.constant 0 : i32
      %dma_wait3A_82 = tpu.memref_slice %arg9[%add3A_15, %dma_wait3A_81] : memref<10112x128xf32, #tpu.memory_space<vmem_shared>> -> memref<128x128xf32, #tpu.memory_space<vmem_shared>>
      %dma_wait3A_83 = arith.constant 0 : i32
      %dma_wait3A_84 = arith.constant 0 : i32
      %dma_wait3A_85 = tpu.memref_slice %arg8[%run_scoped3A, %dma_wait3A_83, %dma_wait3A_84] : memref<3x128x128xf32, #tpu.memory_space<vmem>> -> memref<1x128x128xf32, #tpu.memory_space<vmem>>
      %dma_wait3A_86 = tpu.memref_squeeze %dma_wait3A_85 : memref<1x128x128xf32, #tpu.memory_space<vmem>> -> memref<128x128xf32, #tpu.memory_space<vmem>>
      tpu.wait_dma2 semaphore(%run_scoped3A_64 : memref<!tpu.dma_semaphore, #tpu.memory_space<semaphore_mem>>) src(%dma_wait3A_86 : memref<128x128xf32, #tpu.memory_space<vmem>>) dst(%dma_wait3A_82 : memref<128x128xf32, #tpu.memory_space<vmem_shared>>)
      tpu.yield
    }) : () -> ()
    %mul3A_16 = arith.constant 632 : i32
    %mul3A_17 = arith.muli %arg1, %mul3A_16 : i32
    %add3A_18 = arith.constant 128 : i32
    %add3A_19 = arith.addi %mul3A_17, %add3A_18 : i32
    %run_scoped3A_20 = arith.constant 0 : i32
    "tpu.region"() ({
      %run_scoped3A_64 = tpu.sem_alloc : memref<!tpu.dma_semaphore, #tpu.memory_space<semaphore_mem>>
      %dma_start3A = arith.constant 0 : i32
      %dma_start3A_65 = arith.constant 0 : i32
      %dma_start3A_66 = tpu.memref_slice %arg8[%run_scoped3A_20, %dma_start3A, %dma_start3A_65] : memref<3x128x128xf32, #tpu.memory_space<vmem>> -> memref<1x128x128xf32, #tpu.memory_space<vmem>>
      %dma_start3A_67 = tpu.memref_squeeze %dma_start3A_66 : memref<1x128x128xf32, #tpu.memory_space<vmem>> -> memref<128x128xf32, #tpu.memory_space<vmem>>
      %dma_start3A_68 = arith.constant 0 : i32
      %dma_start3A_69 = tpu.memref_slice %arg9[%add3A_19, %dma_start3A_68] : memref<10112x128xf32, #tpu.memory_space<vmem_shared>> -> memref<128x128xf32, #tpu.memory_space<vmem_shared>>
      %dma_start3A_70 = arith.constant 0 : i32
      %dma_start3A_71 = tpu.memref_slice %arg9[%add3A_19, %dma_start3A_70] : memref<10112x128xf32, #tpu.memory_space<vmem_shared>> -> memref<128x128xf32, #tpu.memory_space<vmem_shared>>
      %dma_start3A_72 = arith.constant 0 : i32
      %dma_start3A_73 = arith.constant 0 : i32
      %dma_start3A_74 = tpu.memref_slice %arg8[%run_scoped3A_20, %dma_start3A_72, %dma_start3A_73] : memref<3x128x128xf32, #tpu.memory_space<vmem>> -> memref<1x128x128xf32, #tpu.memory_space<vmem>>
      %dma_start3A_75 = tpu.memref_squeeze %dma_start3A_74 : memref<1x128x128xf32, #tpu.memory_space<vmem>> -> memref<128x128xf32, #tpu.memory_space<vmem>>
      tpu.enqueue_dma source(%dma_start3A_75 : memref<128x128xf32, #tpu.memory_space<vmem>>) target(%dma_start3A_71 : memref<128x128xf32, #tpu.memory_space<vmem_shared>>) target_semaphore(%run_scoped3A_64 : memref<!tpu.dma_semaphore, #tpu.memory_space<semaphore_mem>>)
      %dma_wait3A = arith.constant 0 : i32
      %dma_wait3A_76 = arith.constant 0 : i32
      %dma_wait3A_77 = tpu.memref_slice %arg8[%run_scoped3A_20, %dma_wait3A, %dma_wait3A_76] : memref<3x128x128xf32, #tpu.memory_space<vmem>> -> memref<1x128x128xf32, #tpu.memory_space<vmem>>
      %dma_wait3A_78 = tpu.memref_squeeze %dma_wait3A_77 : memref<1x128x128xf32, #tpu.memory_space<vmem>> -> memref<128x128xf32, #tpu.memory_space<vmem>>
      %dma_wait3A_79 = arith.constant 0 : i32
      %dma_wait3A_80 = tpu.memref_slice %arg9[%add3A_19, %dma_wait3A_79] : memref<10112x128xf32, #tpu.memory_space<vmem_shared>> -> memref<128x128xf32, #tpu.memory_space<vmem_shared>>
      %dma_wait3A_81 = arith.constant 0 : i32
      %dma_wait3A_82 = tpu.memref_slice %arg9[%add3A_19, %dma_wait3A_81] : memref<10112x128xf32, #tpu.memory_space<vmem_shared>> -> memref<128x128xf32, #tpu.memory_space<vmem_shared>>
      %dma_wait3A_83 = arith.constant 0 : i32
      %dma_wait3A_84 = arith.constant 0 : i32
      %dma_wait3A_85 = tpu.memref_slice %arg8[%run_scoped3A_20, %dma_wait3A_83, %dma_wait3A_84] : memref<3x128x128xf32, #tpu.memory_space<vmem>> -> memref<1x128x128xf32, #tpu.memory_space<vmem>>
      %dma_wait3A_86 = tpu.memref_squeeze %dma_wait3A_85 : memref<1x128x128xf32, #tpu.memory_space<vmem>> -> memref<128x128xf32, #tpu.memory_space<vmem>>
      tpu.wait_dma2 semaphore(%run_scoped3A_64 : memref<!tpu.dma_semaphore, #tpu.memory_space<semaphore_mem>>) src(%dma_wait3A_86 : memref<128x128xf32, #tpu.memory_space<vmem>>) dst(%dma_wait3A_82 : memref<128x128xf32, #tpu.memory_space<vmem_shared>>)
      tpu.yield
    }) : () -> ()
    %mul3A_21 = arith.constant 632 : i32
    %mul3A_22 = arith.muli %arg1, %mul3A_21 : i32
    %add3A_23 = arith.constant 256 : i32
    %add3A_24 = arith.addi %mul3A_22, %add3A_23 : i32
    %run_scoped3A_25 = arith.constant 0 : i32
    "tpu.region"() ({
      %run_scoped3A_64 = tpu.sem_alloc : memref<!tpu.dma_semaphore, #tpu.memory_space<semaphore_mem>>
      %dma_start3A = arith.constant 0 : i32
      %dma_start3A_65 = arith.constant 0 : i32
      %dma_start3A_66 = tpu.memref_slice %arg8[%run_scoped3A_25, %dma_start3A, %dma_start3A_65] : memref<3x128x128xf32, #tpu.memory_space<vmem>> -> memref<1x128x128xf32, #tpu.memory_space<vmem>>
      %dma_start3A_67 = tpu.memref_squeeze %dma_start3A_66 : memref<1x128x128xf32, #tpu.memory_space<vmem>> -> memref<128x128xf32, #tpu.memory_space<vmem>>
      %dma_start3A_68 = arith.constant 0 : i32
      %dma_start3A_69 = tpu.memref_slice %arg9[%add3A_24, %dma_start3A_68] : memref<10112x128xf32, #tpu.memory_space<vmem_shared>> -> memref<128x128xf32, #tpu.memory_space<vmem_shared>>
      %dma_start3A_70 = arith.constant 0 : i32
      %dma_start3A_71 = tpu.memref_slice %arg9[%add3A_24, %dma_start3A_70] : memref<10112x128xf32, #tpu.memory_space<vmem_shared>> -> memref<128x128xf32, #tpu.memory_space<vmem_shared>>
      %dma_start3A_72 = arith.constant 0 : i32
      %dma_start3A_73 = arith.constant 0 : i32
      %dma_start3A_74 = tpu.memref_slice %arg8[%run_scoped3A_25, %dma_start3A_72, %dma_start3A_73] : memref<3x128x128xf32, #tpu.memory_space<vmem>> -> memref<1x128x128xf32, #tpu.memory_space<vmem>>
      %dma_start3A_75 = tpu.memref_squeeze %dma_start3A_74 : memref<1x128x128xf32, #tpu.memory_space<vmem>> -> memref<128x128xf32, #tpu.memory_space<vmem>>
      tpu.enqueue_dma source(%dma_start3A_75 : memref<128x128xf32, #tpu.memory_space<vmem>>) target(%dma_start3A_71 : memref<128x128xf32, #tpu.memory_space<vmem_shared>>) target_semaphore(%run_scoped3A_64 : memref<!tpu.dma_semaphore, #tpu.memory_space<semaphore_mem>>)
      %dma_wait3A = arith.constant 0 : i32
      %dma_wait3A_76 = arith.constant 0 : i32
      %dma_wait3A_77 = tpu.memref_slice %arg8[%run_scoped3A_25, %dma_wait3A, %dma_wait3A_76] : memref<3x128x128xf32, #tpu.memory_space<vmem>> -> memref<1x128x128xf32, #tpu.memory_space<vmem>>
      %dma_wait3A_78 = tpu.memref_squeeze %dma_wait3A_77 : memref<1x128x128xf32, #tpu.memory_space<vmem>> -> memref<128x128xf32, #tpu.memory_space<vmem>>
      %dma_wait3A_79 = arith.constant 0 : i32
      %dma_wait3A_80 = tpu.memref_slice %arg9[%add3A_24, %dma_wait3A_79] : memref<10112x128xf32, #tpu.memory_space<vmem_shared>> -> memref<128x128xf32, #tpu.memory_space<vmem_shared>>
      %dma_wait3A_81 = arith.constant 0 : i32
      %dma_wait3A_82 = tpu.memref_slice %arg9[%add3A_24, %dma_wait3A_81] : memref<10112x128xf32, #tpu.memory_space<vmem_shared>> -> memref<128x128xf32, #tpu.memory_space<vmem_shared>>
      %dma_wait3A_83 = arith.constant 0 : i32
      %dma_wait3A_84 = arith.constant 0 : i32
      %dma_wait3A_85 = tpu.memref_slice %arg8[%run_scoped3A_25, %dma_wait3A_83, %dma_wait3A_84] : memref<3x128x128xf32, #tpu.memory_space<vmem>> -> memref<1x128x128xf32, #tpu.memory_space<vmem>>
      %dma_wait3A_86 = tpu.memref_squeeze %dma_wait3A_85 : memref<1x128x128xf32, #tpu.memory_space<vmem>> -> memref<128x128xf32, #tpu.memory_space<vmem>>
      tpu.wait_dma2 semaphore(%run_scoped3A_64 : memref<!tpu.dma_semaphore, #tpu.memory_space<semaphore_mem>>) src(%dma_wait3A_86 : memref<128x128xf32, #tpu.memory_space<vmem>>) dst(%dma_wait3A_82 : memref<128x128xf32, #tpu.memory_space<vmem_shared>>)
      tpu.yield
    }) : () -> ()
    %mul3A_26 = arith.constant 632 : i32
    %mul3A_27 = arith.muli %arg1, %mul3A_26 : i32
    %add3A_28 = arith.constant 384 : i32
    %add3A_29 = arith.addi %mul3A_27, %add3A_28 : i32
    %run_scoped3A_30 = arith.constant 0 : i32
    "tpu.region"() ({
      %run_scoped3A_64 = tpu.sem_alloc : memref<!tpu.dma_semaphore, #tpu.memory_space<semaphore_mem>>
      %dma_start3A = arith.constant 0 : i32
      %dma_start3A_65 = arith.constant 0 : i32
      %dma_start3A_66 = tpu.memref_slice %arg8[%run_scoped3A_30, %dma_start3A, %dma_start3A_65] : memref<3x128x128xf32, #tpu.memory_space<vmem>> -> memref<1x128x128xf32, #tpu.memory_space<vmem>>
      %dma_start3A_67 = tpu.memref_squeeze %dma_start3A_66 : memref<1x128x128xf32, #tpu.memory_space<vmem>> -> memref<128x128xf32, #tpu.memory_space<vmem>>
      %dma_start3A_68 = arith.constant 0 : i32
      %dma_start3A_69 = tpu.memref_slice %arg9[%add3A_29, %dma_start3A_68] : memref<10112x128xf32, #tpu.memory_space<vmem_shared>> -> memref<128x128xf32, #tpu.memory_space<vmem_shared>>
      %dma_start3A_70 = arith.constant 0 : i32
      %dma_start3A_71 = tpu.memref_slice %arg9[%add3A_29, %dma_start3A_70] : memref<10112x128xf32, #tpu.memory_space<vmem_shared>> -> memref<128x128xf32, #tpu.memory_space<vmem_shared>>
      %dma_start3A_72 = arith.constant 0 : i32
      %dma_start3A_73 = arith.constant 0 : i32
      %dma_start3A_74 = tpu.memref_slice %arg8[%run_scoped3A_30, %dma_start3A_72, %dma_start3A_73] : memref<3x128x128xf32, #tpu.memory_space<vmem>> -> memref<1x128x128xf32, #tpu.memory_space<vmem>>
      %dma_start3A_75 = tpu.memref_squeeze %dma_start3A_74 : memref<1x128x128xf32, #tpu.memory_space<vmem>> -> memref<128x128xf32, #tpu.memory_space<vmem>>
      tpu.enqueue_dma source(%dma_start3A_75 : memref<128x128xf32, #tpu.memory_space<vmem>>) target(%dma_start3A_71 : memref<128x128xf32, #tpu.memory_space<vmem_shared>>) target_semaphore(%run_scoped3A_64 : memref<!tpu.dma_semaphore, #tpu.memory_space<semaphore_mem>>)
      %dma_wait3A = arith.constant 0 : i32
      %dma_wait3A_76 = arith.constant 0 : i32
      %dma_wait3A_77 = tpu.memref_slice %arg8[%run_scoped3A_30, %dma_wait3A, %dma_wait3A_76] : memref<3x128x128xf32, #tpu.memory_space<vmem>> -> memref<1x128x128xf32, #tpu.memory_space<vmem>>
      %dma_wait3A_78 = tpu.memref_squeeze %dma_wait3A_77 : memref<1x128x128xf32, #tpu.memory_space<vmem>> -> memref<128x128xf32, #tpu.memory_space<vmem>>
      %dma_wait3A_79 = arith.constant 0 : i32
      %dma_wait3A_80 = tpu.memref_slice %arg9[%add3A_29, %dma_wait3A_79] : memref<10112x128xf32, #tpu.memory_space<vmem_shared>> -> memref<128x128xf32, #tpu.memory_space<vmem_shared>>
      %dma_wait3A_81 = arith.constant 0 : i32
      %dma_wait3A_82 = tpu.memref_slice %arg9[%add3A_29, %dma_wait3A_81] : memref<10112x128xf32, #tpu.memory_space<vmem_shared>> -> memref<128x128xf32, #tpu.memory_space<vmem_shared>>
      %dma_wait3A_83 = arith.constant 0 : i32
      %dma_wait3A_84 = arith.constant 0 : i32
      %dma_wait3A_85 = tpu.memref_slice %arg8[%run_scoped3A_30, %dma_wait3A_83, %dma_wait3A_84] : memref<3x128x128xf32, #tpu.memory_space<vmem>> -> memref<1x128x128xf32, #tpu.memory_space<vmem>>
      %dma_wait3A_86 = tpu.memref_squeeze %dma_wait3A_85 : memref<1x128x128xf32, #tpu.memory_space<vmem>> -> memref<128x128xf32, #tpu.memory_space<vmem>>
      tpu.wait_dma2 semaphore(%run_scoped3A_64 : memref<!tpu.dma_semaphore, #tpu.memory_space<semaphore_mem>>) src(%dma_wait3A_86 : memref<128x128xf32, #tpu.memory_space<vmem>>) dst(%dma_wait3A_82 : memref<128x128xf32, #tpu.memory_space<vmem_shared>>)
      tpu.yield
    }) : () -> ()
    %mul3A_31 = arith.constant 632 : i32
    %mul3A_32 = arith.muli %arg1, %mul3A_31 : i32
    %add3A_33 = arith.constant 512 : i32
    %add3A_34 = arith.addi %mul3A_32, %add3A_33 : i32
    %run_scoped3A_35 = arith.constant 0 : i32
    "tpu.region"() ({
      %run_scoped3A_64 = tpu.sem_alloc : memref<!tpu.dma_semaphore, #tpu.memory_space<semaphore_mem>>
      %dma_start3A = arith.constant 0 : i32
      %dma_start3A_65 = arith.constant 0 : i32
      %dma_start3A_66 = tpu.memref_slice %arg8[%run_scoped3A_35, %dma_start3A, %dma_start3A_65] : memref<3x128x128xf32, #tpu.memory_space<vmem>> -> memref<1x120x128xf32, #tpu.memory_space<vmem>>
      %dma_start3A_67 = tpu.memref_squeeze %dma_start3A_66 : memref<1x120x128xf32, #tpu.memory_space<vmem>> -> memref<120x128xf32, #tpu.memory_space<vmem>>
      %dma_start3A_68 = arith.constant 0 : i32
      %dma_start3A_69 = tpu.memref_slice %arg9[%add3A_34, %dma_start3A_68] : memref<10112x128xf32, #tpu.memory_space<vmem_shared>> -> memref<120x128xf32, #tpu.memory_space<vmem_shared>>
      %dma_start3A_70 = arith.constant 0 : i32
      %dma_start3A_71 = tpu.memref_slice %arg9[%add3A_34, %dma_start3A_70] : memref<10112x128xf32, #tpu.memory_space<vmem_shared>> -> memref<120x128xf32, #tpu.memory_space<vmem_shared>>
      %dma_start3A_72 = arith.constant 0 : i32
      %dma_start3A_73 = arith.constant 0 : i32
      %dma_start3A_74 = tpu.memref_slice %arg8[%run_scoped3A_35, %dma_start3A_72, %dma_start3A_73] : memref<3x128x128xf32, #tpu.memory_space<vmem>> -> memref<1x120x128xf32, #tpu.memory_space<vmem>>
      %dma_start3A_75 = tpu.memref_squeeze %dma_start3A_74 : memref<1x120x128xf32, #tpu.memory_space<vmem>> -> memref<120x128xf32, #tpu.memory_space<vmem>>
      tpu.enqueue_dma source(%dma_start3A_75 : memref<120x128xf32, #tpu.memory_space<vmem>>) target(%dma_start3A_71 : memref<120x128xf32, #tpu.memory_space<vmem_shared>>) target_semaphore(%run_scoped3A_64 : memref<!tpu.dma_semaphore, #tpu.memory_space<semaphore_mem>>)
      %dma_wait3A = arith.constant 0 : i32
      %dma_wait3A_76 = arith.constant 0 : i32
      %dma_wait3A_77 = tpu.memref_slice %arg8[%run_scoped3A_35, %dma_wait3A, %dma_wait3A_76] : memref<3x128x128xf32, #tpu.memory_space<vmem>> -> memref<1x120x128xf32, #tpu.memory_space<vmem>>
      %dma_wait3A_78 = tpu.memref_squeeze %dma_wait3A_77 : memref<1x120x128xf32, #tpu.memory_space<vmem>> -> memref<120x128xf32, #tpu.memory_space<vmem>>
      %dma_wait3A_79 = arith.constant 0 : i32
      %dma_wait3A_80 = tpu.memref_slice %arg9[%add3A_34, %dma_wait3A_79] : memref<10112x128xf32, #tpu.memory_space<vmem_shared>> -> memref<120x128xf32, #tpu.memory_space<vmem_shared>>
      %dma_wait3A_81 = arith.constant 0 : i32
      %dma_wait3A_82 = tpu.memref_slice %arg9[%add3A_34, %dma_wait3A_81] : memref<10112x128xf32, #tpu.memory_space<vmem_shared>> -> memref<120x128xf32, #tpu.memory_space<vmem_shared>>
      %dma_wait3A_83 = arith.constant 0 : i32
      %dma_wait3A_84 = arith.constant 0 : i32
      %dma_wait3A_85 = tpu.memref_slice %arg8[%run_scoped3A_35, %dma_wait3A_83, %dma_wait3A_84] : memref<3x128x128xf32, #tpu.memory_space<vmem>> -> memref<1x120x128xf32, #tpu.memory_space<vmem>>
      %dma_wait3A_86 = tpu.memref_squeeze %dma_wait3A_85 : memref<1x120x128xf32, #tpu.memory_space<vmem>> -> memref<120x128xf32, #tpu.memory_space<vmem>>
      tpu.wait_dma2 semaphore(%run_scoped3A_64 : memref<!tpu.dma_semaphore, #tpu.memory_space<semaphore_mem>>) src(%dma_wait3A_86 : memref<120x128xf32, #tpu.memory_space<vmem>>) dst(%dma_wait3A_82 : memref<120x128xf32, #tpu.memory_space<vmem_shared>>)
      tpu.yield
    }) : () -> ()
    %barrier3A = arith.constant 0 : index
    tpu.barrier barrier_id(%barrier3A)
    %gt3A = arith.constant 0 : i32
    %gt3A_36 = arith.cmpi sgt, %select_n3A, %gt3A : i32
    %convert_element_type3A = arith.extui %gt3A_36 : i1 to i32
    %cond3A = arith.constant 0 : i32
    %cond3A_37 = arith.cmpi ne, %convert_element_type3A, %cond3A : i32
    scf.if %cond3A_37 {
      %run_scoped3A_64 = arith.constant 0 : i32
      "tpu.region"() ({
        %run_scoped3A_77 = tpu.sem_alloc : memref<!tpu.dma_semaphore, #tpu.memory_space<semaphore_mem>>
        %dma_start3A_78 = arith.constant 0 : i32
        %dma_start3A_79 = tpu.memref_slice %arg6[%run_scoped3A_64, %dma_start3A_78] : memref<3x128xi32, #tpu.memory_space<vmem>> -> memref<1x128xi32, #tpu.memory_space<vmem>>
        %dma_start3A_80 = tpu.memref_squeeze %dma_start3A_79 : memref<1x128xi32, #tpu.memory_space<vmem>> -> memref<128xi32, #tpu.memory_space<vmem>>
        %dma_start3A_81 = arith.constant 0 : i32
        %dma_start3A_82 = tpu.memref_slice %arg3[%add3A, %dma_start3A_81] : memref<2528x128xi32, #tpu.memory_space<hbm>> -> memref<1x128xi32, #tpu.memory_space<hbm>>
        %dma_start3A_83 = tpu.memref_squeeze %dma_start3A_82 : memref<1x128xi32, #tpu.memory_space<hbm>> -> memref<128xi32, #tpu.memory_space<hbm>>
        %dma_start3A_84 = arith.constant 0 : i32
        %dma_start3A_85 = tpu.memref_slice %arg6[%run_scoped3A_64, %dma_start3A_84] : memref<3x128xi32, #tpu.memory_space<vmem>> -> memref<1x128xi32, #tpu.memory_space<vmem>>
        %dma_start3A_86 = tpu.memref_squeeze %dma_start3A_85 : memref<1x128xi32, #tpu.memory_space<vmem>> -> memref<128xi32, #tpu.memory_space<vmem>>
        %dma_start3A_87 = arith.constant 0 : i32
        %dma_start3A_88 = tpu.memref_slice %arg3[%add3A, %dma_start3A_87] : memref<2528x128xi32, #tpu.memory_space<hbm>> -> memref<1x128xi32, #tpu.memory_space<hbm>>
        %dma_start3A_89 = tpu.memref_squeeze %dma_start3A_88 : memref<1x128xi32, #tpu.memory_space<hbm>> -> memref<128xi32, #tpu.memory_space<hbm>>
        tpu.enqueue_dma source(%dma_start3A_89 : memref<128xi32, #tpu.memory_space<hbm>>) target(%dma_start3A_86 : memref<128xi32, #tpu.memory_space<vmem>>) target_semaphore(%run_scoped3A_77 : memref<!tpu.dma_semaphore, #tpu.memory_space<semaphore_mem>>)
        %dma_wait3A = arith.constant 0 : i32
        %dma_wait3A_90 = tpu.memref_slice %arg6[%run_scoped3A_64, %dma_wait3A] : memref<3x128xi32, #tpu.memory_space<vmem>> -> memref<1x128xi32, #tpu.memory_space<vmem>>
        %dma_wait3A_91 = tpu.memref_squeeze %dma_wait3A_90 : memref<1x128xi32, #tpu.memory_space<vmem>> -> memref<128xi32, #tpu.memory_space<vmem>>
        %dma_wait3A_92 = arith.constant 0 : i32
        %dma_wait3A_93 = tpu.memref_slice %arg3[%add3A, %dma_wait3A_92] : memref<2528x128xi32, #tpu.memory_space<hbm>> -> memref<1x128xi32, #tpu.memory_space<hbm>>
        %dma_wait3A_94 = tpu.memref_squeeze %dma_wait3A_93 : memref<1x128xi32, #tpu.memory_space<hbm>> -> memref<128xi32, #tpu.memory_space<hbm>>
        %dma_wait3A_95 = arith.constant 0 : i32
        %dma_wait3A_96 = tpu.memref_slice %arg6[%run_scoped3A_64, %dma_wait3A_95] : memref<3x128xi32, #tpu.memory_space<vmem>> -> memref<1x128xi32, #tpu.memory_space<vmem>>
        %dma_wait3A_97 = tpu.memref_squeeze %dma_wait3A_96 : memref<1x128xi32, #tpu.memory_space<vmem>> -> memref<128xi32, #tpu.memory_space<vmem>>
        %dma_wait3A_98 = arith.constant 0 : i32
        %dma_wait3A_99 = tpu.memref_slice %arg3[%add3A, %dma_wait3A_98] : memref<2528x128xi32, #tpu.memory_space<hbm>> -> memref<1x128xi32, #tpu.memory_space<hbm>>
        %dma_wait3A_100 = tpu.memref_squeeze %dma_wait3A_99 : memref<1x128xi32, #tpu.memory_space<hbm>> -> memref<128xi32, #tpu.memory_space<hbm>>
        tpu.wait_dma2 semaphore(%run_scoped3A_77 : memref<!tpu.dma_semaphore, #tpu.memory_space<semaphore_mem>>) src(%dma_wait3A_100 : memref<128xi32, #tpu.memory_space<hbm>>) dst(%dma_wait3A_97 : memref<128xi32, #tpu.memory_space<vmem>>)
        tpu.yield
      }) : () -> ()
      %run_scoped3A_65 = arith.constant 0 : i32
      "tpu.region"() ({
        %run_scoped3A_77 = tpu.sem_alloc : memref<!tpu.dma_semaphore, #tpu.memory_space<semaphore_mem>>
        %dma_start3A_78 = arith.constant 0 : i32
        %dma_start3A_79 = tpu.memref_slice %arg7[%run_scoped3A_65, %dma_start3A_78] : memref<3x128xi32, #tpu.memory_space<vmem>> -> memref<1x128xi32, #tpu.memory_space<vmem>>
        %dma_start3A_80 = tpu.memref_squeeze %dma_start3A_79 : memref<1x128xi32, #tpu.memory_space<vmem>> -> memref<128xi32, #tpu.memory_space<vmem>>
        %dma_start3A_81 = arith.constant 0 : i32
        %dma_start3A_82 = tpu.memref_slice %arg4[%add3A, %dma_start3A_81] : memref<2528x128xi32, #tpu.memory_space<hbm>> -> memref<1x128xi32, #tpu.memory_space<hbm>>
        %dma_start3A_83 = tpu.memref_squeeze %dma_start3A_82 : memref<1x128xi32, #tpu.memory_space<hbm>> -> memref<128xi32, #tpu.memory_space<hbm>>
        %dma_start3A_84 = arith.constant 0 : i32
        %dma_start3A_85 = tpu.memref_slice %arg7[%run_scoped3A_65, %dma_start3A_84] : memref<3x128xi32, #tpu.memory_space<vmem>> -> memref<1x128xi32, #tpu.memory_space<vmem>>
        %dma_start3A_86 = tpu.memref_squeeze %dma_start3A_85 : memref<1x128xi32, #tpu.memory_space<vmem>> -> memref<128xi32, #tpu.memory_space<vmem>>
        %dma_start3A_87 = arith.constant 0 : i32
        %dma_start3A_88 = tpu.memref_slice %arg4[%add3A, %dma_start3A_87] : memref<2528x128xi32, #tpu.memory_space<hbm>> -> memref<1x128xi32, #tpu.memory_space<hbm>>
        %dma_start3A_89 = tpu.memref_squeeze %dma_start3A_88 : memref<1x128xi32, #tpu.memory_space<hbm>> -> memref<128xi32, #tpu.memory_space<hbm>>
        tpu.enqueue_dma source(%dma_start3A_89 : memref<128xi32, #tpu.memory_space<hbm>>) target(%dma_start3A_86 : memref<128xi32, #tpu.memory_space<vmem>>) target_semaphore(%run_scoped3A_77 : memref<!tpu.dma_semaphore, #tpu.memory_space<semaphore_mem>>)
        %dma_wait3A = arith.constant 0 : i32
        %dma_wait3A_90 = tpu.memref_slice %arg7[%run_scoped3A_65, %dma_wait3A] : memref<3x128xi32, #tpu.memory_space<vmem>> -> memref<1x128xi32, #tpu.memory_space<vmem>>
        %dma_wait3A_91 = tpu.memref_squeeze %dma_wait3A_90 : memref<1x128xi32, #tpu.memory_space<vmem>> -> memref<128xi32, #tpu.memory_space<vmem>>
        %dma_wait3A_92 = arith.constant 0 : i32
        %dma_wait3A_93 = tpu.memref_slice %arg4[%add3A, %dma_wait3A_92] : memref<2528x128xi32, #tpu.memory_space<hbm>> -> memref<1x128xi32, #tpu.memory_space<hbm>>
        %dma_wait3A_94 = tpu.memref_squeeze %dma_wait3A_93 : memref<1x128xi32, #tpu.memory_space<hbm>> -> memref<128xi32, #tpu.memory_space<hbm>>
        %dma_wait3A_95 = arith.constant 0 : i32
        %dma_wait3A_96 = tpu.memref_slice %arg7[%run_scoped3A_65, %dma_wait3A_95] : memref<3x128xi32, #tpu.memory_space<vmem>> -> memref<1x128xi32, #tpu.memory_space<vmem>>
        %dma_wait3A_97 = tpu.memref_squeeze %dma_wait3A_96 : memref<1x128xi32, #tpu.memory_space<vmem>> -> memref<128xi32, #tpu.memory_space<vmem>>
        %dma_wait3A_98 = arith.constant 0 : i32
        %dma_wait3A_99 = tpu.memref_slice %arg4[%add3A, %dma_wait3A_98] : memref<2528x128xi32, #tpu.memory_space<hbm>> -> memref<1x128xi32, #tpu.memory_space<hbm>>
        %dma_wait3A_100 = tpu.memref_squeeze %dma_wait3A_99 : memref<1x128xi32, #tpu.memory_space<hbm>> -> memref<128xi32, #tpu.memory_space<hbm>>
        tpu.wait_dma2 semaphore(%run_scoped3A_77 : memref<!tpu.dma_semaphore, #tpu.memory_space<semaphore_mem>>) src(%dma_wait3A_100 : memref<128xi32, #tpu.memory_space<hbm>>) dst(%dma_wait3A_97 : memref<128xi32, #tpu.memory_space<vmem>>)
        tpu.yield
      }) : () -> ()
      %dma_start3A = arith.constant 0 : i32
      %dma_start3A_66 = arith.constant 0 : i32
      %dma_start3A_67 = arith.constant 0 : i32
      %dma_start3A_68 = arith.constant 0 : i32
      %dma_start3A_69 = tpu.memref_slice %arg8[%dma_start3A_66, %dma_start3A_67, %dma_start3A_68] : memref<3x128x128xf32, #tpu.memory_space<vmem>> -> memref<1x128x128xf32, #tpu.memory_space<vmem>>
      %dma_start3A_70 = tpu.memref_squeeze %dma_start3A_69 : memref<1x128x128xf32, #tpu.memory_space<vmem>> -> memref<128x128xf32, #tpu.memory_space<vmem>>
      %dma_start3A_71 = arith.constant 0 : i32
      %dma_start3A_72 = tpu.memref_slice %arg6[%dma_start3A, %dma_start3A_71] : memref<3x128xi32, #tpu.memory_space<vmem>> -> memref<1x128xi32, #tpu.memory_space<vmem>>
      %dma_start3A_73 = tpu.memref_squeeze %dma_start3A_72 : memref<1x128xi32, #tpu.memory_space<vmem>> -> memref<128xi32, #tpu.memory_space<vmem>>
      %dma_start3A_74 = arith.constant 0 : i32
      %dma_start3A_75 = arith.constant 0 : i32
      %dma_start3A_76 = tpu.memref_slice %arg2[%dma_start3A_74, %dma_start3A_75] : memref<10112x128xf32, #tpu.memory_space<hbm>> -> memref<10112x128xf32, #tpu.memory_space<hbm>>
      tpu.enqueue_indirect_dma source(%dma_start3A_76 : memref<10112x128xf32, #tpu.memory_space<hbm>>) target(%dma_start3A_70 : memref<128x128xf32, #tpu.memory_space<vmem>>) offsets(%dma_start3A_73 : memref<128xi32, #tpu.memory_space<vmem>>) semaphore(%arg10 : memref<!tpu.dma_semaphore, #tpu.memory_space<semaphore_mem>>)
    } else {
    }
    %gt3A_38 = arith.constant 1 : i32
    %gt3A_39 = arith.cmpi sgt, %select_n3A, %gt3A_38 : i32
    %convert_element_type3A_40 = arith.extui %gt3A_39 : i1 to i32
    %cond3A_41 = arith.constant 0 : i32
    %cond3A_42 = arith.cmpi ne, %convert_element_type3A_40, %cond3A_41 : i32
    scf.if %cond3A_42 {
      %add3A_64 = arith.constant 1 : i32
      %add3A_65 = arith.addi %add3A, %add3A_64 : i32
      %run_scoped3A_66 = arith.constant 1 : i32
      "tpu.region"() ({
        %run_scoped3A_81 = tpu.sem_alloc : memref<!tpu.dma_semaphore, #tpu.memory_space<semaphore_mem>>
        %dma_start3A_82 = arith.constant 0 : i32
        %dma_start3A_83 = tpu.memref_slice %arg6[%run_scoped3A_66, %dma_start3A_82] : memref<3x128xi32, #tpu.memory_space<vmem>> -> memref<1x128xi32, #tpu.memory_space<vmem>>
        %dma_start3A_84 = tpu.memref_squeeze %dma_start3A_83 : memref<1x128xi32, #tpu.memory_space<vmem>> -> memref<128xi32, #tpu.memory_space<vmem>>
        %dma_start3A_85 = arith.constant 0 : i32
        %dma_start3A_86 = tpu.memref_slice %arg3[%add3A_65, %dma_start3A_85] : memref<2528x128xi32, #tpu.memory_space<hbm>> -> memref<1x128xi32, #tpu.memory_space<hbm>>
        %dma_start3A_87 = tpu.memref_squeeze %dma_start3A_86 : memref<1x128xi32, #tpu.memory_space<hbm>> -> memref<128xi32, #tpu.memory_space<hbm>>
        %dma_start3A_88 = arith.constant 0 : i32
        %dma_start3A_89 = tpu.memref_slice %arg6[%run_scoped3A_66, %dma_start3A_88] : memref<3x128xi32, #tpu.memory_space<vmem>> -> memref<1x128xi32, #tpu.memory_space<vmem>>
        %dma_start3A_90 = tpu.memref_squeeze %dma_start3A_89 : memref<1x128xi32, #tpu.memory_space<vmem>> -> memref<128xi32, #tpu.memory_space<vmem>>
        %dma_start3A_91 = arith.constant 0 : i32
        %dma_start3A_92 = tpu.memref_slice %arg3[%add3A_65, %dma_start3A_91] : memref<2528x128xi32, #tpu.memory_space<hbm>> -> memref<1x128xi32, #tpu.memory_space<hbm>>
        %dma_start3A_93 = tpu.memref_squeeze %dma_start3A_92 : memref<1x128xi32, #tpu.memory_space<hbm>> -> memref<128xi32, #tpu.memory_space<hbm>>
        tpu.enqueue_dma source(%dma_start3A_93 : memref<128xi32, #tpu.memory_space<hbm>>) target(%dma_start3A_90 : memref<128xi32, #tpu.memory_space<vmem>>) target_semaphore(%run_scoped3A_81 : memref<!tpu.dma_semaphore, #tpu.memory_space<semaphore_mem>>)
        %dma_wait3A = arith.constant 0 : i32
        %dma_wait3A_94 = tpu.memref_slice %arg6[%run_scoped3A_66, %dma_wait3A] : memref<3x128xi32, #tpu.memory_space<vmem>> -> memref<1x128xi32, #tpu.memory_space<vmem>>
        %dma_wait3A_95 = tpu.memref_squeeze %dma_wait3A_94 : memref<1x128xi32, #tpu.memory_space<vmem>> -> memref<128xi32, #tpu.memory_space<vmem>>
        %dma_wait3A_96 = arith.constant 0 : i32
        %dma_wait3A_97 = tpu.memref_slice %arg3[%add3A_65, %dma_wait3A_96] : memref<2528x128xi32, #tpu.memory_space<hbm>> -> memref<1x128xi32, #tpu.memory_space<hbm>>
        %dma_wait3A_98 = tpu.memref_squeeze %dma_wait3A_97 : memref<1x128xi32, #tpu.memory_space<hbm>> -> memref<128xi32, #tpu.memory_space<hbm>>
        %dma_wait3A_99 = arith.constant 0 : i32
        %dma_wait3A_100 = tpu.memref_slice %arg6[%run_scoped3A_66, %dma_wait3A_99] : memref<3x128xi32, #tpu.memory_space<vmem>> -> memref<1x128xi32, #tpu.memory_space<vmem>>
        %dma_wait3A_101 = tpu.memref_squeeze %dma_wait3A_100 : memref<1x128xi32, #tpu.memory_space<vmem>> -> memref<128xi32, #tpu.memory_space<vmem>>
        %dma_wait3A_102 = arith.constant 0 : i32
        %dma_wait3A_103 = tpu.memref_slice %arg3[%add3A_65, %dma_wait3A_102] : memref<2528x128xi32, #tpu.memory_space<hbm>> -> memref<1x128xi32, #tpu.memory_space<hbm>>
        %dma_wait3A_104 = tpu.memref_squeeze %dma_wait3A_103 : memref<1x128xi32, #tpu.memory_space<hbm>> -> memref<128xi32, #tpu.memory_space<hbm>>
        tpu.wait_dma2 semaphore(%run_scoped3A_81 : memref<!tpu.dma_semaphore, #tpu.memory_space<semaphore_mem>>) src(%dma_wait3A_104 : memref<128xi32, #tpu.memory_space<hbm>>) dst(%dma_wait3A_101 : memref<128xi32, #tpu.memory_space<vmem>>)
        tpu.yield
      }) : () -> ()
      %add3A_67 = arith.constant 1 : i32
      %add3A_68 = arith.addi %add3A, %add3A_67 : i32
      %run_scoped3A_69 = arith.constant 1 : i32
      "tpu.region"() ({
        %run_scoped3A_81 = tpu.sem_alloc : memref<!tpu.dma_semaphore, #tpu.memory_space<semaphore_mem>>
        %dma_start3A_82 = arith.constant 0 : i32
        %dma_start3A_83 = tpu.memref_slice %arg7[%run_scoped3A_69, %dma_start3A_82] : memref<3x128xi32, #tpu.memory_space<vmem>> -> memref<1x128xi32, #tpu.memory_space<vmem>>
        %dma_start3A_84 = tpu.memref_squeeze %dma_start3A_83 : memref<1x128xi32, #tpu.memory_space<vmem>> -> memref<128xi32, #tpu.memory_space<vmem>>
        %dma_start3A_85 = arith.constant 0 : i32
        %dma_start3A_86 = tpu.memref_slice %arg4[%add3A_68, %dma_start3A_85] : memref<2528x128xi32, #tpu.memory_space<hbm>> -> memref<1x128xi32, #tpu.memory_space<hbm>>
        %dma_start3A_87 = tpu.memref_squeeze %dma_start3A_86 : memref<1x128xi32, #tpu.memory_space<hbm>> -> memref<128xi32, #tpu.memory_space<hbm>>
        %dma_start3A_88 = arith.constant 0 : i32
        %dma_start3A_89 = tpu.memref_slice %arg7[%run_scoped3A_69, %dma_start3A_88] : memref<3x128xi32, #tpu.memory_space<vmem>> -> memref<1x128xi32, #tpu.memory_space<vmem>>
        %dma_start3A_90 = tpu.memref_squeeze %dma_start3A_89 : memref<1x128xi32, #tpu.memory_space<vmem>> -> memref<128xi32, #tpu.memory_space<vmem>>
        %dma_start3A_91 = arith.constant 0 : i32
        %dma_start3A_92 = tpu.memref_slice %arg4[%add3A_68, %dma_start3A_91] : memref<2528x128xi32, #tpu.memory_space<hbm>> -> memref<1x128xi32, #tpu.memory_space<hbm>>
        %dma_start3A_93 = tpu.memref_squeeze %dma_start3A_92 : memref<1x128xi32, #tpu.memory_space<hbm>> -> memref<128xi32, #tpu.memory_space<hbm>>
        tpu.enqueue_dma source(%dma_start3A_93 : memref<128xi32, #tpu.memory_space<hbm>>) target(%dma_start3A_90 : memref<128xi32, #tpu.memory_space<vmem>>) target_semaphore(%run_scoped3A_81 : memref<!tpu.dma_semaphore, #tpu.memory_space<semaphore_mem>>)
        %dma_wait3A = arith.constant 0 : i32
        %dma_wait3A_94 = tpu.memref_slice %arg7[%run_scoped3A_69, %dma_wait3A] : memref<3x128xi32, #tpu.memory_space<vmem>> -> memref<1x128xi32, #tpu.memory_space<vmem>>
        %dma_wait3A_95 = tpu.memref_squeeze %dma_wait3A_94 : memref<1x128xi32, #tpu.memory_space<vmem>> -> memref<128xi32, #tpu.memory_space<vmem>>
        %dma_wait3A_96 = arith.constant 0 : i32
        %dma_wait3A_97 = tpu.memref_slice %arg4[%add3A_68, %dma_wait3A_96] : memref<2528x128xi32, #tpu.memory_space<hbm>> -> memref<1x128xi32, #tpu.memory_space<hbm>>
        %dma_wait3A_98 = tpu.memref_squeeze %dma_wait3A_97 : memref<1x128xi32, #tpu.memory_space<hbm>> -> memref<128xi32, #tpu.memory_space<hbm>>
        %dma_wait3A_99 = arith.constant 0 : i32
        %dma_wait3A_100 = tpu.memref_slice %arg7[%run_scoped3A_69, %dma_wait3A_99] : memref<3x128xi32, #tpu.memory_space<vmem>> -> memref<1x128xi32, #tpu.memory_space<vmem>>
        %dma_wait3A_101 = tpu.memref_squeeze %dma_wait3A_100 : memref<1x128xi32, #tpu.memory_space<vmem>> -> memref<128xi32, #tpu.memory_space<vmem>>
        %dma_wait3A_102 = arith.constant 0 : i32
        %dma_wait3A_103 = tpu.memref_slice %arg4[%add3A_68, %dma_wait3A_102] : memref<2528x128xi32, #tpu.memory_space<hbm>> -> memref<1x128xi32, #tpu.memory_space<hbm>>
        %dma_wait3A_104 = tpu.memref_squeeze %dma_wait3A_103 : memref<1x128xi32, #tpu.memory_space<hbm>> -> memref<128xi32, #tpu.memory_space<hbm>>
        tpu.wait_dma2 semaphore(%run_scoped3A_81 : memref<!tpu.dma_semaphore, #tpu.memory_space<semaphore_mem>>) src(%dma_wait3A_104 : memref<128xi32, #tpu.memory_space<hbm>>) dst(%dma_wait3A_101 : memref<128xi32, #tpu.memory_space<vmem>>)
        tpu.yield
      }) : () -> ()
      %dma_start3A = arith.constant 1 : i32
      %dma_start3A_70 = arith.constant 1 : i32
      %dma_start3A_71 = arith.constant 0 : i32
      %dma_start3A_72 = arith.constant 0 : i32
      %dma_start3A_73 = tpu.memref_slice %arg8[%dma_start3A_70, %dma_start3A_71, %dma_start3A_72] : memref<3x128x128xf32, #tpu.memory_space<vmem>> -> memref<1x128x128xf32, #tpu.memory_space<vmem>>
      %dma_start3A_74 = tpu.memref_squeeze %dma_start3A_73 : memref<1x128x128xf32, #tpu.memory_space<vmem>> -> memref<128x128xf32, #tpu.memory_space<vmem>>
      %dma_start3A_75 = arith.constant 0 : i32
      %dma_start3A_76 = tpu.memref_slice %arg6[%dma_start3A, %dma_start3A_75] : memref<3x128xi32, #tpu.memory_space<vmem>> -> memref<1x128xi32, #tpu.memory_space<vmem>>
      %dma_start3A_77 = tpu.memref_squeeze %dma_start3A_76 : memref<1x128xi32, #tpu.memory_space<vmem>> -> memref<128xi32, #tpu.memory_space<vmem>>
      %dma_start3A_78 = arith.constant 0 : i32
      %dma_start3A_79 = arith.constant 0 : i32
      %dma_start3A_80 = tpu.memref_slice %arg2[%dma_start3A_78, %dma_start3A_79] : memref<10112x128xf32, #tpu.memory_space<hbm>> -> memref<10112x128xf32, #tpu.memory_space<hbm>>
      tpu.enqueue_indirect_dma source(%dma_start3A_80 : memref<10112x128xf32, #tpu.memory_space<hbm>>) target(%dma_start3A_74 : memref<128x128xf32, #tpu.memory_space<vmem>>) offsets(%dma_start3A_77 : memref<128xi32, #tpu.memory_space<vmem>>) semaphore(%arg10 : memref<!tpu.dma_semaphore, #tpu.memory_space<semaphore_mem>>)
    } else {
    }
    %gt3A_43 = arith.constant 2 : i32
    %gt3A_44 = arith.cmpi sgt, %select_n3A, %gt3A_43 : i32
    %convert_element_type3A_45 = arith.extui %gt3A_44 : i1 to i32
    %cond3A_46 = arith.constant 0 : i32
    %cond3A_47 = arith.cmpi ne, %convert_element_type3A_45, %cond3A_46 : i32
    scf.if %cond3A_47 {
      %add3A_64 = arith.constant 2 : i32
      %add3A_65 = arith.addi %add3A, %add3A_64 : i32
      %dma_start3A = arith.constant 2 : i32
      %dma_start3A_66 = arith.constant 0 : i32
      %dma_start3A_67 = tpu.memref_slice %arg6[%dma_start3A, %dma_start3A_66] : memref<3x128xi32, #tpu.memory_space<vmem>> -> memref<1x128xi32, #tpu.memory_space<vmem>>
      %dma_start3A_68 = tpu.memref_squeeze %dma_start3A_67 : memref<1x128xi32, #tpu.memory_space<vmem>> -> memref<128xi32, #tpu.memory_space<vmem>>
      %dma_start3A_69 = arith.constant 0 : i32
      %dma_start3A_70 = tpu.memref_slice %arg3[%add3A_65, %dma_start3A_69] : memref<2528x128xi32, #tpu.memory_space<hbm>> -> memref<1x128xi32, #tpu.memory_space<hbm>>
      %dma_start3A_71 = tpu.memref_squeeze %dma_start3A_70 : memref<1x128xi32, #tpu.memory_space<hbm>> -> memref<128xi32, #tpu.memory_space<hbm>>
      %dma_start3A_72 = arith.constant 0 : i32
      %dma_start3A_73 = tpu.memref_slice %arg6[%dma_start3A, %dma_start3A_72] : memref<3x128xi32, #tpu.memory_space<vmem>> -> memref<1x128xi32, #tpu.memory_space<vmem>>
      %dma_start3A_74 = tpu.memref_squeeze %dma_start3A_73 : memref<1x128xi32, #tpu.memory_space<vmem>> -> memref<128xi32, #tpu.memory_space<vmem>>
      %dma_start3A_75 = arith.constant 0 : i32
      %dma_start3A_76 = tpu.memref_slice %arg3[%add3A_65, %dma_start3A_75] : memref<2528x128xi32, #tpu.memory_space<hbm>> -> memref<1x128xi32, #tpu.memory_space<hbm>>
      %dma_start3A_77 = tpu.memref_squeeze %dma_start3A_76 : memref<1x128xi32, #tpu.memory_space<hbm>> -> memref<128xi32, #tpu.memory_space<hbm>>
      tpu.enqueue_dma source(%dma_start3A_77 : memref<128xi32, #tpu.memory_space<hbm>>) target(%dma_start3A_74 : memref<128xi32, #tpu.memory_space<vmem>>) target_semaphore(%arg11 : memref<!tpu.dma_semaphore, #tpu.memory_space<semaphore_mem>>)
      %add3A_78 = arith.constant 2 : i32
      %add3A_79 = arith.addi %add3A, %add3A_78 : i32
      %dma_start3A_80 = arith.constant 2 : i32
      %dma_start3A_81 = arith.constant 0 : i32
      %dma_start3A_82 = tpu.memref_slice %arg7[%dma_start3A_80, %dma_start3A_81] : memref<3x128xi32, #tpu.memory_space<vmem>> -> memref<1x128xi32, #tpu.memory_space<vmem>>
      %dma_start3A_83 = tpu.memref_squeeze %dma_start3A_82 : memref<1x128xi32, #tpu.memory_space<vmem>> -> memref<128xi32, #tpu.memory_space<vmem>>
      %dma_start3A_84 = arith.constant 0 : i32
      %dma_start3A_85 = tpu.memref_slice %arg4[%add3A_79, %dma_start3A_84] : memref<2528x128xi32, #tpu.memory_space<hbm>> -> memref<1x128xi32, #tpu.memory_space<hbm>>
      %dma_start3A_86 = tpu.memref_squeeze %dma_start3A_85 : memref<1x128xi32, #tpu.memory_space<hbm>> -> memref<128xi32, #tpu.memory_space<hbm>>
      %dma_start3A_87 = arith.constant 0 : i32
      %dma_start3A_88 = tpu.memref_slice %arg7[%dma_start3A_80, %dma_start3A_87] : memref<3x128xi32, #tpu.memory_space<vmem>> -> memref<1x128xi32, #tpu.memory_space<vmem>>
      %dma_start3A_89 = tpu.memref_squeeze %dma_start3A_88 : memref<1x128xi32, #tpu.memory_space<vmem>> -> memref<128xi32, #tpu.memory_space<vmem>>
      %dma_start3A_90 = arith.constant 0 : i32
      %dma_start3A_91 = tpu.memref_slice %arg4[%add3A_79, %dma_start3A_90] : memref<2528x128xi32, #tpu.memory_space<hbm>> -> memref<1x128xi32, #tpu.memory_space<hbm>>
      %dma_start3A_92 = tpu.memref_squeeze %dma_start3A_91 : memref<1x128xi32, #tpu.memory_space<hbm>> -> memref<128xi32, #tpu.memory_space<hbm>>
      tpu.enqueue_dma source(%dma_start3A_92 : memref<128xi32, #tpu.memory_space<hbm>>) target(%dma_start3A_89 : memref<128xi32, #tpu.memory_space<vmem>>) target_semaphore(%arg11 : memref<!tpu.dma_semaphore, #tpu.memory_space<semaphore_mem>>)
    } else {
    }
    %while3A = arith.constant 0 : i32
    %while3A_48 = arith.constant 0 : i32
    %while3A_49 = arith.subi %select_n3A, %while3A : i32
    %while3A_50 = arith.addi %while3A, %while3A_49 : i32
    %while3A_51 = arith.constant 1 : i32
    %while3A_52 = arith.divsi %while3A_49, %while3A_51 : i32
    %while3A_53 = arith.muli %while3A_52, %while3A_51 : i32
    %while3A_54 = arith.addi %while3A, %while3A_53 : i32
    %while3A_55 = arith.constant 1 : i32
    %while3A_56 = scf.for %while3A_64 = %while3A to %while3A_54 step %while3A_55 iter_args(%while3A_65 = %while3A_48) -> (i32)  : i32 {
      %rem3A = arith.constant 3 : i32
      %rem3A_66 = arith.remsi %while3A_64, %rem3A : i32
      %add3A_67 = arith.constant 2 : i32
      %add3A_68 = arith.addi %while3A_64, %add3A_67 : i32
      %rem3A_69 = arith.constant 3 : i32
      %rem3A_70 = arith.remsi %add3A_68, %rem3A_69 : i32
      %dma_wait3A = arith.constant 0 : i32
      %dma_wait3A_71 = arith.constant 0 : i32
      %dma_wait3A_72 = tpu.memref_slice %arg8[%rem3A_66, %dma_wait3A, %dma_wait3A_71] : memref<3x128x128xf32, #tpu.memory_space<vmem>> -> memref<1x128x128xf32, #tpu.memory_space<vmem>>
      %dma_wait3A_73 = tpu.memref_squeeze %dma_wait3A_72 : memref<1x128x128xf32, #tpu.memory_space<vmem>> -> memref<128x128xf32, #tpu.memory_space<vmem>>
      %dma_wait3A_74 = arith.constant 0 : i32
      %dma_wait3A_75 = tpu.memref_slice %arg6[%rem3A_66, %dma_wait3A_74] : memref<3x128xi32, #tpu.memory_space<vmem>> -> memref<1x128xi32, #tpu.memory_space<vmem>>
      %dma_wait3A_76 = tpu.memref_squeeze %dma_wait3A_75 : memref<1x128xi32, #tpu.memory_space<vmem>> -> memref<128xi32, #tpu.memory_space<vmem>>
      %dma_wait3A_77 = arith.constant 0 : i32
      %dma_wait3A_78 = arith.constant 0 : i32
      %dma_wait3A_79 = tpu.memref_slice %arg2[%dma_wait3A_77, %dma_wait3A_78] : memref<10112x128xf32, #tpu.memory_space<hbm>> -> memref<10112x128xf32, #tpu.memory_space<hbm>>
      tpu.wait_indirect_dma semaphore(%arg10 : memref<!tpu.dma_semaphore, #tpu.memory_space<semaphore_mem>>) src(%dma_wait3A_79 : memref<10112x128xf32, #tpu.memory_space<hbm>>) dst(%dma_wait3A_73 : memref<128x128xf32, #tpu.memory_space<vmem>>)
      %add3A_80 = arith.constant 2 : i32
      %add3A_81 = arith.addi %while3A_64, %add3A_80 : i32
      %lt3A = arith.cmpi slt, %add3A_81, %select_n3A : i32
      %convert_element_type3A_82 = arith.extui %lt3A : i1 to i32
      %cond3A_83 = arith.constant 0 : i32
      %cond3A_84 = arith.cmpi ne, %convert_element_type3A_82, %cond3A_83 : i32
      scf.if %cond3A_84 {
        %add3A_92 = arith.addi %add3A, %while3A_64 : i32
        %add3A_93 = arith.constant 2 : i32
        %add3A_94 = arith.addi %add3A_92, %add3A_93 : i32
        %dma_wait3A_95 = arith.constant 0 : i32
        %dma_wait3A_96 = tpu.memref_slice %arg6[%rem3A_70, %dma_wait3A_95] : memref<3x128xi32, #tpu.memory_space<vmem>> -> memref<1x128xi32, #tpu.memory_space<vmem>>
        %dma_wait3A_97 = tpu.memref_squeeze %dma_wait3A_96 : memref<1x128xi32, #tpu.memory_space<vmem>> -> memref<128xi32, #tpu.memory_space<vmem>>
        %dma_wait3A_98 = arith.constant 0 : i32
        %dma_wait3A_99 = tpu.memref_slice %arg3[%add3A_94, %dma_wait3A_98] : memref<2528x128xi32, #tpu.memory_space<hbm>> -> memref<1x128xi32, #tpu.memory_space<hbm>>
        %dma_wait3A_100 = tpu.memref_squeeze %dma_wait3A_99 : memref<1x128xi32, #tpu.memory_space<hbm>> -> memref<128xi32, #tpu.memory_space<hbm>>
        %dma_wait3A_101 = arith.constant 0 : i32
        %dma_wait3A_102 = tpu.memref_slice %arg6[%rem3A_70, %dma_wait3A_101] : memref<3x128xi32, #tpu.memory_space<vmem>> -> memref<1x128xi32, #tpu.memory_space<vmem>>
        %dma_wait3A_103 = tpu.memref_squeeze %dma_wait3A_102 : memref<1x128xi32, #tpu.memory_space<vmem>> -> memref<128xi32, #tpu.memory_space<vmem>>
        %dma_wait3A_104 = arith.constant 0 : i32
        %dma_wait3A_105 = tpu.memref_slice %arg3[%add3A_94, %dma_wait3A_104] : memref<2528x128xi32, #tpu.memory_space<hbm>> -> memref<1x128xi32, #tpu.memory_space<hbm>>
        %dma_wait3A_106 = tpu.memref_squeeze %dma_wait3A_105 : memref<1x128xi32, #tpu.memory_space<hbm>> -> memref<128xi32, #tpu.memory_space<hbm>>
        tpu.wait_dma2 semaphore(%arg11 : memref<!tpu.dma_semaphore, #tpu.memory_space<semaphore_mem>>) src(%dma_wait3A_106 : memref<128xi32, #tpu.memory_space<hbm>>) dst(%dma_wait3A_103 : memref<128xi32, #tpu.memory_space<vmem>>)
        %add3A_107 = arith.addi %add3A, %while3A_64 : i32
        %add3A_108 = arith.constant 2 : i32
        %add3A_109 = arith.addi %add3A_107, %add3A_108 : i32
        %dma_wait3A_110 = arith.constant 0 : i32
        %dma_wait3A_111 = tpu.memref_slice %arg7[%rem3A_70, %dma_wait3A_110] : memref<3x128xi32, #tpu.memory_space<vmem>> -> memref<1x128xi32, #tpu.memory_space<vmem>>
        %dma_wait3A_112 = tpu.memref_squeeze %dma_wait3A_111 : memref<1x128xi32, #tpu.memory_space<vmem>> -> memref<128xi32, #tpu.memory_space<vmem>>
        %dma_wait3A_113 = arith.constant 0 : i32
        %dma_wait3A_114 = tpu.memref_slice %arg4[%add3A_109, %dma_wait3A_113] : memref<2528x128xi32, #tpu.memory_space<hbm>> -> memref<1x128xi32, #tpu.memory_space<hbm>>
        %dma_wait3A_115 = tpu.memref_squeeze %dma_wait3A_114 : memref<1x128xi32, #tpu.memory_space<hbm>> -> memref<128xi32, #tpu.memory_space<hbm>>
        %dma_wait3A_116 = arith.constant 0 : i32
        %dma_wait3A_117 = tpu.memref_slice %arg7[%rem3A_70, %dma_wait3A_116] : memref<3x128xi32, #tpu.memory_space<vmem>> -> memref<1x128xi32, #tpu.memory_space<vmem>>
        %dma_wait3A_118 = tpu.memref_squeeze %dma_wait3A_117 : memref<1x128xi32, #tpu.memory_space<vmem>> -> memref<128xi32, #tpu.memory_space<vmem>>
        %dma_wait3A_119 = arith.constant 0 : i32
        %dma_wait3A_120 = tpu.memref_slice %arg4[%add3A_109, %dma_wait3A_119] : memref<2528x128xi32, #tpu.memory_space<hbm>> -> memref<1x128xi32, #tpu.memory_space<hbm>>
        %dma_wait3A_121 = tpu.memref_squeeze %dma_wait3A_120 : memref<1x128xi32, #tpu.memory_space<hbm>> -> memref<128xi32, #tpu.memory_space<hbm>>
        tpu.wait_dma2 semaphore(%arg11 : memref<!tpu.dma_semaphore, #tpu.memory_space<semaphore_mem>>) src(%dma_wait3A_121 : memref<128xi32, #tpu.memory_space<hbm>>) dst(%dma_wait3A_118 : memref<128xi32, #tpu.memory_space<vmem>>)
        %dma_start3A = arith.constant 0 : i32
        %dma_start3A_122 = arith.constant 0 : i32
        %dma_start3A_123 = tpu.memref_slice %arg8[%rem3A_70, %dma_start3A, %dma_start3A_122] : memref<3x128x128xf32, #tpu.memory_space<vmem>> -> memref<1x128x128xf32, #tpu.memory_space<vmem>>
        %dma_start3A_124 = tpu.memref_squeeze %dma_start3A_123 : memref<1x128x128xf32, #tpu.memory_space<vmem>> -> memref<128x128xf32, #tpu.memory_space<vmem>>
        %dma_start3A_125 = arith.constant 0 : i32
        %dma_start3A_126 = tpu.memref_slice %arg6[%rem3A_70, %dma_start3A_125] : memref<3x128xi32, #tpu.memory_space<vmem>> -> memref<1x128xi32, #tpu.memory_space<vmem>>
        %dma_start3A_127 = tpu.memref_squeeze %dma_start3A_126 : memref<1x128xi32, #tpu.memory_space<vmem>> -> memref<128xi32, #tpu.memory_space<vmem>>
        %dma_start3A_128 = arith.constant 0 : i32
        %dma_start3A_129 = arith.constant 0 : i32
        %dma_start3A_130 = tpu.memref_slice %arg2[%dma_start3A_128, %dma_start3A_129] : memref<10112x128xf32, #tpu.memory_space<hbm>> -> memref<10112x128xf32, #tpu.memory_space<hbm>>
        tpu.enqueue_indirect_dma source(%dma_start3A_130 : memref<10112x128xf32, #tpu.memory_space<hbm>>) target(%dma_start3A_124 : memref<128x128xf32, #tpu.memory_space<vmem>>) offsets(%dma_start3A_127 : memref<128xi32, #tpu.memory_space<vmem>>) semaphore(%arg10 : memref<!tpu.dma_semaphore, #tpu.memory_space<semaphore_mem>>)
      } else {
      }
      "tpu.region"() ({
        %run_scoped3A_92 = tpu.sem_alloc : memref<!tpu.dma_semaphore, #tpu.memory_space<semaphore_mem>>
        %dma_start3A = arith.constant 0 : i32
        %dma_start3A_93 = arith.constant 0 : i32
        %dma_start3A_94 = tpu.memref_slice %arg8[%rem3A_66, %dma_start3A, %dma_start3A_93] : memref<3x128x128xf32, #tpu.memory_space<vmem>> -> memref<1x128x128xf32, #tpu.memory_space<vmem>>
        %dma_start3A_95 = tpu.memref_squeeze %dma_start3A_94 : memref<1x128x128xf32, #tpu.memory_space<vmem>> -> memref<128x128xf32, #tpu.memory_space<vmem>>
        %dma_start3A_96 = arith.constant 0 : i32
        %dma_start3A_97 = tpu.memref_slice %arg7[%rem3A_66, %dma_start3A_96] : memref<3x128xi32, #tpu.memory_space<vmem>> -> memref<1x128xi32, #tpu.memory_space<vmem>>
        %dma_start3A_98 = tpu.memref_squeeze %dma_start3A_97 : memref<1x128xi32, #tpu.memory_space<vmem>> -> memref<128xi32, #tpu.memory_space<vmem>>
        %dma_start3A_99 = arith.constant 0 : i32
        %dma_start3A_100 = arith.constant 0 : i32
        %dma_start3A_101 = tpu.memref_slice %arg9[%dma_start3A_99, %dma_start3A_100] : memref<10112x128xf32, #tpu.memory_space<vmem_shared>> -> memref<10112x128xf32, #tpu.memory_space<vmem_shared>>
        tpu.enqueue_indirect_dma source(%dma_start3A_95 : memref<128x128xf32, #tpu.memory_space<vmem>>) target(%dma_start3A_101 : memref<10112x128xf32, #tpu.memory_space<vmem_shared>>) offsets(%dma_start3A_98 : memref<128xi32, #tpu.memory_space<vmem>>) semaphore(%run_scoped3A_92 : memref<!tpu.dma_semaphore, #tpu.memory_space<semaphore_mem>>) {add = true}
        %dma_wait3A_102 = arith.constant 0 : i32
        %dma_wait3A_103 = arith.constant 0 : i32
        %dma_wait3A_104 = tpu.memref_slice %arg8[%rem3A_66, %dma_wait3A_102, %dma_wait3A_103] : memref<3x128x128xf32, #tpu.memory_space<vmem>> -> memref<1x128x128xf32, #tpu.memory_space<vmem>>
        %dma_wait3A_105 = tpu.memref_squeeze %dma_wait3A_104 : memref<1x128x128xf32, #tpu.memory_space<vmem>> -> memref<128x128xf32, #tpu.memory_space<vmem>>
        %dma_wait3A_106 = arith.constant 0 : i32
        %dma_wait3A_107 = tpu.memref_slice %arg7[%rem3A_66, %dma_wait3A_106] : memref<3x128xi32, #tpu.memory_space<vmem>> -> memref<1x128xi32, #tpu.memory_space<vmem>>
        %dma_wait3A_108 = tpu.memref_squeeze %dma_wait3A_107 : memref<1x128xi32, #tpu.memory_space<vmem>> -> memref<128xi32, #tpu.memory_space<vmem>>
        %dma_wait3A_109 = arith.constant 0 : i32
        %dma_wait3A_110 = arith.constant 0 : i32
        %dma_wait3A_111 = tpu.memref_slice %arg9[%dma_wait3A_109, %dma_wait3A_110] : memref<10112x128xf32, #tpu.memory_space<vmem_shared>> -> memref<10112x128xf32, #tpu.memory_space<vmem_shared>>
        tpu.wait_indirect_dma semaphore(%run_scoped3A_92 : memref<!tpu.dma_semaphore, #tpu.memory_space<semaphore_mem>>) src(%dma_wait3A_105 : memref<128x128xf32, #tpu.memory_space<vmem>>) dst(%dma_wait3A_111 : memref<10112x128xf32, #tpu.memory_space<vmem_shared>>)
        tpu.yield
      }) : () -> ()
      %add3A_85 = arith.constant 3 : i32
      %add3A_86 = arith.addi %while3A_64, %add3A_85 : i32
      %lt3A_87 = arith.cmpi slt, %add3A_86, %select_n3A : i32
      %convert_element_type3A_88 = arith.extui %lt3A_87 : i1 to i32
      %cond3A_89 = arith.constant 0 : i32
      %cond3A_90 = arith.cmpi ne, %convert_element_type3A_88, %cond3A_89 : i32
      scf.if %cond3A_90 {
        %add3A_92 = arith.addi %add3A, %while3A_64 : i32
        %add3A_93 = arith.constant 3 : i32
        %add3A_94 = arith.addi %add3A_92, %add3A_93 : i32
        %dma_start3A = arith.constant 0 : i32
        %dma_start3A_95 = tpu.memref_slice %arg6[%rem3A_66, %dma_start3A] : memref<3x128xi32, #tpu.memory_space<vmem>> -> memref<1x128xi32, #tpu.memory_space<vmem>>
        %dma_start3A_96 = tpu.memref_squeeze %dma_start3A_95 : memref<1x128xi32, #tpu.memory_space<vmem>> -> memref<128xi32, #tpu.memory_space<vmem>>
        %dma_start3A_97 = arith.constant 0 : i32
        %dma_start3A_98 = tpu.memref_slice %arg3[%add3A_94, %dma_start3A_97] : memref<2528x128xi32, #tpu.memory_space<hbm>> -> memref<1x128xi32, #tpu.memory_space<hbm>>
        %dma_start3A_99 = tpu.memref_squeeze %dma_start3A_98 : memref<1x128xi32, #tpu.memory_space<hbm>> -> memref<128xi32, #tpu.memory_space<hbm>>
        %dma_start3A_100 = arith.constant 0 : i32
        %dma_start3A_101 = tpu.memref_slice %arg6[%rem3A_66, %dma_start3A_100] : memref<3x128xi32, #tpu.memory_space<vmem>> -> memref<1x128xi32, #tpu.memory_space<vmem>>
        %dma_start3A_102 = tpu.memref_squeeze %dma_start3A_101 : memref<1x128xi32, #tpu.memory_space<vmem>> -> memref<128xi32, #tpu.memory_space<vmem>>
        %dma_start3A_103 = arith.constant 0 : i32
        %dma_start3A_104 = tpu.memref_slice %arg3[%add3A_94, %dma_start3A_103] : memref<2528x128xi32, #tpu.memory_space<hbm>> -> memref<1x128xi32, #tpu.memory_space<hbm>>
        %dma_start3A_105 = tpu.memref_squeeze %dma_start3A_104 : memref<1x128xi32, #tpu.memory_space<hbm>> -> memref<128xi32, #tpu.memory_space<hbm>>
        tpu.enqueue_dma source(%dma_start3A_105 : memref<128xi32, #tpu.memory_space<hbm>>) target(%dma_start3A_102 : memref<128xi32, #tpu.memory_space<vmem>>) target_semaphore(%arg11 : memref<!tpu.dma_semaphore, #tpu.memory_space<semaphore_mem>>)
        %add3A_106 = arith.addi %add3A, %while3A_64 : i32
        %add3A_107 = arith.constant 3 : i32
        %add3A_108 = arith.addi %add3A_106, %add3A_107 : i32
        %dma_start3A_109 = arith.constant 0 : i32
        %dma_start3A_110 = tpu.memref_slice %arg7[%rem3A_66, %dma_start3A_109] : memref<3x128xi32, #tpu.memory_space<vmem>> -> memref<1x128xi32, #tpu.memory_space<vmem>>
        %dma_start3A_111 = tpu.memref_squeeze %dma_start3A_110 : memref<1x128xi32, #tpu.memory_space<vmem>> -> memref<128xi32, #tpu.memory_space<vmem>>
        %dma_start3A_112 = arith.constant 0 : i32
        %dma_start3A_113 = tpu.memref_slice %arg4[%add3A_108, %dma_start3A_112] : memref<2528x128xi32, #tpu.memory_space<hbm>> -> memref<1x128xi32, #tpu.memory_space<hbm>>
        %dma_start3A_114 = tpu.memref_squeeze %dma_start3A_113 : memref<1x128xi32, #tpu.memory_space<hbm>> -> memref<128xi32, #tpu.memory_space<hbm>>
        %dma_start3A_115 = arith.constant 0 : i32
        %dma_start3A_116 = tpu.memref_slice %arg7[%rem3A_66, %dma_start3A_115] : memref<3x128xi32, #tpu.memory_space<vmem>> -> memref<1x128xi32, #tpu.memory_space<vmem>>
        %dma_start3A_117 = tpu.memref_squeeze %dma_start3A_116 : memref<1x128xi32, #tpu.memory_space<vmem>> -> memref<128xi32, #tpu.memory_space<vmem>>
        %dma_start3A_118 = arith.constant 0 : i32
        %dma_start3A_119 = tpu.memref_slice %arg4[%add3A_108, %dma_start3A_118] : memref<2528x128xi32, #tpu.memory_space<hbm>> -> memref<1x128xi32, #tpu.memory_space<hbm>>
        %dma_start3A_120 = tpu.memref_squeeze %dma_start3A_119 : memref<1x128xi32, #tpu.memory_space<hbm>> -> memref<128xi32, #tpu.memory_space<hbm>>
        tpu.enqueue_dma source(%dma_start3A_120 : memref<128xi32, #tpu.memory_space<hbm>>) target(%dma_start3A_117 : memref<128xi32, #tpu.memory_space<vmem>>) target_semaphore(%arg11 : memref<!tpu.dma_semaphore, #tpu.memory_space<semaphore_mem>>)
      } else {
      }
      %while3A_91 = arith.constant 0 : i32
      scf.yield %while3A_91 : i32
    }
    %while3A_57 = arith.constant 1 : i32
    %while3A_58 = scf.for %while3A_64 = %while3A_54 to %while3A_50 step %while3A_57 iter_args(%while3A_65 = %while3A_56) -> (i32)  : i32 {
      %rem3A = arith.constant 3 : i32
      %rem3A_66 = arith.remsi %while3A_64, %rem3A : i32
      %add3A_67 = arith.constant 2 : i32
      %add3A_68 = arith.addi %while3A_64, %add3A_67 : i32
      %rem3A_69 = arith.constant 3 : i32
      %rem3A_70 = arith.remsi %add3A_68, %rem3A_69 : i32
      %dma_wait3A = arith.constant 0 : i32
      %dma_wait3A_71 = arith.constant 0 : i32
      %dma_wait3A_72 = tpu.memref_slice %arg8[%rem3A_66, %dma_wait3A, %dma_wait3A_71] : memref<3x128x128xf32, #tpu.memory_space<vmem>> -> memref<1x128x128xf32, #tpu.memory_space<vmem>>
      %dma_wait3A_73 = tpu.memref_squeeze %dma_wait3A_72 : memref<1x128x128xf32, #tpu.memory_space<vmem>> -> memref<128x128xf32, #tpu.memory_space<vmem>>
      %dma_wait3A_74 = arith.constant 0 : i32
      %dma_wait3A_75 = tpu.memref_slice %arg6[%rem3A_66, %dma_wait3A_74] : memref<3x128xi32, #tpu.memory_space<vmem>> -> memref<1x128xi32, #tpu.memory_space<vmem>>
      %dma_wait3A_76 = tpu.memref_squeeze %dma_wait3A_75 : memref<1x128xi32, #tpu.memory_space<vmem>> -> memref<128xi32, #tpu.memory_space<vmem>>
      %dma_wait3A_77 = arith.constant 0 : i32
      %dma_wait3A_78 = arith.constant 0 : i32
      %dma_wait3A_79 = tpu.memref_slice %arg2[%dma_wait3A_77, %dma_wait3A_78] : memref<10112x128xf32, #tpu.memory_space<hbm>> -> memref<10112x128xf32, #tpu.memory_space<hbm>>
      tpu.wait_indirect_dma semaphore(%arg10 : memref<!tpu.dma_semaphore, #tpu.memory_space<semaphore_mem>>) src(%dma_wait3A_79 : memref<10112x128xf32, #tpu.memory_space<hbm>>) dst(%dma_wait3A_73 : memref<128x128xf32, #tpu.memory_space<vmem>>)
      %add3A_80 = arith.constant 2 : i32
      %add3A_81 = arith.addi %while3A_64, %add3A_80 : i32
      %lt3A = arith.cmpi slt, %add3A_81, %select_n3A : i32
      %convert_element_type3A_82 = arith.extui %lt3A : i1 to i32
      %cond3A_83 = arith.constant 0 : i32
      %cond3A_84 = arith.cmpi ne, %convert_element_type3A_82, %cond3A_83 : i32
      scf.if %cond3A_84 {
        %add3A_92 = arith.addi %add3A, %while3A_64 : i32
        %add3A_93 = arith.constant 2 : i32
        %add3A_94 = arith.addi %add3A_92, %add3A_93 : i32
        %dma_wait3A_95 = arith.constant 0 : i32
        %dma_wait3A_96 = tpu.memref_slice %arg6[%rem3A_70, %dma_wait3A_95] : memref<3x128xi32, #tpu.memory_space<vmem>> -> memref<1x128xi32, #tpu.memory_space<vmem>>
        %dma_wait3A_97 = tpu.memref_squeeze %dma_wait3A_96 : memref<1x128xi32, #tpu.memory_space<vmem>> -> memref<128xi32, #tpu.memory_space<vmem>>
        %dma_wait3A_98 = arith.constant 0 : i32
        %dma_wait3A_99 = tpu.memref_slice %arg3[%add3A_94, %dma_wait3A_98] : memref<2528x128xi32, #tpu.memory_space<hbm>> -> memref<1x128xi32, #tpu.memory_space<hbm>>
        %dma_wait3A_100 = tpu.memref_squeeze %dma_wait3A_99 : memref<1x128xi32, #tpu.memory_space<hbm>> -> memref<128xi32, #tpu.memory_space<hbm>>
        %dma_wait3A_101 = arith.constant 0 : i32
        %dma_wait3A_102 = tpu.memref_slice %arg6[%rem3A_70, %dma_wait3A_101] : memref<3x128xi32, #tpu.memory_space<vmem>> -> memref<1x128xi32, #tpu.memory_space<vmem>>
        %dma_wait3A_103 = tpu.memref_squeeze %dma_wait3A_102 : memref<1x128xi32, #tpu.memory_space<vmem>> -> memref<128xi32, #tpu.memory_space<vmem>>
        %dma_wait3A_104 = arith.constant 0 : i32
        %dma_wait3A_105 = tpu.memref_slice %arg3[%add3A_94, %dma_wait3A_104] : memref<2528x128xi32, #tpu.memory_space<hbm>> -> memref<1x128xi32, #tpu.memory_space<hbm>>
        %dma_wait3A_106 = tpu.memref_squeeze %dma_wait3A_105 : memref<1x128xi32, #tpu.memory_space<hbm>> -> memref<128xi32, #tpu.memory_space<hbm>>
        tpu.wait_dma2 semaphore(%arg11 : memref<!tpu.dma_semaphore, #tpu.memory_space<semaphore_mem>>) src(%dma_wait3A_106 : memref<128xi32, #tpu.memory_space<hbm>>) dst(%dma_wait3A_103 : memref<128xi32, #tpu.memory_space<vmem>>)
        %add3A_107 = arith.addi %add3A, %while3A_64 : i32
        %add3A_108 = arith.constant 2 : i32
        %add3A_109 = arith.addi %add3A_107, %add3A_108 : i32
        %dma_wait3A_110 = arith.constant 0 : i32
        %dma_wait3A_111 = tpu.memref_slice %arg7[%rem3A_70, %dma_wait3A_110] : memref<3x128xi32, #tpu.memory_space<vmem>> -> memref<1x128xi32, #tpu.memory_space<vmem>>
        %dma_wait3A_112 = tpu.memref_squeeze %dma_wait3A_111 : memref<1x128xi32, #tpu.memory_space<vmem>> -> memref<128xi32, #tpu.memory_space<vmem>>
        %dma_wait3A_113 = arith.constant 0 : i32
        %dma_wait3A_114 = tpu.memref_slice %arg4[%add3A_109, %dma_wait3A_113] : memref<2528x128xi32, #tpu.memory_space<hbm>> -> memref<1x128xi32, #tpu.memory_space<hbm>>
        %dma_wait3A_115 = tpu.memref_squeeze %dma_wait3A_114 : memref<1x128xi32, #tpu.memory_space<hbm>> -> memref<128xi32, #tpu.memory_space<hbm>>
        %dma_wait3A_116 = arith.constant 0 : i32
        %dma_wait3A_117 = tpu.memref_slice %arg7[%rem3A_70, %dma_wait3A_116] : memref<3x128xi32, #tpu.memory_space<vmem>> -> memref<1x128xi32, #tpu.memory_space<vmem>>
        %dma_wait3A_118 = tpu.memref_squeeze %dma_wait3A_117 : memref<1x128xi32, #tpu.memory_space<vmem>> -> memref<128xi32, #tpu.memory_space<vmem>>
        %dma_wait3A_119 = arith.constant 0 : i32
        %dma_wait3A_120 = tpu.memref_slice %arg4[%add3A_109, %dma_wait3A_119] : memref<2528x128xi32, #tpu.memory_space<hbm>> -> memref<1x128xi32, #tpu.memory_space<hbm>>
        %dma_wait3A_121 = tpu.memref_squeeze %dma_wait3A_120 : memref<1x128xi32, #tpu.memory_space<hbm>> -> memref<128xi32, #tpu.memory_space<hbm>>
        tpu.wait_dma2 semaphore(%arg11 : memref<!tpu.dma_semaphore, #tpu.memory_space<semaphore_mem>>) src(%dma_wait3A_121 : memref<128xi32, #tpu.memory_space<hbm>>) dst(%dma_wait3A_118 : memref<128xi32, #tpu.memory_space<vmem>>)
        %dma_start3A = arith.constant 0 : i32
        %dma_start3A_122 = arith.constant 0 : i32
        %dma_start3A_123 = tpu.memref_slice %arg8[%rem3A_70, %dma_start3A, %dma_start3A_122] : memref<3x128x128xf32, #tpu.memory_space<vmem>> -> memref<1x128x128xf32, #tpu.memory_space<vmem>>
        %dma_start3A_124 = tpu.memref_squeeze %dma_start3A_123 : memref<1x128x128xf32, #tpu.memory_space<vmem>> -> memref<128x128xf32, #tpu.memory_space<vmem>>
        %dma_start3A_125 = arith.constant 0 : i32
        %dma_start3A_126 = tpu.memref_slice %arg6[%rem3A_70, %dma_start3A_125] : memref<3x128xi32, #tpu.memory_space<vmem>> -> memref<1x128xi32, #tpu.memory_space<vmem>>
        %dma_start3A_127 = tpu.memref_squeeze %dma_start3A_126 : memref<1x128xi32, #tpu.memory_space<vmem>> -> memref<128xi32, #tpu.memory_space<vmem>>
        %dma_start3A_128 = arith.constant 0 : i32
        %dma_start3A_129 = arith.constant 0 : i32
        %dma_start3A_130 = tpu.memref_slice %arg2[%dma_start3A_128, %dma_start3A_129] : memref<10112x128xf32, #tpu.memory_space<hbm>> -> memref<10112x128xf32, #tpu.memory_space<hbm>>
        tpu.enqueue_indirect_dma source(%dma_start3A_130 : memref<10112x128xf32, #tpu.memory_space<hbm>>) target(%dma_start3A_124 : memref<128x128xf32, #tpu.memory_space<vmem>>) offsets(%dma_start3A_127 : memref<128xi32, #tpu.memory_space<vmem>>) semaphore(%arg10 : memref<!tpu.dma_semaphore, #tpu.memory_space<semaphore_mem>>)
      } else {
      }
      "tpu.region"() ({
        %run_scoped3A_92 = tpu.sem_alloc : memref<!tpu.dma_semaphore, #tpu.memory_space<semaphore_mem>>
        %dma_start3A = arith.constant 0 : i32
        %dma_start3A_93 = arith.constant 0 : i32
        %dma_start3A_94 = tpu.memref_slice %arg8[%rem3A_66, %dma_start3A, %dma_start3A_93] : memref<3x128x128xf32, #tpu.memory_space<vmem>> -> memref<1x128x128xf32, #tpu.memory_space<vmem>>
        %dma_start3A_95 = tpu.memref_squeeze %dma_start3A_94 : memref<1x128x128xf32, #tpu.memory_space<vmem>> -> memref<128x128xf32, #tpu.memory_space<vmem>>
        %dma_start3A_96 = arith.constant 0 : i32
        %dma_start3A_97 = tpu.memref_slice %arg7[%rem3A_66, %dma_start3A_96] : memref<3x128xi32, #tpu.memory_space<vmem>> -> memref<1x128xi32, #tpu.memory_space<vmem>>
        %dma_start3A_98 = tpu.memref_squeeze %dma_start3A_97 : memref<1x128xi32, #tpu.memory_space<vmem>> -> memref<128xi32, #tpu.memory_space<vmem>>
        %dma_start3A_99 = arith.constant 0 : i32
        %dma_start3A_100 = arith.constant 0 : i32
        %dma_start3A_101 = tpu.memref_slice %arg9[%dma_start3A_99, %dma_start3A_100] : memref<10112x128xf32, #tpu.memory_space<vmem_shared>> -> memref<10112x128xf32, #tpu.memory_space<vmem_shared>>
        tpu.enqueue_indirect_dma source(%dma_start3A_95 : memref<128x128xf32, #tpu.memory_space<vmem>>) target(%dma_start3A_101 : memref<10112x128xf32, #tpu.memory_space<vmem_shared>>) offsets(%dma_start3A_98 : memref<128xi32, #tpu.memory_space<vmem>>) semaphore(%run_scoped3A_92 : memref<!tpu.dma_semaphore, #tpu.memory_space<semaphore_mem>>) {add = true}
        %dma_wait3A_102 = arith.constant 0 : i32
        %dma_wait3A_103 = arith.constant 0 : i32
        %dma_wait3A_104 = tpu.memref_slice %arg8[%rem3A_66, %dma_wait3A_102, %dma_wait3A_103] : memref<3x128x128xf32, #tpu.memory_space<vmem>> -> memref<1x128x128xf32, #tpu.memory_space<vmem>>
        %dma_wait3A_105 = tpu.memref_squeeze %dma_wait3A_104 : memref<1x128x128xf32, #tpu.memory_space<vmem>> -> memref<128x128xf32, #tpu.memory_space<vmem>>
        %dma_wait3A_106 = arith.constant 0 : i32
        %dma_wait3A_107 = tpu.memref_slice %arg7[%rem3A_66, %dma_wait3A_106] : memref<3x128xi32, #tpu.memory_space<vmem>> -> memref<1x128xi32, #tpu.memory_space<vmem>>
        %dma_wait3A_108 = tpu.memref_squeeze %dma_wait3A_107 : memref<1x128xi32, #tpu.memory_space<vmem>> -> memref<128xi32, #tpu.memory_space<vmem>>
        %dma_wait3A_109 = arith.constant 0 : i32
        %dma_wait3A_110 = arith.constant 0 : i32
        %dma_wait3A_111 = tpu.memref_slice %arg9[%dma_wait3A_109, %dma_wait3A_110] : memref<10112x128xf32, #tpu.memory_space<vmem_shared>> -> memref<10112x128xf32, #tpu.memory_space<vmem_shared>>
        tpu.wait_indirect_dma semaphore(%run_scoped3A_92 : memref<!tpu.dma_semaphore, #tpu.memory_space<semaphore_mem>>) src(%dma_wait3A_105 : memref<128x128xf32, #tpu.memory_space<vmem>>) dst(%dma_wait3A_111 : memref<10112x128xf32, #tpu.memory_space<vmem_shared>>)
        tpu.yield
      }) : () -> ()
      %add3A_85 = arith.constant 3 : i32
      %add3A_86 = arith.addi %while3A_64, %add3A_85 : i32
      %lt3A_87 = arith.cmpi slt, %add3A_86, %select_n3A : i32
      %convert_element_type3A_88 = arith.extui %lt3A_87 : i1 to i32
      %cond3A_89 = arith.constant 0 : i32
      %cond3A_90 = arith.cmpi ne, %convert_element_type3A_88, %cond3A_89 : i32
      scf.if %cond3A_90 {
        %add3A_92 = arith.addi %add3A, %while3A_64 : i32
        %add3A_93 = arith.constant 3 : i32
        %add3A_94 = arith.addi %add3A_92, %add3A_93 : i32
        %dma_start3A = arith.constant 0 : i32
        %dma_start3A_95 = tpu.memref_slice %arg6[%rem3A_66, %dma_start3A] : memref<3x128xi32, #tpu.memory_space<vmem>> -> memref<1x128xi32, #tpu.memory_space<vmem>>
        %dma_start3A_96 = tpu.memref_squeeze %dma_start3A_95 : memref<1x128xi32, #tpu.memory_space<vmem>> -> memref<128xi32, #tpu.memory_space<vmem>>
        %dma_start3A_97 = arith.constant 0 : i32
        %dma_start3A_98 = tpu.memref_slice %arg3[%add3A_94, %dma_start3A_97] : memref<2528x128xi32, #tpu.memory_space<hbm>> -> memref<1x128xi32, #tpu.memory_space<hbm>>
        %dma_start3A_99 = tpu.memref_squeeze %dma_start3A_98 : memref<1x128xi32, #tpu.memory_space<hbm>> -> memref<128xi32, #tpu.memory_space<hbm>>
        %dma_start3A_100 = arith.constant 0 : i32
        %dma_start3A_101 = tpu.memref_slice %arg6[%rem3A_66, %dma_start3A_100] : memref<3x128xi32, #tpu.memory_space<vmem>> -> memref<1x128xi32, #tpu.memory_space<vmem>>
        %dma_start3A_102 = tpu.memref_squeeze %dma_start3A_101 : memref<1x128xi32, #tpu.memory_space<vmem>> -> memref<128xi32, #tpu.memory_space<vmem>>
        %dma_start3A_103 = arith.constant 0 : i32
        %dma_start3A_104 = tpu.memref_slice %arg3[%add3A_94, %dma_start3A_103] : memref<2528x128xi32, #tpu.memory_space<hbm>> -> memref<1x128xi32, #tpu.memory_space<hbm>>
        %dma_start3A_105 = tpu.memref_squeeze %dma_start3A_104 : memref<1x128xi32, #tpu.memory_space<hbm>> -> memref<128xi32, #tpu.memory_space<hbm>>
        tpu.enqueue_dma source(%dma_start3A_105 : memref<128xi32, #tpu.memory_space<hbm>>) target(%dma_start3A_102 : memref<128xi32, #tpu.memory_space<vmem>>) target_semaphore(%arg11 : memref<!tpu.dma_semaphore, #tpu.memory_space<semaphore_mem>>)
        %add3A_106 = arith.addi %add3A, %while3A_64 : i32
        %add3A_107 = arith.constant 3 : i32
        %add3A_108 = arith.addi %add3A_106, %add3A_107 : i32
        %dma_start3A_109 = arith.constant 0 : i32
        %dma_start3A_110 = tpu.memref_slice %arg7[%rem3A_66, %dma_start3A_109] : memref<3x128xi32, #tpu.memory_space<vmem>> -> memref<1x128xi32, #tpu.memory_space<vmem>>
        %dma_start3A_111 = tpu.memref_squeeze %dma_start3A_110 : memref<1x128xi32, #tpu.memory_space<vmem>> -> memref<128xi32, #tpu.memory_space<vmem>>
        %dma_start3A_112 = arith.constant 0 : i32
        %dma_start3A_113 = tpu.memref_slice %arg4[%add3A_108, %dma_start3A_112] : memref<2528x128xi32, #tpu.memory_space<hbm>> -> memref<1x128xi32, #tpu.memory_space<hbm>>
        %dma_start3A_114 = tpu.memref_squeeze %dma_start3A_113 : memref<1x128xi32, #tpu.memory_space<hbm>> -> memref<128xi32, #tpu.memory_space<hbm>>
        %dma_start3A_115 = arith.constant 0 : i32
        %dma_start3A_116 = tpu.memref_slice %arg7[%rem3A_66, %dma_start3A_115] : memref<3x128xi32, #tpu.memory_space<vmem>> -> memref<1x128xi32, #tpu.memory_space<vmem>>
        %dma_start3A_117 = tpu.memref_squeeze %dma_start3A_116 : memref<1x128xi32, #tpu.memory_space<vmem>> -> memref<128xi32, #tpu.memory_space<vmem>>
        %dma_start3A_118 = arith.constant 0 : i32
        %dma_start3A_119 = tpu.memref_slice %arg4[%add3A_108, %dma_start3A_118] : memref<2528x128xi32, #tpu.memory_space<hbm>> -> memref<1x128xi32, #tpu.memory_space<hbm>>
        %dma_start3A_120 = tpu.memref_squeeze %dma_start3A_119 : memref<1x128xi32, #tpu.memory_space<hbm>> -> memref<128xi32, #tpu.memory_space<hbm>>
        tpu.enqueue_dma source(%dma_start3A_120 : memref<128xi32, #tpu.memory_space<hbm>>) target(%dma_start3A_117 : memref<128xi32, #tpu.memory_space<vmem>>) target_semaphore(%arg11 : memref<!tpu.dma_semaphore, #tpu.memory_space<semaphore_mem>>)
      } else {
      }
      %while3A_91 = arith.constant 0 : i32
      scf.yield %while3A_91 : i32
    }
    %barrier3A_59 = arith.constant 0 : index
    tpu.barrier barrier_id(%barrier3A_59)
    %mul3A_60 = arith.constant 632 : i32
    %mul3A_61 = arith.muli %arg1, %mul3A_60 : i32
    %mul3A_62 = arith.constant 632 : i32
    %mul3A_63 = arith.muli %arg1, %mul3A_62 : i32
    "tpu.region"() ({
      %run_scoped3A_64 = tpu.sem_alloc : memref<!tpu.dma_semaphore, #tpu.memory_space<semaphore_mem>>
      %dma_start3A = arith.constant 0 : i32
      %dma_start3A_65 = tpu.memref_slice %arg5[%arg0, %mul3A_63, %dma_start3A] : memref<2x10112x128xf32, #tpu.memory_space<hbm>> -> memref<1x632x128xf32, #tpu.memory_space<hbm>>
      %dma_start3A_66 = tpu.memref_squeeze %dma_start3A_65 : memref<1x632x128xf32, #tpu.memory_space<hbm>> -> memref<632x128xf32, #tpu.memory_space<hbm>>
      %dma_start3A_67 = arith.constant 0 : i32
      %dma_start3A_68 = tpu.memref_slice %arg9[%mul3A_61, %dma_start3A_67] : memref<10112x128xf32, #tpu.memory_space<vmem_shared>> -> memref<632x128xf32, #tpu.memory_space<vmem_shared>>
      tpu.enqueue_dma source(%dma_start3A_68 : memref<632x128xf32, #tpu.memory_space<vmem_shared>>) target(%dma_start3A_66 : memref<632x128xf32, #tpu.memory_space<hbm>>) target_semaphore(%run_scoped3A_64 : memref<!tpu.dma_semaphore, #tpu.memory_space<semaphore_mem>>)
      %dma_wait3A = arith.constant 0 : i32
      %dma_wait3A_69 = tpu.memref_slice %arg5[%arg0, %mul3A_63, %dma_wait3A] : memref<2x10112x128xf32, #tpu.memory_space<hbm>> -> memref<1x632x128xf32, #tpu.memory_space<hbm>>
      %dma_wait3A_70 = tpu.memref_squeeze %dma_wait3A_69 : memref<1x632x128xf32, #tpu.memory_space<hbm>> -> memref<632x128xf32, #tpu.memory_space<hbm>>
      %dma_wait3A_71 = arith.constant 0 : i32
      %dma_wait3A_72 = tpu.memref_slice %arg9[%mul3A_61, %dma_wait3A_71] : memref<10112x128xf32, #tpu.memory_space<vmem_shared>> -> memref<632x128xf32, #tpu.memory_space<vmem_shared>>
      tpu.wait_dma2 semaphore(%run_scoped3A_64 : memref<!tpu.dma_semaphore, #tpu.memory_space<semaphore_mem>>) src(%dma_wait3A_72 : memref<632x128xf32, #tpu.memory_space<vmem_shared>>) dst(%dma_wait3A_70 : memref<632x128xf32, #tpu.memory_space<hbm>>)
      tpu.yield
    }) : () -> ()
    return
  }
}

module attributes {stable_mosaic.version = 14 : i64} {
  func.func @body(%arg0: i32, %arg1: memref<2x632x128xf32, #tpu.memory_space<vmem>>, %arg2: memref<632x128xf32, #tpu.memory_space<vmem>>, %arg3: memref<632x1xf32, #tpu.memory_space<vmem>>, %arg4: memref<632x128xf32, #tpu.memory_space<vmem>>) attributes {dimension_semantics = [#tpu.dimension_semantics<arbitrary>], iteration_bounds = array<i64: 16>, scalar_prefetch = 0 : i64, scratch_operands = 0 : i64, tpu.core_type = #tpu.core_type<tc>, window_params = [{transform_indices = @transform_0, window_bounds = array<i64: 2, 632, 128>}, {transform_indices = @transform_1, window_bounds = array<i64: 632, 128>}, {transform_indices = @transform_2, window_bounds = array<i64: 632, 1>}, {transform_indices = @transform_3, window_bounds = array<i64: 632, 128>}]} {
    %get3A = arith.constant 0 : index
    %get3A_0 = arith.constant 0 : index
    %get3A_1 = arith.constant 0 : index
    %get3A_2 = vector.load %arg1[%get3A, %get3A_0, %get3A_1] : memref<2x632x128xf32, #tpu.memory_space<vmem>>, vector<2x632x128xf32>
    %slice3A = vector.extract_strided_slice %get3A_2 {offsets = [0, 0, 0], sizes = [1, 632, 1], strides = [1, 1, 1]} : vector<2x632x128xf32> to vector<1x632x1xf32>
    %squeeze3A = vector.shape_cast %slice3A : vector<1x632x1xf32> to vector<632x1xf32>
    %slice3A_3 = vector.extract_strided_slice %get3A_2 {offsets = [1, 0, 0], sizes = [1, 632, 1], strides = [1, 1, 1]} : vector<2x632x128xf32> to vector<1x632x1xf32>
    %squeeze3A_4 = vector.shape_cast %slice3A_3 : vector<1x632x1xf32> to vector<632x1xf32>
    %add3A = arith.addf %squeeze3A, %squeeze3A_4 : vector<632x1xf32>
    %max3A = arith.constant 1.000000e+00 : f32
    %max3A_5 = vector.broadcast %max3A : f32 to vector<632x1xf32>
    %max3A_6 = arith.maximumf %add3A, %max3A_5 : vector<632x1xf32>
    %rsqrt3A = math.rsqrt %max3A_6 : vector<632x1xf32>
    %swap3A = arith.constant 0 : index
    %swap3A_7 = arith.constant 0 : index
    %swap3A_8 = vector.load %arg3[%swap3A, %swap3A_7] : memref<632x1xf32, #tpu.memory_space<vmem>>, vector<632x1xf32>
    tpu.vector_store %arg3[%swap3A, %swap3A_7], %rsqrt3A {strides = array<i32>} : memref<632x1xf32, #tpu.memory_space<vmem>>, vector<632x1xf32>,
    %get3A_9 = arith.constant 0 : index
    %get3A_10 = arith.constant 0 : index
    %get3A_11 = vector.load %arg2[%get3A_9, %get3A_10] : memref<632x128xf32, #tpu.memory_space<vmem>>, vector<632x128xf32>
    %mul3A = vector.broadcast %rsqrt3A : vector<632x1xf32> to vector<632x128xf32>
    %mul3A_12 = arith.mulf %get3A_11, %mul3A : vector<632x128xf32>
    %swap3A_13 = arith.constant 0 : index
    %swap3A_14 = arith.constant 0 : index
    %swap3A_15 = vector.load %arg4[%swap3A_13, %swap3A_14] : memref<632x128xf32, #tpu.memory_space<vmem>>, vector<632x128xf32>
    tpu.vector_store %arg4[%swap3A_13, %swap3A_14], %mul3A_12 {strides = array<i32>} : memref<632x128xf32, #tpu.memory_space<vmem>>, vector<632x128xf32>,
    return
  }
  func.func @transform_0(%arg0: i32) -> (i32, i32, i32) {
    %c0_i32 = arith.constant 0 : i32
    %c0_i32_0 = arith.constant 0 : i32
    %c0_i32_1 = arith.constant 0 : i32
    return %c0_i32, %arg0, %c0_i32_0 : i32, i32, i32
  }
  func.func @transform_1(%arg0: i32) -> (i32, i32) {
    %c0_i32 = arith.constant 0 : i32
    %c0_i32_0 = arith.constant 0 : i32
    return %arg0, %c0_i32 : i32, i32
  }
  func.func @transform_2(%arg0: i32) -> (i32, i32) {
    %c0_i32 = arith.constant 0 : i32
    %c0_i32_0 = arith.constant 0 : i32
    return %arg0, %c0_i32 : i32, i32
  }
  func.func @transform_3(%arg0: i32) -> (i32, i32) {
    %c0_i32 = arith.constant 0 : i32
    %c0_i32_0 = arith.constant 0 : i32
    return %arg0, %c0_i32 : i32, i32
  }
}

module attributes {stable_mosaic.version = 14 : i64} {
  func.func @body(%arg0: i32, %arg1: memref<2x632x128xf32, #tpu.memory_space<vmem>>, %arg2: memref<632x1xf32, #tpu.memory_space<vmem>>, %arg3: memref<632x128xf32, #tpu.memory_space<vmem>>, %arg4: memref<632x128xf32, #tpu.memory_space<vmem>>) attributes {dimension_semantics = [#tpu.dimension_semantics<arbitrary>], iteration_bounds = array<i64: 16>, scalar_prefetch = 0 : i64, scratch_operands = 0 : i64, tpu.core_type = #tpu.core_type<tc>, window_params = [{transform_indices = @transform_0, window_bounds = array<i64: 2, 632, 128>}, {transform_indices = @transform_1, window_bounds = array<i64: 632, 1>}, {transform_indices = @transform_2, window_bounds = array<i64: 632, 128>}, {transform_indices = @transform_3, window_bounds = array<i64: 632, 128>}]} {
    %get3A = arith.constant 0 : index
    %get3A_0 = arith.constant 0 : index
    %get3A_1 = arith.constant 0 : index
    %get3A_2 = vector.load %arg1[%get3A, %get3A_0, %get3A_1] : memref<2x632x128xf32, #tpu.memory_space<vmem>>, vector<2x632x128xf32>
    %get3A_3 = arith.constant 0 : index
    %get3A_4 = arith.constant 0 : index
    %get3A_5 = vector.load %arg2[%get3A_3, %get3A_4] : memref<632x1xf32, #tpu.memory_space<vmem>>, vector<632x1xf32>
    %slice3A = vector.extract_strided_slice %get3A_2 {offsets = [0, 0, 0], sizes = [1, 632, 128], strides = [1, 1, 1]} : vector<2x632x128xf32> to vector<1x632x128xf32>
    %squeeze3A = vector.shape_cast %slice3A : vector<1x632x128xf32> to vector<632x128xf32>
    %slice3A_6 = vector.extract_strided_slice %get3A_2 {offsets = [1, 0, 0], sizes = [1, 632, 128], strides = [1, 1, 1]} : vector<2x632x128xf32> to vector<1x632x128xf32>
    %squeeze3A_7 = vector.shape_cast %slice3A_6 : vector<1x632x128xf32> to vector<632x128xf32>
    %add3A = arith.addf %squeeze3A, %squeeze3A_7 : vector<632x128xf32>
    %mul3A = vector.broadcast %get3A_5 : vector<632x1xf32> to vector<632x128xf32>
    %mul3A_8 = arith.mulf %add3A, %mul3A : vector<632x128xf32>
    %swap3A = arith.constant 0 : index
    %swap3A_9 = arith.constant 0 : index
    %swap3A_10 = vector.load %arg3[%swap3A, %swap3A_9] : memref<632x128xf32, #tpu.memory_space<vmem>>, vector<632x128xf32>
    tpu.vector_store %arg3[%swap3A, %swap3A_9], %mul3A_8 {strides = array<i32>} : memref<632x128xf32, #tpu.memory_space<vmem>>, vector<632x128xf32>,
    %mul3A_11 = vector.broadcast %get3A_5 : vector<632x1xf32> to vector<632x128xf32>
    %mul3A_12 = arith.mulf %mul3A_8, %mul3A_11 : vector<632x128xf32>
    %swap3A_13 = arith.constant 0 : index
    %swap3A_14 = arith.constant 0 : index
    %swap3A_15 = vector.load %arg4[%swap3A_13, %swap3A_14] : memref<632x128xf32, #tpu.memory_space<vmem>>, vector<632x128xf32>
    tpu.vector_store %arg4[%swap3A_13, %swap3A_14], %mul3A_12 {strides = array<i32>} : memref<632x128xf32, #tpu.memory_space<vmem>>, vector<632x128xf32>,
    return
  }
  func.func @transform_0(%arg0: i32) -> (i32, i32, i32) {
    %c0_i32 = arith.constant 0 : i32
    %c0_i32_0 = arith.constant 0 : i32
    %c0_i32_1 = arith.constant 0 : i32
    return %c0_i32, %arg0, %c0_i32_0 : i32, i32, i32
  }
  func.func @transform_1(%arg0: i32) -> (i32, i32) {
    %c0_i32 = arith.constant 0 : i32
    %c0_i32_0 = arith.constant 0 : i32
    return %arg0, %c0_i32 : i32, i32
  }
  func.func @transform_2(%arg0: i32) -> (i32, i32) {
    %c0_i32 = arith.constant 0 : i32
    %c0_i32_0 = arith.constant 0 : i32
    return %arg0, %c0_i32 : i32, i32
  }
  func.func @transform_3(%arg0: i32) -> (i32, i32) {
    %c0_i32 = arith.constant 0 : i32
    %c0_i32_0 = arith.constant 0 : i32
    return %arg0, %c0_i32 : i32, i32
  }
}

module attributes {stable_mosaic.version = 14 : i64} {
  func.func @body(%arg0: i32, %arg1: memref<2x632x128xf32, #tpu.memory_space<vmem>>, %arg2: memref<632x1xf32, #tpu.memory_space<vmem>>, %arg3: memref<632x128xf32, #tpu.memory_space<vmem>>, %arg4: memref<632x128xf32, #tpu.memory_space<vmem>>, %arg5: memref<632x128xf32, #tpu.memory_space<vmem>>) attributes {dimension_semantics = [#tpu.dimension_semantics<arbitrary>], iteration_bounds = array<i64: 16>, scalar_prefetch = 0 : i64, scratch_operands = 0 : i64, tpu.core_type = #tpu.core_type<tc>, window_params = [{transform_indices = @transform_0, window_bounds = array<i64: 2, 632, 128>}, {transform_indices = @transform_1, window_bounds = array<i64: 632, 1>}, {transform_indices = @transform_2, window_bounds = array<i64: 632, 128>}, {transform_indices = @transform_3, window_bounds = array<i64: 632, 128>}, {transform_indices = @transform_4, window_bounds = array<i64: 632, 128>}]} {
    %get3A = arith.constant 0 : index
    %get3A_0 = arith.constant 0 : index
    %get3A_1 = arith.constant 0 : index
    %get3A_2 = vector.load %arg1[%get3A, %get3A_0, %get3A_1] : memref<2x632x128xf32, #tpu.memory_space<vmem>>, vector<2x632x128xf32>
    %slice3A = vector.extract_strided_slice %get3A_2 {offsets = [0, 0, 0], sizes = [1, 632, 128], strides = [1, 1, 1]} : vector<2x632x128xf32> to vector<1x632x128xf32>
    %squeeze3A = vector.shape_cast %slice3A : vector<1x632x128xf32> to vector<632x128xf32>
    %slice3A_3 = vector.extract_strided_slice %get3A_2 {offsets = [1, 0, 0], sizes = [1, 632, 128], strides = [1, 1, 1]} : vector<2x632x128xf32> to vector<1x632x128xf32>
    %squeeze3A_4 = vector.shape_cast %slice3A_3 : vector<1x632x128xf32> to vector<632x128xf32>
    %add3A = arith.addf %squeeze3A, %squeeze3A_4 : vector<632x128xf32>
    %get3A_5 = arith.constant 0 : index
    %get3A_6 = arith.constant 0 : index
    %get3A_7 = vector.load %arg2[%get3A_5, %get3A_6] : memref<632x1xf32, #tpu.memory_space<vmem>>, vector<632x1xf32>
    %mul3A = vector.broadcast %get3A_7 : vector<632x1xf32> to vector<632x128xf32>
    %mul3A_8 = arith.mulf %add3A, %mul3A : vector<632x128xf32>
    %get3A_9 = arith.constant 0 : index
    %get3A_10 = arith.constant 0 : index
    %get3A_11 = vector.load %arg3[%get3A_9, %get3A_10] : memref<632x128xf32, #tpu.memory_space<vmem>>, vector<632x128xf32>
    %get3A_12 = arith.constant 0 : index
    %get3A_13 = arith.constant 0 : index
    %get3A_14 = vector.load %arg4[%get3A_12, %get3A_13] : memref<632x128xf32, #tpu.memory_space<vmem>>, vector<632x128xf32>
    %add3A_15 = arith.addf %get3A_11, %get3A_14 : vector<632x128xf32>
    %add3A_16 = arith.addf %add3A_15, %mul3A_8 : vector<632x128xf32>
    %mul3A_17 = arith.constant 0.333333343 : f32
    %mul3A_18 = vector.broadcast %mul3A_17 : f32 to vector<632x128xf32>
    %mul3A_19 = arith.mulf %add3A_16, %mul3A_18 : vector<632x128xf32>
    %swap3A = arith.constant 0 : index
    %swap3A_20 = arith.constant 0 : index
    %swap3A_21 = vector.load %arg5[%swap3A, %swap3A_20] : memref<632x128xf32, #tpu.memory_space<vmem>>, vector<632x128xf32>
    tpu.vector_store %arg5[%swap3A, %swap3A_20], %mul3A_19 {strides = array<i32>} : memref<632x128xf32, #tpu.memory_space<vmem>>, vector<632x128xf32>,
    return
  }
  func.func @transform_0(%arg0: i32) -> (i32, i32, i32) {
    %c0_i32 = arith.constant 0 : i32
    %c0_i32_0 = arith.constant 0 : i32
    %c0_i32_1 = arith.constant 0 : i32
    return %c0_i32, %arg0, %c0_i32_0 : i32, i32, i32
  }
  func.func @transform_1(%arg0: i32) -> (i32, i32) {
    %c0_i32 = arith.constant 0 : i32
    %c0_i32_0 = arith.constant 0 : i32
    return %arg0, %c0_i32 : i32, i32
  }
  func.func @transform_2(%arg0: i32) -> (i32, i32) {
    %c0_i32 = arith.constant 0 : i32
    %c0_i32_0 = arith.constant 0 : i32
    return %arg0, %c0_i32 : i32, i32
  }
  func.func @transform_3(%arg0: i32) -> (i32, i32) {
    %c0_i32 = arith.constant 0 : i32
    %c0_i32_0 = arith.constant 0 : i32
    return %arg0, %c0_i32 : i32, i32
  }
  func.func @transform_4(%arg0: i32) -> (i32, i32) {
    %c0_i32 = arith.constant 0 : i32
    %c0_i32_0 = arith.constant 0 : i32
    return %arg0, %c0_i32 : i32, i32
  }
}

</mosaic_0001>

<sc_bundles>
// kernel: kernel.11.cloned.1.call-start
scs
__scs_entry_jumppad:
0x0: {  	(pc) =	sbr.rel $0x88, $3  }
0x1: {  	(tag) =	ssettag $0x0;
	lr =	simm.s32 $0x1  }
0x2: {  	[smem:$0x3F9F] =	sst lr;
	_ =	strace $0xD0000000  }
0x3: {  	_ = 	snop  }
0x4: {  	_ = 	snop  }
0x5: {  	_ = 	snop  }
0x6: {  	_ = 	snop  }
0x7: {  	_ = 	snop  }
__scs_overlays_trampoline_lowered:
0x8: {  	[smem:$0x3FAE] =	sst s0  }
0x9: {  	[smem:$0x3FAF] =	sst s1  }
0xa: {  	[smem:$0x3FB0] =	sst s2  }
0xb: {  	[smem:$0x3FB1] =	sst s3  }
0xc: {  	[smem:$0x3FB2] =	sst s4  }
0xd: {  	[smem:$0x3FB3] =	sst s5  }
0xe: {  	[smem:$0x3FB4] =	sst s6  }
0xf: {  	[smem:$0x3FB5] =	sst s7  }
0x10: {  	[smem:$0x3FB6] =	sst s8  }
0x11: {  	[smem:$0x3FB7] =	sst s9;
	s0 =	simm.s32 @!p0 $0x0  }
0x12: {  	s1 =	sld [smem:$0x3F9D];
	s0 =	simm.s32 @p0 $0x1  }
0x13: {  	[smem:$0x3FB8] =	sst s0;
	s0 =	simm.s32 @!p1 $0x0  }
0x14: {  	s2 =	sld [smem:$0x3F9C];
	s0 =	simm.s32 @p1 $0x1  }
0x15: {  	[smem:$0x3FB9] =	sst s0;
	s0 =	simm.s32 @!p2 $0x0  }
0x16: {  	s3 =	sld [smem:$0x3FDB];
	s0 =	simm.s32 @p2 $0x1  }
0x17: {  	s4 =	simm.s32 $0x1BF5;
	[smem:$0x3FBB] =	sst s0  }
0x18: {  	s0 =	sld [smem:$0x3F9E];
	_ =	swait.ge [sflag:s4], $0x0  }
0x19: {  	s7 =	sld [smem:$0x3F9F]  }
0x1a: {  	s8 =	sadd.s32 $0xFFFFE003, lr  }
0x1b: {  	s9 =	sadd.s32 $0xFFFFFEF7, lr;
	s5 =	simm.s32 $0xFFFFFFFF;
	p2 =	slt.u32 s8, $0xFFFFF086  }
0x1c: {  	p1 =	slt.u32 s9, $0xF7A;
	s5 =	simm.s32 @!p2 $0x0  }
0x1d: {  	s5 =	simm.s32 @p1 $0x1;
	p0 =	seq.s32 s7, s2  }
0x1e: {  	s7 =	smul.u32 @!p0 $0xF7A, s2;
	p2 =	seq.s32 @!p0 s5, $0x0  }
0x1f: {  	s9 =	smul.u32 $0xF7A, s1;
	s8 =	simm.s32 @!p0 $0x1BF5;
	p2 =	por !p2, p0  }
0x20: {  	[sflag:s8] =	ssyncset.s32 @!p0 $0xFFFFF086;
	s6 =	sadd.s32 @!p0 s3, s7;
	s7 =	simm.s32 @!p0 $0x108  }
0x21: {  	s3 =	sadd.s32 s3, s9;
	s6 =	sadd.s32 @!p0 $0x88, s6;
	s7 =	simm.s32 @p2 $0x1082  }
0x22: {  	[simem:s7], [sflag:s8] =	dma.local @!p0 [hbm:s6], $0xF7A  }
0x23: {  	s9 =	sor.u32 $0xD0000000, s2;
	s6 =	simm.s32 $0x108;
	_ =	swait.ge @!p0 [sflag:s8], $0x0  }
0x24: {  	s3 =	sadd.s32 $0x88, s3;
	s6 =	simm.s32 @!p1 $0x1082;
	[sflag:s4] =	ssyncset.s32 $0xFFFFF086  }
0x25: {  	[simem:s6], [sflag:s4] =	dma.local [hbm:s3], $0xF7A  }
0x26: {  	[smem:$0x3F9F] =	sst s1;
	(tag) =	ssettag s2;
	_ =	strace s9  }
0x27: {  	s1 =	sld [smem:$0x3FAF]  }
0x28: {  	s2 =	sld [smem:$0x3FB0]  }
0x29: {  	s4 =	sld [smem:$0x3FB2]  }
0x2a: {  	p0 =	seq.s32 s5, $0x0;
	s5 =	sld [smem:$0x3FB3]  }
0x2b: {  	s6 =	sld [smem:$0x3FB4]  }
0x2c: {  	s7 =	sld [smem:$0x3FB5]  }
0x2d: {  	s3 =	simm.s32 $0x108;
	s8 =	sld [smem:$0x3FB6]  }
0x2e: {  	s3 =	simm.s32 @!p0 $0x1082;
	s9 =	sld [smem:$0x3FB7]  }
0x2f: {  	lr =	sadd.s32 s0, s3;
	s0 =	sld [smem:$0x3FAE]  }
0x30: {  	s3 =	sld [smem:$0x3FB1]  }
0x31: {  	[smem:$0x3FBA] =	sst s10  }
0x32: {  	s10 =	sld [smem:$0x3FB8];
	_ =	sdelay $0x3  }
0x33: {  	p0 =	seq.s32 s10, $0x1;
	s10 =	sld [smem:$0x3FBA];
	_ =	sdelay $0x3  }
0x34: {  	[smem:$0x3FBA] =	sst s10  }
0x35: {  	s10 =	sld [smem:$0x3FB9];
	_ =	sdelay $0x3  }
0x36: {  	p1 =	seq.s32 s10, $0x1;
	s10 =	sld [smem:$0x3FBA];
	_ =	sdelay $0x3  }
0x37: {  	[smem:$0x3FBA] =	sst s10  }
0x38: {  	s10 =	sld [smem:$0x3FBB]  }
0x39: {  	_ = 	snop;
	(pc) =	sbr.ind lr, $3  }
0x3a: {  	_ = 	snop  }
0x3b: {  	_ = 	snop  }
0x3c: {  	p2 =	seq.s32 s10, $0x1;
	s10 =	sld [smem:$0x3FBA]  }
0x3d: {  	_ =	shalt  }
0x3e: {  	_ =	shalt  }
0x3f: {  	_ =	shalt  }
0x40: {  	_ =	shalt  }
0x41: {  	_ =	shalt  }
0x42: {  	_ =	shalt  }
0x43: {  	_ =	shalt  }
0x44: {  	_ =	shalt  }
0x45: {  	_ =	shalt  }
0x46: {  	_ =	shalt  }
0x47: {  	_ =	shalt  }
0x48: {  	_ =	shalt  }
0x49: {  	_ =	shalt  }
0x4a: {  	_ =	shalt  }
0x4b: {  	_ =	shalt  }
0x4c: {  	_ =	shalt  }
0x4d: {  	_ =	shalt  }
0x4e: {  	_ =	shalt  }
0x4f: {  	_ =	shalt  }
0x50: {  	_ =	shalt  }
0x51: {  	_ =	shalt  }
0x52: {  	_ =	shalt  }
0x53: {  	_ =	shalt  }
0x54: {  	_ =	shalt  }
0x55: {  	_ =	shalt  }
0x56: {  	_ =	shalt  }
0x57: {  	_ =	shalt  }
0x58: {  	_ =	shalt  }
0x59: {  	_ =	shalt  }
0x5a: {  	_ =	shalt  }
0x5b: {  	_ =	shalt  }
0x5c: {  	_ =	shalt  }
0x5d: {  	_ =	shalt  }
0x5e: {  	_ =	shalt  }
0x5f: {  	_ =	shalt  }
0x60: {  	_ =	shalt  }
0x61: {  	_ =	shalt  }
0x62: {  	_ =	shalt  }
0x63: {  	_ =	shalt  }
0x64: {  	_ =	shalt  }
0x65: {  	_ =	shalt  }
0x66: {  	_ =	shalt  }
0x67: {  	_ =	shalt  }
0x68: {  	_ =	shalt  }
0x69: {  	_ =	shalt  }
0x6a: {  	_ =	shalt  }
0x6b: {  	_ =	shalt  }
0x6c: {  	_ =	shalt  }
0x6d: {  	_ =	shalt  }
0x6e: {  	_ =	shalt  }
0x6f: {  	_ =	shalt  }
0x70: {  	_ =	shalt  }
0x71: {  	_ =	shalt  }
0x72: {  	_ =	shalt  }
0x73: {  	_ =	shalt  }
0x74: {  	_ =	shalt  }
0x75: {  	_ =	shalt  }
0x76: {  	_ =	shalt  }
0x77: {  	_ =	shalt  }
0x78: {  	_ =	shalt  }
0x79: {  	_ =	shalt  }
0x7a: {  	_ =	shalt  }
0x7b: {  	_ =	shalt  }
0x7c: {  	_ =	shalt  }
0x7d: {  	_ =	shalt  }
0x7e: {  	_ =	shalt  }
0x7f: {  	_ =	shalt  }
0x80: {  	_ =	shalt  }
0x81: {  	_ =	shalt  }
0x82: {  	_ =	shalt  }
0x83: {  	_ =	shalt  }
0x84: {  	_ =	shalt  }
0x85: {  	_ =	shalt  }
0x86: {  	_ =	shalt  }
0x87: {  	_ =	shalt  }
.Lfunc_end0:
.L_simem_size_0:
called_computation.1_lowered:
.L_overlay_start_0:
0x88: {  	s2 =	sld [smem:$0x3FD9]  }
0x89: {  	s3 =	sld [smem:$0x3FFE];
	_ =	sdelay $0x1  }
0x8a: {  	s1 =	srdreg.scid  }
0x8b: {  	s0 =	sand.u32 $0x1, s1  }
0x8c: {  	s17 =	sshll.u32 s0, $0xA;
	s2 =	sadd.s32 s3, s2  }
0x8d: {  	s2 =	sadd.s32 s2, s17  }
0x8e: {  	[smem:$0x3FC6] =	sst s2  }
0x8f: {  	_ = 	snop  }
0x90: {  	s2 =	sld [smem:$0x3FD0];
	(tm) =	ssettm $0x1  }
0x91: {  	s18 =	sld [smem:$0x3FFB];
	_ =	sdelay $0x3  }
0x92: {  	_ =	strace s18  }
0x93: {  	s3 =	sld [smem:$0x3FFC];
	_ =	sdelay $0x3  }
0x94: {  	_ =	strace s3  }
0x95: {  	s3 =	sld [smem:$0x3FFD];
	_ =	sdelay $0x3  }
0x96: {  	_ =	strace s3  }
0x97: {  	_ =	strace $0x8FFFFFFF  }
0x98: {  	s19 =	sld [smem:$0x3FDB];
	_ =	sdelay $0x1  }
0x99: {  	s4 =	simm.s32 $_scs_section_size  }
0x9a: {  	s5 =	simm.s32 $_size__tile_overlayer_lowered;
	s6 =	simm.s32 $_tile_overlayer_lowered  }
0x9b: {  	s22 =	simm.s32 $0x1BFF;
	s21 =	sshll.u32 s6, $0x1;
	s3 =	sadd.s32 s4, s19  }
0x9c: {  	s7 =	simm.s32 $0x0;
	s20 =	sshll.u32 s5, $0x1;
	s5 =	sadd.s32 s21, s3  }
0x9d: {  	[timem:s7], [sflag:s22] =	dma.local [hbm:s5], s20  }
0x9e: {  	_ =	swait.ge [sflag:s22], s20  }
0x9f: {  	s4 =	ssub.s32 $0x0, s20;
	[sflag:s22] =	ssyncset.done $0x0  }
0xa0: {  	[sflag:s22] =	ssyncadd.s32 s4;
	_ =	sdelay $0x1  }
0xa1: {  	s23 =	simm.s32 $0x1B8B  }
0xa2: {  	_ =	swait.ge [sflag:s23], $0x1  }
0xa3: {  	[sflag:s23] =	ssyncset.done $0x0  }
0xa4: {  	s25 =	simm.s32 $0x1B8E;
	s24 =	sld [smem:$0x3FFE];
	[sflag:s23] =	ssyncadd.s32 $0xFFFFFFFF  }
0xa5: {  	s26 =	simm.s32 $execute0_lowered;
	[smem:$0x3FD2] =	sst s25  }
0xa6: {  	s5 =	sshll.u32 s26, $0x1;
	_ =	strace $0x80000049;
	[dreg:$0x1] =	wrdreg $0xFFFFFFFF  }
0xa7: {  	s28 =	simm.s32 $_size_execute0_lowered;
	s3 =	sadd.s32 s3, s5;
	[dreg:$0x0] =	wrdreg $0x0  }
0xa8: {  	s5 =	sshll.u32 s28, $0x1;
	[dreg:$0x2] =	wrdreg s3  }
0xa9: {  	[dreg:$0x3] =	wrdreg s5  }
0xaa: {  	[dreg:$0x4] =	wrdreg $0xC0  }
0xab: {  	_ =	task [dreg:s7], $0x5FFFF  }
0xac: {  	[dreg:$0x1] =	wrdreg $0xFFFFFFFF  }
0xad: {  	[dreg:$0x0] =	wrdreg $0x60  }
0xae: {  	[dreg:$0x2] =	wrdreg s24  }
0xaf: {  	[dreg:$0x3] =	wrdreg s2  }
0xb0: {  	[dreg:$0x4] =	wrdreg $0xC4000  }
0xb1: {  	[dreg:$0x5] =	wrdreg $0x9  }
0xb2: {  	_ =	task.clear_ibuf [dreg:s7], $0x6FFFF;
	_ =	strace $0x90000049  }
0xb3: {  	s29 =	simm.s32 $0x9;
	_ =	strace $0x8000004B  }
0xb4: {  	_ =	swait.ge [sflag:s29], $0x1  }
0xb5: {  	[sflag:s29] =	ssyncadd.s32 $0xFFFFFFFF  }
0xb6: {  	_ =	strace $0x9000004B  }
0xb7: {  	_ =	sfence  }
0xb8: {  	s30 =	sld [smem:$0x0];
	_ =	sdelay $0x2  }
0xb9: {  	s31 =	sshll.u32 s1, $0xD;
	s1 =	sshrl.u32 s1, $0x2  }
0xba: {  	s3 =	sand.u32 $0x4000, s31;
	s1 =	sadd.s32 s1, s30  }
0xbb: {  	s0 =	sor.u32 s3, s0;
	s1 =	sshll.u32 s1, $0x11  }
0xbc: {  	s0 =	sor.u32 s1, s0  }
0xbd: {  	s0 =	sadd.s32 $0x8F2B, s0  }
0xbe: {  	[sflag:s0] =	ssyncadd.remote.s32 $0x1  }
0xbf: {  	_ =	sfence.sel $0xFFFF  }
0xc0: {  	[dreg:$0x0] =	wrdreg $0xFFFFFFFF;
	(pc) =	sbr.abs _section_cstart, $3  }
0xc1: {  	[dreg:$0x1] =	wrdreg $0xFFFFFFFF  }
0xc2: {  	_ =	task.clear_ibuf [dreg:s7], $0x2FFFF;
	_ =	strace $0x9FFFFFFF  }
0xc3: {  	(tm) =	ssettm $0x7FFFFFFF  }
tec
execute0_lowered:
.L_overlay_start_1:
0x0: {  	(tag) =	ssettag $0x1  }
0x1: {  	s0 =	rddreg [dreg:$0x0]  }
0x2: {  	s1 =	rddreg [dreg:$0x1];
	s12 =	stileid.u32  }
0x3: {  	s2 =	rddreg [dreg:$0x2];
	s8 =	smul.u32 $0x13C00, s12  }
0x4: {  	s3 =	srdreg.scid;
	s4 =	simm.s32 $0x0;
	s9 =	smul.u32 $0x9E, s12  }
0x5: {  	s28 =	simm.s32 $0x1;
	s3 =	sand.u32 $0x1, s3;
	s11 =	smul.u32 $0x4F000, s12  }
0x6: {  	[smem:$0x7FF] =	sst s4;
	s5 =	sadd.s32 $0xB600, s0;
	s12 =	smul.u32 $0x4F00, s12  }
0x7: {  	s6 =	sadd.s32 $0x1800, s0;
	s7 =	smul.u32 $0x13C000, s3;
	_ =	strace $0x8000004A  }
0x8: {  	s20 =	ssub.s32 $0x2, s3;
	s21 =	smul.u32 $0x8A, s3;
	p0 =	seq.s32 s3, $0x0  }
0x9: {  	s3 =	smul.u32 $0x4500, s3;
	s10 =	sshrl.u32 s20, $0x1;
	s11 =	sshrl.u32 s11, $0x2  }
0xa: {  	s7 =	sadd.s32 s8, s7;
	s10 =	ssub.s32 s20, s10;
	s8 =	sadd.s32 s11, s2  }
0xb: {  	s9 =	sadd.s32 s21, s9;
	s3 =	sadd.s32 s3, s12;
	s11 =	sadd.s32 $0x4000, s8  }
0xc: {  	s7 =	sshrl.u32 s7, $0x3;
	s22 =	sadd.s32 $0x8000, s8;
	[dreg:$0x5] =	wrdreg s11  }
0xd: {  	s9 =	sshll.u32 s9, $0x4;
	s23 =	sadd.s32 $0xC000, s8;
	[dreg:$0x6] =	wrdreg s22  }
0xe: {  	s24 =	sadd.s32 $0x10000, s8;
	s20 =	smax.u32 s10, $0x1;
	[dreg:$0x7] =	wrdreg s23  }
0xf: {  	s0 =	sadd.s32 s7, s0;
	[dreg:$0x8] =	wrdreg s24;
	s25 =	sadd.s32 s1, s9  }
0x10: {  	s26 =	sadd.s32 s6, s9;
	s29 =	sor.u32 $0x10, s9;
	[dreg:$0x9] =	wrdreg s25  }
0x11: {  	s7 =	simm.s32 $0x8A;
	[dreg:$0xa] =	wrdreg s26;
	s13 =	sadd.s32 s1, s29  }
0x12: {  	s9 =	sadd.s32 $0x20, s9;
	s11 =	sadd.s32 s6, s29;
	[dreg:$0xb] =	wrdreg s13  }
0x13: {  	s22 =	simm.s32 $0x3;
	s30 =	sadd.s32 s1, s9;
	[dreg:$0xc] =	wrdreg s11  }
0x14: {  	s7 =	simm.s32 @!p0 $0x14;
	s9 =	sadd.s32 s6, s9;
	[dreg:$0xd] =	wrdreg s30  }
0x15: {  	s23 =	simm.s32 $0x80;
	s31 =	sadd.s32 $0xFFFFFFFD, s7;
	[dreg:$0xe] =	wrdreg s9  }
0x16: {  	v0 =	vimm.f32 $0.0e+00;
	s19 =	sadd.s32 $0x32E00, s0;
	s9 =	sadd.s32 $0x180, s3;
	[dreg:$0x4] =	wrdreg s31  }
.LBB2_1:
0x17: {  	s0 =	simm.s32 $0x0;
	s3 =	simm.s32 $0x200  }
.LBB2_2:
0x18: {  	p0 =	sne.s32 s3, $0xFE00;
	[tilespmem:s0+$0x470] =	vst v0  }
0x19: {  	[tilespmem:s0+$0x400] =	vst v0  }
0x1a: {  	[tilespmem:s0+$0x410] =	vst v0  }
.Ltmp0:
0x1b: {  	[tilespmem:s0+$0x420] =	vst v0;
	(pc) =	sbr.rel @p0 .LBB2_2-.Ltmp0, $4  }
0x1c: {  	[tilespmem:s0+$0x430] =	vst v0  }
0x1d: {  	[tilespmem:s0+$0x440] =	vst v0  }
0x1e: {  	[tilespmem:s0+$0x450] =	vst v0  }
0x1f: {  	[tilespmem:s0+$0x460] =	vst v0;
	s0 =	sshra.s32 s3, $0x2;
	s3 =	sadd.s32 $0x200, s3  }
0x20: {  	[tilespmem:s0+$0x470] =	vst v0  }
0x21: {  	[tilespmem:s0+$0x400] =	vst v0  }
0x22: {  	[tilespmem:s0+$0x410] =	vst v0  }
0x23: {  	[tilespmem:s0+$0x420] =	vst v0  }
0x24: {  	[tilespmem:s0+$0x430] =	vst v0  }
0x25: {  	[tilespmem:s0+$0x440] =	vst v0  }
0x26: {  	[tilespmem:s0+$0x450] =	vst v0  }
0x27: {  	[tilespmem:s0+$0x460] =	vst v0;
	s17 =	simm.s32 $0x400  }
0x28: {  	[spmem:s8] =	stream.linear.scatter [tilespmem:s17], [sflag:$0x3], $0x4000, $0x38;
	v63 =	vld [tilespmem:$0x0]  }
0x29: {  	_ =	swait.ge [sflag:s22], $0x4000  }
0x2a: {  	[sflag:s22] =	ssyncset.done $0x0  }
0x2b: {  	s3 =	rddreg [dreg:$0x5];
	[sflag:s22] =	ssyncadd.s32 $0xFFFFC000  }
0x2c: {  	[spmem:s3] =	stream.linear.scatter [tilespmem:s17], [sflag:$0x3], $0x4000, $0x38;
	v63 =	vld [tilespmem:$0x0]  }
0x2d: {  	_ =	swait.ge [sflag:s22], $0x4000  }
0x2e: {  	[sflag:s22] =	ssyncset.done $0x0  }
0x2f: {  	s18 =	rddreg [dreg:$0x6];
	[sflag:s22] =	ssyncadd.s32 $0xFFFFC000  }
0x30: {  	[spmem:s18] =	stream.linear.scatter [tilespmem:s17], [sflag:$0x3], $0x4000, $0x38;
	v63 =	vld [tilespmem:$0x0]  }
0x31: {  	_ =	swait.ge [sflag:s22], $0x4000  }
0x32: {  	[sflag:s22] =	ssyncset.done $0x0  }
0x33: {  	s21 =	rddreg [dreg:$0x7];
	[sflag:s22] =	ssyncadd.s32 $0xFFFFC000  }
0x34: {  	[spmem:s21] =	stream.linear.scatter [tilespmem:s17], [sflag:$0x3], $0x4000, $0x38;
	v63 =	vld [tilespmem:$0x0]  }
0x35: {  	_ =	swait.ge [sflag:s22], $0x4000  }
0x36: {  	[sflag:s22] =	ssyncset.done $0x0  }
0x37: {  	s24 =	rddreg [dreg:$0x8];
	[sflag:s22] =	ssyncadd.s32 $0xFFFFC000  }
0x38: {  	[spmem:s24] =	stream.linear.scatter [tilespmem:s17], [sflag:$0x3], $0x3C00, $0x38;
	v63 =	vld [tilespmem:$0x0]  }
0x39: {  	_ =	swait.ge [sflag:s22], $0x3C00  }
0x3a: {  	[sflag:s22] =	ssyncset.done $0x0  }
0x3b: {  	[sflag:s22] =	ssyncadd.s32 $0xFFFFC400  }
0x3c: {  	[bflag:$0x0] =	sbarrier.arrive $0xFFFF  }
0x3d: {  	s25 =	simm.s32 $0x0;
	s10 =	rddreg [dreg:$0x9]  }
0x3e: {  	[tilespmem:s25], [sflag:$0x3] =	stream.linear.gather [hbm4b:s10+s25], $0x80, $0x38;
	v63 =	vld [tilespmem:$0x0]  }
0x3f: {  	_ =	swait.ge [sflag:s22], $0x80  }
0x40: {  	[sflag:s22] =	ssyncset.done $0x0  }
0x41: {  	s26 =	simm.s32 $0x200;
	s11 =	rddreg [dreg:$0xa];
	[sflag:s22] =	ssyncadd.s32 $0xFFFFFF80  }
0x42: {  	[tilespmem:s26], [sflag:$0x3] =	stream.linear.gather [hbm4b:s11+s25], $0x80, $0x38;
	v63 =	vld [tilespmem:$0x0]  }
0x43: {  	_ =	swait.ge [sflag:s22], $0x80  }
0x44: {  	[sflag:s22] =	ssyncset.done $0x0  }
0x45: {  	[sflag:s22] =	ssyncadd.s32 $0xFFFFFF80  }
0x46: {  	[tilespmem:s17], [sflag:$0x1] =	stream.indirect.gather [hbm4b:s5+s23], $0x80, s25, s23, $0xb8;
	v63 =	vld [tilespmem:$0x0]  }
0x47: {  	s11 =	rddreg [dreg:$0xb]  }
0x48: {  	[tilespmem:s23], [sflag:$0x3] =	stream.linear.gather [hbm4b:s11+s25], $0x80, $0x38;
	v63 =	vld [tilespmem:$0x0]  }
0x49: {  	_ =	swait.ge [sflag:s22], $0x80  }
0x4a: {  	[sflag:s22] =	ssyncset.done $0x0  }
0x4b: {  	s13 =	simm.s32 $0x280;
	s12 =	rddreg [dreg:$0xc];
	[sflag:s22] =	ssyncadd.s32 $0xFFFFFF80  }
0x4c: {  	[tilespmem:s13], [sflag:$0x3] =	stream.linear.gather [hbm4b:s12+s25], $0x80, $0x38;
	v63 =	vld [tilespmem:$0x0]  }
0x4d: {  	_ =	swait.ge [sflag:s22], $0x80  }
0x4e: {  	s14 =	simm.s32 $0x4400;
	[sflag:s22] =	ssyncset.done $0x0  }
0x4f: {  	s15 =	simm.s32 $0x100;
	p0 =	sle.u32 s7, $0x2;
	[sflag:s22] =	ssyncadd.s32 $0xFFFFFF80  }
0x50: {  	[tilespmem:s14], [sflag:$0x1] =	stream.indirect.gather [hbm4b:s5+s23], $0x80, s23, s23, $0xb8;
	v63 =	vld [tilespmem:$0x0]  }
0x51: {  	s29 =	simm.s32 $0x1;
	s21 =	simm.s32 $0x2;
	s16 =	rddreg [dreg:$0xd]  }
0x52: {  	[tilespmem:s15], [sflag:$0x2] =	stream.linear.gather [hbm4b:s16+s25], $0x80, $0x38;
	v63 =	vld [tilespmem:$0x0]  }
0x53: {  	s18 =	simm.s32 $0x300;
	s0 =	smulhi.u32 $0xAAAAAAAB, s21;
	s17 =	rddreg [dreg:$0xe]  }
0x54: {  	[tilespmem:s18], [sflag:$0x2] =	stream.linear.gather [hbm4b:s17+s25], $0x80, $0x38;
	v63 =	vld [tilespmem:$0x0]  }
0x55: {  	s3 =	smulhi.u32 $0xAAAAAAAB, s25;
	s0 =	sshrl.u32 s0, $0x1;
	_ =	swait.ge [sflag:s28], $0x4000  }
0x56: {  	s30 =	simm.s32 $0x80;
	s24 =	smul.u32 $0xFFFFFA00, s0;
	[sflag:s28] =	ssyncset.done $0x0  }
0x57: {  	s0 =	smul.u32 $0xFFFD0000, s0;
	s10 =	simm.s32 @!p0 $0x2;
	[sflag:s28] =	ssyncadd.s32 $0xFFFFC000  }
0x58: {  	s31 =	simm.s32 $0x4400;
	s3 =	sshrl.u32 s3, $0x1;
	_ =	swait.ge @!p0 [sflag:s10], $0x80  }
0x59: {  	s21 =	smov.u32 s9;
	s0 =	sshra.s32 s0, $0x2;
	[sflag:s10] =	ssyncset.done @!p0 $0x0  }
0x5a: {  	s0 =	sadd.s32 $0x8400, s0;
	s11 =	sshra.s32 s24, $0x2;
	[sflag:s10] =	ssyncadd.s32 @!p0 $0xFFFFFF80  }
0x5b: {  	s24 =	simm.s32 $0xC400;
	s12 =	smul.u32 $0xFFFD0000, s3;
	_ =	swait.ge @!p0 [sflag:s10], $0x80  }
0x5c: {  	s11 =	sadd.s32 $0x100, s11;
	s3 =	smul.u32 $0xFFFFFA00, s3;
	[sflag:s10] =	ssyncset.done @!p0 $0x0  }
0x5d: {  	s13 =	simm.s32 @!p0 $0x80;
	s12 =	sshra.s32 s12, $0x2;
	[sflag:s10] =	ssyncadd.s32 @!p0 $0xFFFFFF80  }
0x5e: {  	[tilespmem:s0], [sflag:$0x1] =	stream.indirect.gather @!p0 [hbm4b:s5+s13], $0x80, s11, s13, $0xb8;
	v63 =	vld [tilespmem:$0x0]  }
0x5f: {  	s3 =	sshra.s32 s3, $0x2;
	s25 =	sadd.s32 $0x400, s12;
	p0 =	sne.s32 s7, $0x1  }
.Ltmp1:
0x60: {  	s10 =	sadd.s32 $0x200, s3;
	s0 =	simm.s32 $0x280;
	(pc) =	sbr.rel @!p0 .LBB2_5-.Ltmp1, $4  }
0x61: {  	[spmem:s2] =	stream.indirect.scatter.add.f32 [tilespmem:s25], [sflag:$0x3], $0x80, s10, s23, $0xb8;
	v63 =	vld [tilespmem:$0x0]  }
0x62: {  	s13 =	sadd.s32 $0x0, s3;
	s3 =	simm.s32 $0x3;
	_ =	swait.ge [sflag:s22], $0x4000  }
0x63: {  	s25 =	sadd.s32 $0x80, s9;
	[sflag:s22] =	ssyncset.done $0x0;
	s26 =	rddreg [dreg:$0x4]  }
0x64: {  	[sflag:s22] =	ssyncadd.s32 $0xFFFFC000;
	p2 =	sle.u32 s26, $0x0;
	s26 =	simm.s32 $0x180  }
.LBB2_4:
0x65: {  	s14 =	sadd.s32 $0x2, s29  }
0x66: {  	s15 =	sshrl.u32 @!p2 s21, $0x3;
	s16 =	simm.s32 @!p2 $0x0;
	s11 =	smov.u32 s29  }
0x67: {  	s12 =	smov.u32 s30;
	s21 =	smov.u32 s25;
	s18 =	smulhi.u32 $0xAAAAAAAB, s3  }
0x68: {  	s29 =	sadd.s32 $0x1, s29;
	p1 =	sge.u32 s14, s7;
	s14 =	sadd.s32 @!p2 s1, s15  }
0x69: {  	[tilespmem:s13], [sflag:$0x2] =	stream.linear.gather @!p2 [hbm4b:s14+s16], $0x80, $0x38;
	v63 =	vld [tilespmem:$0x0]  }
0x6a: {  	s30 =	sadd.s32 $0x80, s30;
	s3 =	sadd.s32 $0x1, s3;
	s15 =	sadd.s32 @!p2 s6, s15  }
0x6b: {  	[tilespmem:s10], [sflag:$0x2] =	stream.linear.gather @!p2 [hbm4b:s15+s16], $0x80, $0x38;
	v63 =	vld [tilespmem:$0x0]  }
0x6c: {  	s25 =	sadd.s32 $0x80, s25;
	p0 =	sne.s32 s7, s29;
	_ =	swait.ge [sflag:s28], $0x4000  }
0x6d: {  	s15 =	sshrl.u32 s18, $0x1;
	s16 =	smulhi.u32 $0xAAAAAAAB, s11;
	[sflag:s28] =	ssyncset.done $0x0  }
0x6e: {  	s14 =	simm.s32 @!p1 $0x2;
	s17 =	smul.u32 $0xFFFFFA00, s15;
	[sflag:s28] =	ssyncadd.s32 $0xFFFFC000  }
0x6f: {  	s10 =	smul.u32 $0xFFFD0000, s15;
	s13 =	sshrl.u32 s16, $0x1;
	_ =	swait.ge @!p1 [sflag:s14], $0x80  }
0x70: {  	s16 =	simm.s32 @!p1 $0x80;
	s15 =	sshra.s32 s17, $0x2;
	[sflag:s14] =	ssyncset.done @!p1 $0x0  }
0x71: {  	s18 =	smul.u32 $0xFFFD0000, s13;
	s10 =	sshra.s32 s10, $0x2;
	[sflag:s14] =	ssyncadd.s32 @!p1 $0xFFFFFF80  }
0x72: {  	s17 =	sadd.s32 s10, s24;
	s10 =	smul.u32 $0xFFFFFA00, s13;
	_ =	swait.ge @!p1 [sflag:s14], $0x80  }
0x73: {  	s15 =	sadd.s32 s15, s26;
	s18 =	sshra.s32 s18, $0x2;
	[sflag:s14] =	ssyncset.done @!p1 $0x0  }
0x74: {  	s13 =	sadd.s32 s18, s31;
	s18 =	sshra.s32 s10, $0x2;
	[sflag:s14] =	ssyncadd.s32 @!p1 $0xFFFFFF80  }
0x75: {  	[tilespmem:s17], [sflag:$0x1] =	stream.indirect.gather @!p1 [hbm4b:s5+s16], $0x80, s15, s16, $0xb8;
	v63 =	vld [tilespmem:$0x0]  }
.Ltmp2:
0x76: {  	s24 =	sadd.s32 $0x4000, s24;
	s10 =	sadd.s32 s18, s0;
	(pc) =	sbr.rel @p0 .LBB2_4-.Ltmp2, $4  }
0x77: {  	[spmem:s2] =	stream.indirect.scatter.add.f32 [tilespmem:s13], [sflag:$0x3], $0x80, s10, s23, $0xb8;
	v63 =	vld [tilespmem:$0x0]  }
0x78: {  	s26 =	sadd.s32 $0x80, s26;
	s31 =	sadd.s32 $0x4000, s31;
	_ =	swait.ge [sflag:s22], $0x4000  }
0x79: {  	s0 =	sadd.s32 $0x80, s0;
	[sflag:s22] =	ssyncset.done $0x0;
	s17 =	rddreg [dreg:$0x4]  }
0x7a: {  	s13 =	sadd.s32 s18, s12;
	[sflag:s22] =	ssyncadd.s32 $0xFFFFC000;
	p2 =	sge.u32 s11, s17  }
.LBB2_5:
0x7b: {  	s0 =	sshrl.u32 @!p2 s21, $0x3  }
0x7c: {  	s3 =	simm.s32 @!p2 $0x0;
	s11 =	sadd.s32 @!p2 s1, s0  }
0x7d: {  	[tilespmem:s13], [sflag:$0x2] =	stream.linear.gather @!p2 [hbm4b:s11+s3], $0x80, $0x38;
	v63 =	vld [tilespmem:$0x0]  }
0x7e: {  	s30 =	stileid.u32;
	s4 =	sadd.s32 $0x1, s4;
	s0 =	sadd.s32 @!p2 s6, s0  }
0x7f: {  	[tilespmem:s10], [sflag:$0x2] =	stream.linear.gather @!p2 [hbm4b:s0+s3], $0x80, $0x38;
	v63 =	vld [tilespmem:$0x0]  }
0x80: {  	s31 =	sshrl.u32 s8, $0x3;
	p0 =	sne.s32 s4, s20;
	s0 =	sshll.u32 s30, $0x6  }
.Ltmp3:
0x81: {  	[bflag:$0x0] =	sbarrier.arrive $0xFFFF;
	s0 =	sor.u32 $0x1C03, s0;
	(pc) =	sbr.rel @p0 .LBB2_1-.Ltmp3, $4  }
0x82: {  	[hbm:s19], [sflag:s0] =	dma.local [spmem:s31], $0x2780  }
0x83: {  	_ =	swait.ge [sflag:s22], $0x2780  }
0x84: {  	[sflag:s22] =	ssyncset.done $0x0  }
0x85: {  	[sflag:s22] =	ssyncadd.s32 $0xFFFFD880  }
0x86: {  	_ =	sfence.sel $0x180000  }
0x87: {  	[bflag:$0x0] =	sbarrier.arrive $0xFFFF  }
0x88: {  	_ =	strace $0x9000004A  }
0x89: {  	s0 =	stileid.u32;
	[bflag:$0x2] =	sbarrier.arrive $0xFFFF  }
0x8a: {  	p0 =	sne.s32 s0, $0x0;
	s0 =	rddreg [dreg:$0x3]  }
0x8b: {  	s0 =	sadd.s32 @!p0 $0x100000, s0  }
0x8c: {  	[sflag:s0] =	ssyncadd.tile.s32 @!p0 $0x1;
	_ =	shalt  }
.Lfunc_end2:
_tile_overlayer_lowered:
.L_overlay_start_2:
0x8d: {  	(tag) =	ssettag $0x2  }
0x8e: {  	s0 =	rddreg [dreg:$0x0];
	s2 =	stileid.u32  }
0x8f: {  	s1 =	rddreg [dreg:$0x1];
	p0 =	sne.s32 s2, $0x0  }
0x90: {  	s3 =	rddreg [dreg:$0x2];
	[bflag:$0x3] =	sbarrier.arrive $0xFFFF;
	s2 =	simm.s32 @!p0 $0x1C03  }
0x91: {  	[timem:s3], [sflag:s2] =	dma.local @!p0 [hbm:s0], s1  }
0x92: {  	s0 =	simm.s32 @!p0 $0x3  }
0x93: {  	_ =	swait.ge @!p0 [sflag:s0], s1  }
0x94: {  	s1 =	ssub.s32 @!p0 $0x0, s1;
	[sflag:s0] =	ssyncset.done @!p0 $0x0  }
0x95: {  	[sflag:s0] =	ssyncadd.s32 @!p0 s1  }
0x96: {  	[bflag:$0x3] =	sbarrier.arrive $0xFFFF  }
0x97: {  	_ =	shalt  }

// kernel: kernel.14.cloned.1.call-start
scs
__scs_entry_jumppad:
0x0: {  	(pc) =	sbr.rel $0x88, $3  }
0x1: {  	(tag) =	ssettag $0x0;
	lr =	simm.s32 $0x1  }
0x2: {  	[smem:$0x3F9F] =	sst lr;
	_ =	strace $0xD0000000  }
0x3: {  	_ = 	snop  }
0x4: {  	_ = 	snop  }
0x5: {  	_ = 	snop  }
0x6: {  	_ = 	snop  }
0x7: {  	_ = 	snop  }
__scs_overlays_trampoline_lowered:
0x8: {  	[smem:$0x3FAE] =	sst s0  }
0x9: {  	[smem:$0x3FAF] =	sst s1  }
0xa: {  	[smem:$0x3FB0] =	sst s2  }
0xb: {  	[smem:$0x3FB1] =	sst s3  }
0xc: {  	[smem:$0x3FB2] =	sst s4  }
0xd: {  	[smem:$0x3FB3] =	sst s5  }
0xe: {  	[smem:$0x3FB4] =	sst s6  }
0xf: {  	[smem:$0x3FB5] =	sst s7  }
0x10: {  	[smem:$0x3FB6] =	sst s8  }
0x11: {  	[smem:$0x3FB7] =	sst s9;
	s0 =	simm.s32 @!p0 $0x0  }
0x12: {  	s1 =	sld [smem:$0x3F9D];
	s0 =	simm.s32 @p0 $0x1  }
0x13: {  	[smem:$0x3FB8] =	sst s0;
	s0 =	simm.s32 @!p1 $0x0  }
0x14: {  	s2 =	sld [smem:$0x3F9C];
	s0 =	simm.s32 @p1 $0x1  }
0x15: {  	[smem:$0x3FB9] =	sst s0;
	s0 =	simm.s32 @!p2 $0x0  }
0x16: {  	s3 =	sld [smem:$0x3FDB];
	s0 =	simm.s32 @p2 $0x1  }
0x17: {  	s4 =	simm.s32 $0x1BF5;
	[smem:$0x3FBB] =	sst s0  }
0x18: {  	s0 =	sld [smem:$0x3F9E];
	_ =	swait.ge [sflag:s4], $0x0  }
0x19: {  	s7 =	sld [smem:$0x3F9F]  }
0x1a: {  	s8 =	sadd.s32 $0xFFFFE003, lr  }
0x1b: {  	s9 =	sadd.s32 $0xFFFFFEF7, lr;
	s5 =	simm.s32 $0xFFFFFFFF;
	p2 =	slt.u32 s8, $0xFFFFF086  }
0x1c: {  	p1 =	slt.u32 s9, $0xF7A;
	s5 =	simm.s32 @!p2 $0x0  }
0x1d: {  	s5 =	simm.s32 @p1 $0x1;
	p0 =	seq.s32 s7, s2  }
0x1e: {  	s7 =	smul.u32 @!p0 $0xF7A, s2;
	p2 =	seq.s32 @!p0 s5, $0x0  }
0x1f: {  	s9 =	smul.u32 $0xF7A, s1;
	s8 =	simm.s32 @!p0 $0x1BF5;
	p2 =	por !p2, p0  }
0x20: {  	[sflag:s8] =	ssyncset.s32 @!p0 $0xFFFFF086;
	s6 =	sadd.s32 @!p0 s3, s7;
	s7 =	simm.s32 @!p0 $0x108  }
0x21: {  	s3 =	sadd.s32 s3, s9;
	s6 =	sadd.s32 @!p0 $0x88, s6;
	s7 =	simm.s32 @p2 $0x1082  }
0x22: {  	[simem:s7], [sflag:s8] =	dma.local @!p0 [hbm:s6], $0xF7A  }
0x23: {  	s9 =	sor.u32 $0xD0000000, s2;
	s6 =	simm.s32 $0x108;
	_ =	swait.ge @!p0 [sflag:s8], $0x0  }
0x24: {  	s3 =	sadd.s32 $0x88, s3;
	s6 =	simm.s32 @!p1 $0x1082;
	[sflag:s4] =	ssyncset.s32 $0xFFFFF086  }
0x25: {  	[simem:s6], [sflag:s4] =	dma.local [hbm:s3], $0xF7A  }
0x26: {  	[smem:$0x3F9F] =	sst s1;
	(tag) =	ssettag s2;
	_ =	strace s9  }
0x27: {  	s1 =	sld [smem:$0x3FAF]  }
0x28: {  	s2 =	sld [smem:$0x3FB0]  }
0x29: {  	s4 =	sld [smem:$0x3FB2]  }
0x2a: {  	p0 =	seq.s32 s5, $0x0;
	s5 =	sld [smem:$0x3FB3]  }
0x2b: {  	s6 =	sld [smem:$0x3FB4]  }
0x2c: {  	s7 =	sld [smem:$0x3FB5]  }
0x2d: {  	s3 =	simm.s32 $0x108;
	s8 =	sld [smem:$0x3FB6]  }
0x2e: {  	s3 =	simm.s32 @!p0 $0x1082;
	s9 =	sld [smem:$0x3FB7]  }
0x2f: {  	lr =	sadd.s32 s0, s3;
	s0 =	sld [smem:$0x3FAE]  }
0x30: {  	s3 =	sld [smem:$0x3FB1]  }
0x31: {  	[smem:$0x3FBA] =	sst s10  }
0x32: {  	s10 =	sld [smem:$0x3FB8];
	_ =	sdelay $0x3  }
0x33: {  	p0 =	seq.s32 s10, $0x1;
	s10 =	sld [smem:$0x3FBA];
	_ =	sdelay $0x3  }
0x34: {  	[smem:$0x3FBA] =	sst s10  }
0x35: {  	s10 =	sld [smem:$0x3FB9];
	_ =	sdelay $0x3  }
0x36: {  	p1 =	seq.s32 s10, $0x1;
	s10 =	sld [smem:$0x3FBA];
	_ =	sdelay $0x3  }
0x37: {  	[smem:$0x3FBA] =	sst s10  }
0x38: {  	s10 =	sld [smem:$0x3FBB]  }
0x39: {  	_ = 	snop;
	(pc) =	sbr.ind lr, $3  }
0x3a: {  	_ = 	snop  }
0x3b: {  	_ = 	snop  }
0x3c: {  	p2 =	seq.s32 s10, $0x1;
	s10 =	sld [smem:$0x3FBA]  }
0x3d: {  	_ =	shalt  }
0x3e: {  	_ =	shalt  }
0x3f: {  	_ =	shalt  }
0x40: {  	_ =	shalt  }
0x41: {  	_ =	shalt  }
0x42: {  	_ =	shalt  }
0x43: {  	_ =	shalt  }
0x44: {  	_ =	shalt  }
0x45: {  	_ =	shalt  }
0x46: {  	_ =	shalt  }
0x47: {  	_ =	shalt  }
0x48: {  	_ =	shalt  }
0x49: {  	_ =	shalt  }
0x4a: {  	_ =	shalt  }
0x4b: {  	_ =	shalt  }
0x4c: {  	_ =	shalt  }
0x4d: {  	_ =	shalt  }
0x4e: {  	_ =	shalt  }
0x4f: {  	_ =	shalt  }
0x50: {  	_ =	shalt  }
0x51: {  	_ =	shalt  }
0x52: {  	_ =	shalt  }
0x53: {  	_ =	shalt  }
0x54: {  	_ =	shalt  }
0x55: {  	_ =	shalt  }
0x56: {  	_ =	shalt  }
0x57: {  	_ =	shalt  }
0x58: {  	_ =	shalt  }
0x59: {  	_ =	shalt  }
0x5a: {  	_ =	shalt  }
0x5b: {  	_ =	shalt  }
0x5c: {  	_ =	shalt  }
0x5d: {  	_ =	shalt  }
0x5e: {  	_ =	shalt  }
0x5f: {  	_ =	shalt  }
0x60: {  	_ =	shalt  }
0x61: {  	_ =	shalt  }
0x62: {  	_ =	shalt  }
0x63: {  	_ =	shalt  }
0x64: {  	_ =	shalt  }
0x65: {  	_ =	shalt  }
0x66: {  	_ =	shalt  }
0x67: {  	_ =	shalt  }
0x68: {  	_ =	shalt  }
0x69: {  	_ =	shalt  }
0x6a: {  	_ =	shalt  }
0x6b: {  	_ =	shalt  }
0x6c: {  	_ =	shalt  }
0x6d: {  	_ =	shalt  }
0x6e: {  	_ =	shalt  }
0x6f: {  	_ =	shalt  }
0x70: {  	_ =	shalt  }
0x71: {  	_ =	shalt  }
0x72: {  	_ =	shalt  }
0x73: {  	_ =	shalt  }
0x74: {  	_ =	shalt  }
0x75: {  	_ =	shalt  }
0x76: {  	_ =	shalt  }
0x77: {  	_ =	shalt  }
0x78: {  	_ =	shalt  }
0x79: {  	_ =	shalt  }
0x7a: {  	_ =	shalt  }
0x7b: {  	_ =	shalt  }
0x7c: {  	_ =	shalt  }
0x7d: {  	_ =	shalt  }
0x7e: {  	_ =	shalt  }
0x7f: {  	_ =	shalt  }
0x80: {  	_ =	shalt  }
0x81: {  	_ =	shalt  }
0x82: {  	_ =	shalt  }
0x83: {  	_ =	shalt  }
0x84: {  	_ =	shalt  }
0x85: {  	_ =	shalt  }
0x86: {  	_ =	shalt  }
0x87: {  	_ =	shalt  }
.Lfunc_end0:
.L_simem_size_0:
called_computation.2_lowered:
.L_overlay_start_0:
0x88: {  	s2 =	sld [smem:$0x3FD9]  }
0x89: {  	s3 =	sld [smem:$0x3FFE];
	_ =	sdelay $0x1  }
0x8a: {  	s1 =	srdreg.scid  }
0x8b: {  	s0 =	sand.u32 $0x1, s1  }
0x8c: {  	s17 =	sshll.u32 s0, $0xA;
	s2 =	sadd.s32 s3, s2  }
0x8d: {  	s2 =	sadd.s32 s2, s17  }
0x8e: {  	[smem:$0x3FC6] =	sst s2  }
0x8f: {  	_ = 	snop  }
0x90: {  	s2 =	sld [smem:$0x3FD0];
	(tm) =	ssettm $0x1  }
0x91: {  	s18 =	sld [smem:$0x3FFB];
	_ =	sdelay $0x3  }
0x92: {  	_ =	strace s18  }
0x93: {  	s3 =	sld [smem:$0x3FFC];
	_ =	sdelay $0x3  }
0x94: {  	_ =	strace s3  }
0x95: {  	s3 =	sld [smem:$0x3FFD];
	_ =	sdelay $0x3  }
0x96: {  	_ =	strace s3  }
0x97: {  	_ =	strace $0x8FFFFFFF  }
0x98: {  	s19 =	sld [smem:$0x3FDB];
	_ =	sdelay $0x1  }
0x99: {  	s4 =	simm.s32 $_scs_section_size  }
0x9a: {  	s5 =	simm.s32 $_size__tile_overlayer_lowered;
	s6 =	simm.s32 $_tile_overlayer_lowered  }
0x9b: {  	s22 =	simm.s32 $0x1BFF;
	s21 =	sshll.u32 s6, $0x1;
	s3 =	sadd.s32 s4, s19  }
0x9c: {  	s7 =	simm.s32 $0x0;
	s20 =	sshll.u32 s5, $0x1;
	s5 =	sadd.s32 s21, s3  }
0x9d: {  	[timem:s7], [sflag:s22] =	dma.local [hbm:s5], s20  }
0x9e: {  	_ =	swait.ge [sflag:s22], s20  }
0x9f: {  	s4 =	ssub.s32 $0x0, s20;
	[sflag:s22] =	ssyncset.done $0x0  }
0xa0: {  	[sflag:s22] =	ssyncadd.s32 s4;
	_ =	sdelay $0x1  }
0xa1: {  	s23 =	simm.s32 $0x1B8B  }
0xa2: {  	_ =	swait.ge [sflag:s23], $0x1  }
0xa3: {  	[sflag:s23] =	ssyncset.done $0x0  }
0xa4: {  	s25 =	simm.s32 $0x1B8E;
	s24 =	sld [smem:$0x3FFE];
	[sflag:s23] =	ssyncadd.s32 $0xFFFFFFFF  }
0xa5: {  	s26 =	simm.s32 $execute0_lowered;
	[smem:$0x3FD2] =	sst s25  }
0xa6: {  	s5 =	sshll.u32 s26, $0x1;
	_ =	strace $0x8000004C;
	[dreg:$0x1] =	wrdreg $0xFFFFFFFF  }
0xa7: {  	s28 =	simm.s32 $_size_execute0_lowered;
	s3 =	sadd.s32 s3, s5;
	[dreg:$0x0] =	wrdreg $0x0  }
0xa8: {  	s5 =	sshll.u32 s28, $0x1;
	[dreg:$0x2] =	wrdreg s3  }
0xa9: {  	[dreg:$0x3] =	wrdreg s5  }
0xaa: {  	[dreg:$0x4] =	wrdreg $0xC0  }
0xab: {  	_ =	task [dreg:s7], $0x5FFFF  }
0xac: {  	[dreg:$0x1] =	wrdreg $0xFFFFFFFF  }
0xad: {  	[dreg:$0x0] =	wrdreg $0x60  }
0xae: {  	[dreg:$0x2] =	wrdreg s24  }
0xaf: {  	[dreg:$0x3] =	wrdreg s2  }
0xb0: {  	[dreg:$0x4] =	wrdreg $0xC4000  }
0xb1: {  	[dreg:$0x5] =	wrdreg $0x9  }
0xb2: {  	_ =	task.clear_ibuf [dreg:s7], $0x6FFFF;
	_ =	strace $0x9000004C  }
0xb3: {  	s29 =	simm.s32 $0x9;
	_ =	strace $0x8000004E  }
0xb4: {  	_ =	swait.ge [sflag:s29], $0x1  }
0xb5: {  	[sflag:s29] =	ssyncadd.s32 $0xFFFFFFFF  }
0xb6: {  	_ =	strace $0x9000004E  }
0xb7: {  	_ =	sfence  }
0xb8: {  	s30 =	sld [smem:$0x0];
	_ =	sdelay $0x2  }
0xb9: {  	s31 =	sshll.u32 s1, $0xD;
	s1 =	sshrl.u32 s1, $0x2  }
0xba: {  	s3 =	sand.u32 $0x4000, s31;
	s1 =	sadd.s32 s1, s30  }
0xbb: {  	s0 =	sor.u32 s3, s0;
	s1 =	sshll.u32 s1, $0x11  }
0xbc: {  	s0 =	sor.u32 s1, s0  }
0xbd: {  	s0 =	sadd.s32 $0x8F2B, s0  }
0xbe: {  	[sflag:s0] =	ssyncadd.remote.s32 $0x1  }
0xbf: {  	_ =	sfence.sel $0xFFFF  }
0xc0: {  	[dreg:$0x0] =	wrdreg $0xFFFFFFFF;
	(pc) =	sbr.abs _section_cstart, $3  }
0xc1: {  	[dreg:$0x1] =	wrdreg $0xFFFFFFFF  }
0xc2: {  	_ =	task.clear_ibuf [dreg:s7], $0x2FFFF;
	_ =	strace $0x9FFFFFFF  }
0xc3: {  	(tm) =	ssettm $0x7FFFFFFF  }
tec
execute0_lowered:
.L_overlay_start_1:
0x0: {  	(tag) =	ssettag $0x1  }
0x1: {  	s0 =	rddreg [dreg:$0x0]  }
0x2: {  	s1 =	rddreg [dreg:$0x1];
	s12 =	stileid.u32  }
0x3: {  	s2 =	rddreg [dreg:$0x2];
	s8 =	smul.u32 $0x13C00, s12  }
0x4: {  	s3 =	srdreg.scid;
	s4 =	simm.s32 $0x0;
	s9 =	smul.u32 $0x9E, s12  }
0x5: {  	s28 =	simm.s32 $0x1;
	s3 =	sand.u32 $0x1, s3;
	s11 =	smul.u32 $0x4F000, s12  }
0x6: {  	[smem:$0x7FF] =	sst s4;
	s5 =	sadd.s32 $0xB600, s0;
	s12 =	smul.u32 $0x4F00, s12  }
0x7: {  	s6 =	sadd.s32 $0x1800, s0;
	s7 =	smul.u32 $0x13C000, s3;
	_ =	strace $0x8000004D  }
0x8: {  	s20 =	ssub.s32 $0x2, s3;
	s21 =	smul.u32 $0x8A, s3;
	p0 =	seq.s32 s3, $0x0  }
0x9: {  	s3 =	smul.u32 $0x4500, s3;
	s10 =	sshrl.u32 s20, $0x1;
	s11 =	sshrl.u32 s11, $0x2  }
0xa: {  	s7 =	sadd.s32 s8, s7;
	s10 =	ssub.s32 s20, s10;
	s8 =	sadd.s32 s11, s2  }
0xb: {  	s9 =	sadd.s32 s21, s9;
	s3 =	sadd.s32 s3, s12;
	s11 =	sadd.s32 $0x4000, s8  }
0xc: {  	s7 =	sshrl.u32 s7, $0x3;
	s22 =	sadd.s32 $0x8000, s8;
	[dreg:$0x5] =	wrdreg s11  }
0xd: {  	s9 =	sshll.u32 s9, $0x4;
	s23 =	sadd.s32 $0xC000, s8;
	[dreg:$0x6] =	wrdreg s22  }
0xe: {  	s24 =	sadd.s32 $0x10000, s8;
	s20 =	smax.u32 s10, $0x1;
	[dreg:$0x7] =	wrdreg s23  }
0xf: {  	s0 =	sadd.s32 s7, s0;
	[dreg:$0x8] =	wrdreg s24;
	s25 =	sadd.s32 s1, s9  }
0x10: {  	s26 =	sadd.s32 s6, s9;
	s29 =	sor.u32 $0x10, s9;
	[dreg:$0x9] =	wrdreg s25  }
0x11: {  	s7 =	simm.s32 $0x8A;
	[dreg:$0xa] =	wrdreg s26;
	s13 =	sadd.s32 s1, s29  }
0x12: {  	s9 =	sadd.s32 $0x20, s9;
	s11 =	sadd.s32 s6, s29;
	[dreg:$0xb] =	wrdreg s13  }
0x13: {  	s22 =	simm.s32 $0x3;
	s30 =	sadd.s32 s1, s9;
	[dreg:$0xc] =	wrdreg s11  }
0x14: {  	s7 =	simm.s32 @!p0 $0x14;
	s9 =	sadd.s32 s6, s9;
	[dreg:$0xd] =	wrdreg s30  }
0x15: {  	s23 =	simm.s32 $0x80;
	s31 =	sadd.s32 $0xFFFFFFFD, s7;
	[dreg:$0xe] =	wrdreg s9  }
0x16: {  	v0 =	vimm.f32 $0.0e+00;
	s19 =	sadd.s32 $0x32E00, s0;
	s9 =	sadd.s32 $0x180, s3;
	[dreg:$0x4] =	wrdreg s31  }
.LBB2_1:
0x17: {  	s0 =	simm.s32 $0x0;
	s3 =	simm.s32 $0x200  }
.LBB2_2:
0x18: {  	p0 =	sne.s32 s3, $0xFE00;
	[tilespmem:s0+$0x470] =	vst v0  }
0x19: {  	[tilespmem:s0+$0x400] =	vst v0  }
0x1a: {  	[tilespmem:s0+$0x410] =	vst v0  }
.Ltmp0:
0x1b: {  	[tilespmem:s0+$0x420] =	vst v0;
	(pc) =	sbr.rel @p0 .LBB2_2-.Ltmp0, $4  }
0x1c: {  	[tilespmem:s0+$0x430] =	vst v0  }
0x1d: {  	[tilespmem:s0+$0x440] =	vst v0  }
0x1e: {  	[tilespmem:s0+$0x450] =	vst v0  }
0x1f: {  	[tilespmem:s0+$0x460] =	vst v0;
	s0 =	sshra.s32 s3, $0x2;
	s3 =	sadd.s32 $0x200, s3  }
0x20: {  	[tilespmem:s0+$0x470] =	vst v0  }
0x21: {  	[tilespmem:s0+$0x400] =	vst v0  }
0x22: {  	[tilespmem:s0+$0x410] =	vst v0  }
0x23: {  	[tilespmem:s0+$0x420] =	vst v0  }
0x24: {  	[tilespmem:s0+$0x430] =	vst v0  }
0x25: {  	[tilespmem:s0+$0x440] =	vst v0  }
0x26: {  	[tilespmem:s0+$0x450] =	vst v0  }
0x27: {  	[tilespmem:s0+$0x460] =	vst v0;
	s17 =	simm.s32 $0x400  }
0x28: {  	[spmem:s8] =	stream.linear.scatter [tilespmem:s17], [sflag:$0x3], $0x4000, $0x38;
	v63 =	vld [tilespmem:$0x0]  }
0x29: {  	_ =	swait.ge [sflag:s22], $0x4000  }
0x2a: {  	[sflag:s22] =	ssyncset.done $0x0  }
0x2b: {  	s3 =	rddreg [dreg:$0x5];
	[sflag:s22] =	ssyncadd.s32 $0xFFFFC000  }
0x2c: {  	[spmem:s3] =	stream.linear.scatter [tilespmem:s17], [sflag:$0x3], $0x4000, $0x38;
	v63 =	vld [tilespmem:$0x0]  }
0x2d: {  	_ =	swait.ge [sflag:s22], $0x4000  }
0x2e: {  	[sflag:s22] =	ssyncset.done $0x0  }
0x2f: {  	s18 =	rddreg [dreg:$0x6];
	[sflag:s22] =	ssyncadd.s32 $0xFFFFC000  }
0x30: {  	[spmem:s18] =	stream.linear.scatter [tilespmem:s17], [sflag:$0x3], $0x4000, $0x38;
	v63 =	vld [tilespmem:$0x0]  }
0x31: {  	_ =	swait.ge [sflag:s22], $0x4000  }
0x32: {  	[sflag:s22] =	ssyncset.done $0x0  }
0x33: {  	s21 =	rddreg [dreg:$0x7];
	[sflag:s22] =	ssyncadd.s32 $0xFFFFC000  }
0x34: {  	[spmem:s21] =	stream.linear.scatter [tilespmem:s17], [sflag:$0x3], $0x4000, $0x38;
	v63 =	vld [tilespmem:$0x0]  }
0x35: {  	_ =	swait.ge [sflag:s22], $0x4000  }
0x36: {  	[sflag:s22] =	ssyncset.done $0x0  }
0x37: {  	s24 =	rddreg [dreg:$0x8];
	[sflag:s22] =	ssyncadd.s32 $0xFFFFC000  }
0x38: {  	[spmem:s24] =	stream.linear.scatter [tilespmem:s17], [sflag:$0x3], $0x3C00, $0x38;
	v63 =	vld [tilespmem:$0x0]  }
0x39: {  	_ =	swait.ge [sflag:s22], $0x3C00  }
0x3a: {  	[sflag:s22] =	ssyncset.done $0x0  }
0x3b: {  	[sflag:s22] =	ssyncadd.s32 $0xFFFFC400  }
0x3c: {  	[bflag:$0x0] =	sbarrier.arrive $0xFFFF  }
0x3d: {  	s25 =	simm.s32 $0x0;
	s10 =	rddreg [dreg:$0x9]  }
0x3e: {  	[tilespmem:s25], [sflag:$0x3] =	stream.linear.gather [hbm4b:s10+s25], $0x80, $0x38;
	v63 =	vld [tilespmem:$0x0]  }
0x3f: {  	_ =	swait.ge [sflag:s22], $0x80  }
0x40: {  	[sflag:s22] =	ssyncset.done $0x0  }
0x41: {  	s26 =	simm.s32 $0x200;
	s11 =	rddreg [dreg:$0xa];
	[sflag:s22] =	ssyncadd.s32 $0xFFFFFF80  }
0x42: {  	[tilespmem:s26], [sflag:$0x3] =	stream.linear.gather [hbm4b:s11+s25], $0x80, $0x38;
	v63 =	vld [tilespmem:$0x0]  }
0x43: {  	_ =	swait.ge [sflag:s22], $0x80  }
0x44: {  	[sflag:s22] =	ssyncset.done $0x0  }
0x45: {  	[sflag:s22] =	ssyncadd.s32 $0xFFFFFF80  }
0x46: {  	[tilespmem:s17], [sflag:$0x1] =	stream.indirect.gather [hbm4b:s5+s23], $0x80, s25, s23, $0xb8;
	v63 =	vld [tilespmem:$0x0]  }
0x47: {  	s11 =	rddreg [dreg:$0xb]  }
0x48: {  	[tilespmem:s23], [sflag:$0x3] =	stream.linear.gather [hbm4b:s11+s25], $0x80, $0x38;
	v63 =	vld [tilespmem:$0x0]  }
0x49: {  	_ =	swait.ge [sflag:s22], $0x80  }
0x4a: {  	[sflag:s22] =	ssyncset.done $0x0  }
0x4b: {  	s13 =	simm.s32 $0x280;
	s12 =	rddreg [dreg:$0xc];
	[sflag:s22] =	ssyncadd.s32 $0xFFFFFF80  }
0x4c: {  	[tilespmem:s13], [sflag:$0x3] =	stream.linear.gather [hbm4b:s12+s25], $0x80, $0x38;
	v63 =	vld [tilespmem:$0x0]  }
0x4d: {  	_ =	swait.ge [sflag:s22], $0x80  }
0x4e: {  	s14 =	simm.s32 $0x4400;
	[sflag:s22] =	ssyncset.done $0x0  }
0x4f: {  	s15 =	simm.s32 $0x100;
	p0 =	sle.u32 s7, $0x2;
	[sflag:s22] =	ssyncadd.s32 $0xFFFFFF80  }
0x50: {  	[tilespmem:s14], [sflag:$0x1] =	stream.indirect.gather [hbm4b:s5+s23], $0x80, s23, s23, $0xb8;
	v63 =	vld [tilespmem:$0x0]  }
0x51: {  	s29 =	simm.s32 $0x1;
	s21 =	simm.s32 $0x2;
	s16 =	rddreg [dreg:$0xd]  }
0x52: {  	[tilespmem:s15], [sflag:$0x2] =	stream.linear.gather [hbm4b:s16+s25], $0x80, $0x38;
	v63 =	vld [tilespmem:$0x0]  }
0x53: {  	s18 =	simm.s32 $0x300;
	s0 =	smulhi.u32 $0xAAAAAAAB, s21;
	s17 =	rddreg [dreg:$0xe]  }
0x54: {  	[tilespmem:s18], [sflag:$0x2] =	stream.linear.gather [hbm4b:s17+s25], $0x80, $0x38;
	v63 =	vld [tilespmem:$0x0]  }
0x55: {  	s3 =	smulhi.u32 $0xAAAAAAAB, s25;
	s0 =	sshrl.u32 s0, $0x1;
	_ =	swait.ge [sflag:s28], $0x4000  }
0x56: {  	s30 =	simm.s32 $0x80;
	s24 =	smul.u32 $0xFFFFFA00, s0;
	[sflag:s28] =	ssyncset.done $0x0  }
0x57: {  	s0 =	smul.u32 $0xFFFD0000, s0;
	s10 =	simm.s32 @!p0 $0x2;
	[sflag:s28] =	ssyncadd.s32 $0xFFFFC000  }
0x58: {  	s31 =	simm.s32 $0x4400;
	s3 =	sshrl.u32 s3, $0x1;
	_ =	swait.ge @!p0 [sflag:s10], $0x80  }
0x59: {  	s21 =	smov.u32 s9;
	s0 =	sshra.s32 s0, $0x2;
	[sflag:s10] =	ssyncset.done @!p0 $0x0  }
0x5a: {  	s0 =	sadd.s32 $0x8400, s0;
	s11 =	sshra.s32 s24, $0x2;
	[sflag:s10] =	ssyncadd.s32 @!p0 $0xFFFFFF80  }
0x5b: {  	s24 =	simm.s32 $0xC400;
	s12 =	smul.u32 $0xFFFD0000, s3;
	_ =	swait.ge @!p0 [sflag:s10], $0x80  }
0x5c: {  	s11 =	sadd.s32 $0x100, s11;
	s3 =	smul.u32 $0xFFFFFA00, s3;
	[sflag:s10] =	ssyncset.done @!p0 $0x0  }
0x5d: {  	s13 =	simm.s32 @!p0 $0x80;
	s12 =	sshra.s32 s12, $0x2;
	[sflag:s10] =	ssyncadd.s32 @!p0 $0xFFFFFF80  }
0x5e: {  	[tilespmem:s0], [sflag:$0x1] =	stream.indirect.gather @!p0 [hbm4b:s5+s13], $0x80, s11, s13, $0xb8;
	v63 =	vld [tilespmem:$0x0]  }
0x5f: {  	s3 =	sshra.s32 s3, $0x2;
	s25 =	sadd.s32 $0x400, s12;
	p0 =	sne.s32 s7, $0x1  }
.Ltmp1:
0x60: {  	s10 =	sadd.s32 $0x200, s3;
	s0 =	simm.s32 $0x280;
	(pc) =	sbr.rel @!p0 .LBB2_5-.Ltmp1, $4  }
0x61: {  	[spmem:s2] =	stream.indirect.scatter.add.f32 [tilespmem:s25], [sflag:$0x3], $0x80, s10, s23, $0xb8;
	v63 =	vld [tilespmem:$0x0]  }
0x62: {  	s13 =	sadd.s32 $0x0, s3;
	s3 =	simm.s32 $0x3;
	_ =	swait.ge [sflag:s22], $0x4000  }
0x63: {  	s25 =	sadd.s32 $0x80, s9;
	[sflag:s22] =	ssyncset.done $0x0;
	s26 =	rddreg [dreg:$0x4]  }
0x64: {  	[sflag:s22] =	ssyncadd.s32 $0xFFFFC000;
	p2 =	sle.u32 s26, $0x0;
	s26 =	simm.s32 $0x180  }
.LBB2_4:
0x65: {  	s14 =	sadd.s32 $0x2, s29  }
0x66: {  	s15 =	sshrl.u32 @!p2 s21, $0x3;
	s16 =	simm.s32 @!p2 $0x0;
	s11 =	smov.u32 s29  }
0x67: {  	s12 =	smov.u32 s30;
	s21 =	smov.u32 s25;
	s18 =	smulhi.u32 $0xAAAAAAAB, s3  }
0x68: {  	s29 =	sadd.s32 $0x1, s29;
	p1 =	sge.u32 s14, s7;
	s14 =	sadd.s32 @!p2 s1, s15  }
0x69: {  	[tilespmem:s13], [sflag:$0x2] =	stream.linear.gather @!p2 [hbm4b:s14+s16], $0x80, $0x38;
	v63 =	vld [tilespmem:$0x0]  }
0x6a: {  	s30 =	sadd.s32 $0x80, s30;
	s3 =	sadd.s32 $0x1, s3;
	s15 =	sadd.s32 @!p2 s6, s15  }
0x6b: {  	[tilespmem:s10], [sflag:$0x2] =	stream.linear.gather @!p2 [hbm4b:s15+s16], $0x80, $0x38;
	v63 =	vld [tilespmem:$0x0]  }
0x6c: {  	s25 =	sadd.s32 $0x80, s25;
	p0 =	sne.s32 s7, s29;
	_ =	swait.ge [sflag:s28], $0x4000  }
0x6d: {  	s15 =	sshrl.u32 s18, $0x1;
	s16 =	smulhi.u32 $0xAAAAAAAB, s11;
	[sflag:s28] =	ssyncset.done $0x0  }
0x6e: {  	s14 =	simm.s32 @!p1 $0x2;
	s17 =	smul.u32 $0xFFFFFA00, s15;
	[sflag:s28] =	ssyncadd.s32 $0xFFFFC000  }
0x6f: {  	s10 =	smul.u32 $0xFFFD0000, s15;
	s13 =	sshrl.u32 s16, $0x1;
	_ =	swait.ge @!p1 [sflag:s14], $0x80  }
0x70: {  	s16 =	simm.s32 @!p1 $0x80;
	s15 =	sshra.s32 s17, $0x2;
	[sflag:s14] =	ssyncset.done @!p1 $0x0  }
0x71: {  	s18 =	smul.u32 $0xFFFD0000, s13;
	s10 =	sshra.s32 s10, $0x2;
	[sflag:s14] =	ssyncadd.s32 @!p1 $0xFFFFFF80  }
0x72: {  	s17 =	sadd.s32 s10, s24;
	s10 =	smul.u32 $0xFFFFFA00, s13;
	_ =	swait.ge @!p1 [sflag:s14], $0x80  }
0x73: {  	s15 =	sadd.s32 s15, s26;
	s18 =	sshra.s32 s18, $0x2;
	[sflag:s14] =	ssyncset.done @!p1 $0x0  }
0x74: {  	s13 =	sadd.s32 s18, s31;
	s18 =	sshra.s32 s10, $0x2;
	[sflag:s14] =	ssyncadd.s32 @!p1 $0xFFFFFF80  }
0x75: {  	[tilespmem:s17], [sflag:$0x1] =	stream.indirect.gather @!p1 [hbm4b:s5+s16], $0x80, s15, s16, $0xb8;
	v63 =	vld [tilespmem:$0x0]  }
.Ltmp2:
0x76: {  	s24 =	sadd.s32 $0x4000, s24;
	s10 =	sadd.s32 s18, s0;
	(pc) =	sbr.rel @p0 .LBB2_4-.Ltmp2, $4  }
0x77: {  	[spmem:s2] =	stream.indirect.scatter.add.f32 [tilespmem:s13], [sflag:$0x3], $0x80, s10, s23, $0xb8;
	v63 =	vld [tilespmem:$0x0]  }
0x78: {  	s26 =	sadd.s32 $0x80, s26;
	s31 =	sadd.s32 $0x4000, s31;
	_ =	swait.ge [sflag:s22], $0x4000  }
0x79: {  	s0 =	sadd.s32 $0x80, s0;
	[sflag:s22] =	ssyncset.done $0x0;
	s17 =	rddreg [dreg:$0x4]  }
0x7a: {  	s13 =	sadd.s32 s18, s12;
	[sflag:s22] =	ssyncadd.s32 $0xFFFFC000;
	p2 =	sge.u32 s11, s17  }
.LBB2_5:
0x7b: {  	s0 =	sshrl.u32 @!p2 s21, $0x3  }
0x7c: {  	s3 =	simm.s32 @!p2 $0x0;
	s11 =	sadd.s32 @!p2 s1, s0  }
0x7d: {  	[tilespmem:s13], [sflag:$0x2] =	stream.linear.gather @!p2 [hbm4b:s11+s3], $0x80, $0x38;
	v63 =	vld [tilespmem:$0x0]  }
0x7e: {  	s30 =	stileid.u32;
	s4 =	sadd.s32 $0x1, s4;
	s0 =	sadd.s32 @!p2 s6, s0  }
0x7f: {  	[tilespmem:s10], [sflag:$0x2] =	stream.linear.gather @!p2 [hbm4b:s0+s3], $0x80, $0x38;
	v63 =	vld [tilespmem:$0x0]  }
0x80: {  	s31 =	sshrl.u32 s8, $0x3;
	p0 =	sne.s32 s4, s20;
	s0 =	sshll.u32 s30, $0x6  }
.Ltmp3:
0x81: {  	[bflag:$0x0] =	sbarrier.arrive $0xFFFF;
	s0 =	sor.u32 $0x1C03, s0;
	(pc) =	sbr.rel @p0 .LBB2_1-.Ltmp3, $4  }
0x82: {  	[hbm:s19], [sflag:s0] =	dma.local [spmem:s31], $0x2780  }
0x83: {  	_ =	swait.ge [sflag:s22], $0x2780  }
0x84: {  	[sflag:s22] =	ssyncset.done $0x0  }
0x85: {  	[sflag:s22] =	ssyncadd.s32 $0xFFFFD880  }
0x86: {  	_ =	sfence.sel $0x180000  }
0x87: {  	[bflag:$0x0] =	sbarrier.arrive $0xFFFF  }
0x88: {  	_ =	strace $0x9000004D  }
0x89: {  	s0 =	stileid.u32;
	[bflag:$0x2] =	sbarrier.arrive $0xFFFF  }
0x8a: {  	p0 =	sne.s32 s0, $0x0;
	s0 =	rddreg [dreg:$0x3]  }
0x8b: {  	s0 =	sadd.s32 @!p0 $0x100000, s0  }
0x8c: {  	[sflag:s0] =	ssyncadd.tile.s32 @!p0 $0x1;
	_ =	shalt  }
.Lfunc_end2:
_tile_overlayer_lowered:
.L_overlay_start_2:
0x8d: {  	(tag) =	ssettag $0x2  }
0x8e: {  	s0 =	rddreg [dreg:$0x0];
	s2 =	stileid.u32  }
0x8f: {  	s1 =	rddreg [dreg:$0x1];
	p0 =	sne.s32 s2, $0x0  }
0x90: {  	s3 =	rddreg [dreg:$0x2];
	[bflag:$0x3] =	sbarrier.arrive $0xFFFF;
	s2 =	simm.s32 @!p0 $0x1C03  }
0x91: {  	[timem:s3], [sflag:s2] =	dma.local @!p0 [hbm:s0], s1  }
0x92: {  	s0 =	simm.s32 @!p0 $0x3  }
0x93: {  	_ =	swait.ge @!p0 [sflag:s0], s1  }
0x94: {  	s1 =	ssub.s32 @!p0 $0x0, s1;
	[sflag:s0] =	ssyncset.done @!p0 $0x0  }
0x95: {  	[sflag:s0] =	ssyncadd.s32 @!p0 s1  }
0x96: {  	[bflag:$0x3] =	sbarrier.arrive $0xFFFF  }
0x97: {  	_ =	shalt  }

// kernel: kernel.8.cloned.1.call-start
scs
__scs_entry_jumppad:
0x0: {  	(pc) =	sbr.rel $0x88, $3  }
0x1: {  	(tag) =	ssettag $0x0;
	lr =	simm.s32 $0x1  }
0x2: {  	[smem:$0x3F9F] =	sst lr;
	_ =	strace $0xD0000000  }
0x3: {  	_ = 	snop  }
0x4: {  	_ = 	snop  }
0x5: {  	_ = 	snop  }
0x6: {  	_ = 	snop  }
0x7: {  	_ = 	snop  }
__scs_overlays_trampoline_lowered:
0x8: {  	[smem:$0x3FAE] =	sst s0  }
0x9: {  	[smem:$0x3FAF] =	sst s1  }
0xa: {  	[smem:$0x3FB0] =	sst s2  }
0xb: {  	[smem:$0x3FB1] =	sst s3  }
0xc: {  	[smem:$0x3FB2] =	sst s4  }
0xd: {  	[smem:$0x3FB3] =	sst s5  }
0xe: {  	[smem:$0x3FB4] =	sst s6  }
0xf: {  	[smem:$0x3FB5] =	sst s7  }
0x10: {  	[smem:$0x3FB6] =	sst s8  }
0x11: {  	[smem:$0x3FB7] =	sst s9;
	s0 =	simm.s32 @!p0 $0x0  }
0x12: {  	s1 =	sld [smem:$0x3F9D];
	s0 =	simm.s32 @p0 $0x1  }
0x13: {  	[smem:$0x3FB8] =	sst s0;
	s0 =	simm.s32 @!p1 $0x0  }
0x14: {  	s2 =	sld [smem:$0x3F9C];
	s0 =	simm.s32 @p1 $0x1  }
0x15: {  	[smem:$0x3FB9] =	sst s0;
	s0 =	simm.s32 @!p2 $0x0  }
0x16: {  	s3 =	sld [smem:$0x3FDB];
	s0 =	simm.s32 @p2 $0x1  }
0x17: {  	s4 =	simm.s32 $0x1BF5;
	[smem:$0x3FBB] =	sst s0  }
0x18: {  	s0 =	sld [smem:$0x3F9E];
	_ =	swait.ge [sflag:s4], $0x0  }
0x19: {  	s7 =	sld [smem:$0x3F9F]  }
0x1a: {  	s8 =	sadd.s32 $0xFFFFE003, lr  }
0x1b: {  	s9 =	sadd.s32 $0xFFFFFEF7, lr;
	s5 =	simm.s32 $0xFFFFFFFF;
	p2 =	slt.u32 s8, $0xFFFFF086  }
0x1c: {  	p1 =	slt.u32 s9, $0xF7A;
	s5 =	simm.s32 @!p2 $0x0  }
0x1d: {  	s5 =	simm.s32 @p1 $0x1;
	p0 =	seq.s32 s7, s2  }
0x1e: {  	s7 =	smul.u32 @!p0 $0xF7A, s2;
	p2 =	seq.s32 @!p0 s5, $0x0  }
0x1f: {  	s9 =	smul.u32 $0xF7A, s1;
	s8 =	simm.s32 @!p0 $0x1BF5;
	p2 =	por !p2, p0  }
0x20: {  	[sflag:s8] =	ssyncset.s32 @!p0 $0xFFFFF086;
	s6 =	sadd.s32 @!p0 s3, s7;
	s7 =	simm.s32 @!p0 $0x108  }
0x21: {  	s3 =	sadd.s32 s3, s9;
	s6 =	sadd.s32 @!p0 $0x88, s6;
	s7 =	simm.s32 @p2 $0x1082  }
0x22: {  	[simem:s7], [sflag:s8] =	dma.local @!p0 [hbm:s6], $0xF7A  }
0x23: {  	s9 =	sor.u32 $0xD0000000, s2;
	s6 =	simm.s32 $0x108;
	_ =	swait.ge @!p0 [sflag:s8], $0x0  }
0x24: {  	s3 =	sadd.s32 $0x88, s3;
	s6 =	simm.s32 @!p1 $0x1082;
	[sflag:s4] =	ssyncset.s32 $0xFFFFF086  }
0x25: {  	[simem:s6], [sflag:s4] =	dma.local [hbm:s3], $0xF7A  }
0x26: {  	[smem:$0x3F9F] =	sst s1;
	(tag) =	ssettag s2;
	_ =	strace s9  }
0x27: {  	s1 =	sld [smem:$0x3FAF]  }
0x28: {  	s2 =	sld [smem:$0x3FB0]  }
0x29: {  	s4 =	sld [smem:$0x3FB2]  }
0x2a: {  	p0 =	seq.s32 s5, $0x0;
	s5 =	sld [smem:$0x3FB3]  }
0x2b: {  	s6 =	sld [smem:$0x3FB4]  }
0x2c: {  	s7 =	sld [smem:$0x3FB5]  }
0x2d: {  	s3 =	simm.s32 $0x108;
	s8 =	sld [smem:$0x3FB6]  }
0x2e: {  	s3 =	simm.s32 @!p0 $0x1082;
	s9 =	sld [smem:$0x3FB7]  }
0x2f: {  	lr =	sadd.s32 s0, s3;
	s0 =	sld [smem:$0x3FAE]  }
0x30: {  	s3 =	sld [smem:$0x3FB1]  }
0x31: {  	[smem:$0x3FBA] =	sst s10  }
0x32: {  	s10 =	sld [smem:$0x3FB8];
	_ =	sdelay $0x3  }
0x33: {  	p0 =	seq.s32 s10, $0x1;
	s10 =	sld [smem:$0x3FBA];
	_ =	sdelay $0x3  }
0x34: {  	[smem:$0x3FBA] =	sst s10  }
0x35: {  	s10 =	sld [smem:$0x3FB9];
	_ =	sdelay $0x3  }
0x36: {  	p1 =	seq.s32 s10, $0x1;
	s10 =	sld [smem:$0x3FBA];
	_ =	sdelay $0x3  }
0x37: {  	[smem:$0x3FBA] =	sst s10  }
0x38: {  	s10 =	sld [smem:$0x3FBB]  }
0x39: {  	_ = 	snop;
	(pc) =	sbr.ind lr, $3  }
0x3a: {  	_ = 	snop  }
0x3b: {  	_ = 	snop  }
0x3c: {  	p2 =	seq.s32 s10, $0x1;
	s10 =	sld [smem:$0x3FBA]  }
0x3d: {  	_ =	shalt  }
0x3e: {  	_ =	shalt  }
0x3f: {  	_ =	shalt  }
0x40: {  	_ =	shalt  }
0x41: {  	_ =	shalt  }
0x42: {  	_ =	shalt  }
0x43: {  	_ =	shalt  }
0x44: {  	_ =	shalt  }
0x45: {  	_ =	shalt  }
0x46: {  	_ =	shalt  }
0x47: {  	_ =	shalt  }
0x48: {  	_ =	shalt  }
0x49: {  	_ =	shalt  }
0x4a: {  	_ =	shalt  }
0x4b: {  	_ =	shalt  }
0x4c: {  	_ =	shalt  }
0x4d: {  	_ =	shalt  }
0x4e: {  	_ =	shalt  }
0x4f: {  	_ =	shalt  }
0x50: {  	_ =	shalt  }
0x51: {  	_ =	shalt  }
0x52: {  	_ =	shalt  }
0x53: {  	_ =	shalt  }
0x54: {  	_ =	shalt  }
0x55: {  	_ =	shalt  }
0x56: {  	_ =	shalt  }
0x57: {  	_ =	shalt  }
0x58: {  	_ =	shalt  }
0x59: {  	_ =	shalt  }
0x5a: {  	_ =	shalt  }
0x5b: {  	_ =	shalt  }
0x5c: {  	_ =	shalt  }
0x5d: {  	_ =	shalt  }
0x5e: {  	_ =	shalt  }
0x5f: {  	_ =	shalt  }
0x60: {  	_ =	shalt  }
0x61: {  	_ =	shalt  }
0x62: {  	_ =	shalt  }
0x63: {  	_ =	shalt  }
0x64: {  	_ =	shalt  }
0x65: {  	_ =	shalt  }
0x66: {  	_ =	shalt  }
0x67: {  	_ =	shalt  }
0x68: {  	_ =	shalt  }
0x69: {  	_ =	shalt  }
0x6a: {  	_ =	shalt  }
0x6b: {  	_ =	shalt  }
0x6c: {  	_ =	shalt  }
0x6d: {  	_ =	shalt  }
0x6e: {  	_ =	shalt  }
0x6f: {  	_ =	shalt  }
0x70: {  	_ =	shalt  }
0x71: {  	_ =	shalt  }
0x72: {  	_ =	shalt  }
0x73: {  	_ =	shalt  }
0x74: {  	_ =	shalt  }
0x75: {  	_ =	shalt  }
0x76: {  	_ =	shalt  }
0x77: {  	_ =	shalt  }
0x78: {  	_ =	shalt  }
0x79: {  	_ =	shalt  }
0x7a: {  	_ =	shalt  }
0x7b: {  	_ =	shalt  }
0x7c: {  	_ =	shalt  }
0x7d: {  	_ =	shalt  }
0x7e: {  	_ =	shalt  }
0x7f: {  	_ =	shalt  }
0x80: {  	_ =	shalt  }
0x81: {  	_ =	shalt  }
0x82: {  	_ =	shalt  }
0x83: {  	_ =	shalt  }
0x84: {  	_ =	shalt  }
0x85: {  	_ =	shalt  }
0x86: {  	_ =	shalt  }
0x87: {  	_ =	shalt  }
.Lfunc_end0:
.L_simem_size_0:
called_computation_lowered:
.L_overlay_start_0:
0x88: {  	s2 =	sld [smem:$0x3FD9]  }
0x89: {  	s3 =	sld [smem:$0x3FFE];
	_ =	sdelay $0x1  }
0x8a: {  	s1 =	srdreg.scid  }
0x8b: {  	s0 =	sand.u32 $0x1, s1  }
0x8c: {  	s16 =	sshll.u32 s0, $0xA;
	s2 =	sadd.s32 s3, s2  }
0x8d: {  	s2 =	sadd.s32 s2, s16  }
0x8e: {  	[smem:$0x3FC6] =	sst s2  }
0x8f: {  	_ = 	snop  }
0x90: {  	(tm) =	ssettm $0x1  }
0x91: {  	s17 =	sld [smem:$0x3FFB];
	_ =	sdelay $0x3  }
0x92: {  	_ =	strace s17  }
0x93: {  	s2 =	sld [smem:$0x3FFC];
	_ =	sdelay $0x3  }
0x94: {  	_ =	strace s2  }
0x95: {  	s2 =	sld [smem:$0x3FFD];
	_ =	sdelay $0x3  }
0x96: {  	_ =	strace s2  }
0x97: {  	_ =	strace $0x8FFFFFFF  }
0x98: {  	s18 =	sld [smem:$0x3FDB];
	_ =	sdelay $0x1  }
0x99: {  	s19 =	simm.s32 $_scs_section_size  }
0x9a: {  	s4 =	simm.s32 $_size__tile_overlayer_lowered;
	s5 =	simm.s32 $_tile_overlayer_lowered  }
0x9b: {  	s22 =	simm.s32 $0x1BFF;
	s21 =	sshll.u32 s5, $0x1;
	s2 =	sadd.s32 s19, s18  }
0x9c: {  	s6 =	simm.s32 $0x0;
	s20 =	sshll.u32 s4, $0x1;
	s4 =	sadd.s32 s21, s2  }
0x9d: {  	[timem:s6], [sflag:s22] =	dma.local [hbm:s4], s20  }
0x9e: {  	_ =	swait.ge [sflag:s22], s20  }
0x9f: {  	s3 =	ssub.s32 $0x0, s20;
	[sflag:s22] =	ssyncset.done $0x0  }
0xa0: {  	[sflag:s22] =	ssyncadd.s32 s3;
	_ =	sdelay $0x1  }
0xa1: {  	s23 =	simm.s32 $0x1B8B  }
0xa2: {  	_ =	swait.ge [sflag:s23], $0x1  }
0xa3: {  	[sflag:s23] =	ssyncset.done $0x0  }
0xa4: {  	s25 =	simm.s32 $0x1B8E;
	s24 =	sld [smem:$0x3FFE];
	[sflag:s23] =	ssyncadd.s32 $0xFFFFFFFF  }
0xa5: {  	s26 =	simm.s32 $execute0_lowered;
	[smem:$0x3FD2] =	sst s25  }
0xa6: {  	s4 =	sshll.u32 s26, $0x1;
	_ =	strace $0x80000046;
	[dreg:$0x1] =	wrdreg $0xFFFFFFFF  }
0xa7: {  	s28 =	simm.s32 $_size_execute0_lowered;
	s2 =	sadd.s32 s2, s4;
	[dreg:$0x0] =	wrdreg $0x0  }
0xa8: {  	s4 =	sshll.u32 s28, $0x1;
	[dreg:$0x2] =	wrdreg s2  }
0xa9: {  	[dreg:$0x3] =	wrdreg s4  }
0xaa: {  	[dreg:$0x4] =	wrdreg $0xC0  }
0xab: {  	_ =	task [dreg:s6], $0x5FFFF  }
0xac: {  	[dreg:$0x1] =	wrdreg $0xFFFFFFFF  }
0xad: {  	[dreg:$0x0] =	wrdreg $0x60  }
0xae: {  	[dreg:$0x2] =	wrdreg s24  }
0xaf: {  	[dreg:$0x3] =	wrdreg $0x41000  }
0xb0: {  	[dreg:$0x4] =	wrdreg $0x9  }
0xb1: {  	_ =	task.clear_ibuf [dreg:s6], $0x5FFFF;
	_ =	strace $0x90000046  }
0xb2: {  	s29 =	simm.s32 $0x9;
	_ =	strace $0x80000048  }
0xb3: {  	_ =	swait.ge [sflag:s29], $0x1  }
0xb4: {  	[sflag:s29] =	ssyncadd.s32 $0xFFFFFFFF  }
0xb5: {  	_ =	strace $0x90000048  }
0xb6: {  	_ =	sfence  }
0xb7: {  	s30 =	sld [smem:$0x0];
	_ =	sdelay $0x2  }
0xb8: {  	s31 =	sshll.u32 s1, $0xD;
	s1 =	sshrl.u32 s1, $0x2  }
0xb9: {  	s3 =	sand.u32 $0x4000, s31;
	s1 =	sadd.s32 s1, s30  }
0xba: {  	s0 =	sor.u32 s3, s0;
	s1 =	sshll.u32 s1, $0x11  }
0xbb: {  	s0 =	sor.u32 s1, s0  }
0xbc: {  	s0 =	sadd.s32 $0x8F2B, s0  }
0xbd: {  	[sflag:s0] =	ssyncadd.remote.s32 $0x1  }
0xbe: {  	_ =	sfence.sel $0xFFFF  }
0xbf: {  	[dreg:$0x0] =	wrdreg $0xFFFFFFFF;
	(pc) =	sbr.abs _section_cstart, $3  }
0xc0: {  	[dreg:$0x1] =	wrdreg $0xFFFFFFFF  }
0xc1: {  	_ =	task.clear_ibuf [dreg:s6], $0x2FFFF;
	_ =	strace $0x9FFFFFFF  }
0xc2: {  	(tm) =	ssettm $0x7FFFFFFF  }
0xc3: {  	_ =	shalt  }
tec
execute0_lowered:
.L_overlay_start_1:
0x0: {  	(tag) =	ssettag $0x1  }
0x1: {  	s5 =	rddreg [dreg:$0x0]  }
0x2: {  	s0 =	srdreg.scid;
	s2 =	rddreg [dreg:$0x1]  }
0x3: {  	s1 =	stileid.u32;
	s3 =	simm.s32 $0x0;
	s19 =	simm.s32 $0x1  }
0x4: {  	s11 =	sand.u32 $0x1, s0;
	s0 =	rddreg [dreg:$0x2];
	s6 =	smul.u32 $0x13C00, s1  }
0x5: {  	s22 =	simm.s32 $0x0;
	[smem:$0x7FF] =	sst s3;
	s9 =	smul.u32 $0x4F000, s1  }
0x6: {  	s13 =	sadd.s32 $0x1800, s5;
	s8 =	sshll.u32 s1, $0x1;
	s29 =	smul.u32 $0x9E0, s1  }
0x7: {  	s20 =	sshll.u32 s1, $0x6;
	s4 =	smul.u32 $0x13C000, s11;
	_ =	strace $0x80000047  }
0x8: {  	s7 =	ssub.s32 $0x2, s11;
	s8 =	sor.u32 s11, s8;
	s18 =	smul.u32 $0x4F0, s11  }
0x9: {  	s20 =	sor.u32 $0x1C02, s20;
	s26 =	sshrl.u32 s7, $0x1;
	s12 =	smul.u32 $0x2780, s8  }
0xa: {  	s28 =	sshrl.u32 s9, $0x2;
	s16 =	smul.u32 $0x380, s8;
	s30 =	sadd.s32 s29, s13  }
0xb: {  	s6 =	sadd.s32 s6, s4;
	s4 =	sadd.s32 $0xB600, s5;
	s15 =	ssub.s32 s7, s26  }
0xc: {  	s31 =	sadd.s32 s18, s30;
	s18 =	simm.s32 $0x80;
	s6 =	sshrl.u32 s6, $0x3  }
0xd: {  	s17 =	sand.u32 $0x7FC00, s12;
	s16 =	sand.u32 $0x380, s16;
	s12 =	sshrl.u32 s12, $0x3  }
0xe: {  	s14 =	sadd.s32 s6, s5;
	s5 =	sadd.s32 $0xBE00, s5;
	s6 =	sadd.s32 s28, s2  }
0xf: {  	s16 =	sor.u32 s16, s17;
	s12 =	sadd.s32 s13, s12;
	s17 =	simm.s32 $0x2  }
0x10: {  	s7 =	sadd.s32 $0x4000, s6;
	s8 =	sadd.s32 $0x8000, s6;
	s9 =	sadd.s32 $0xC000, s6  }
0x11: {  	s10 =	sadd.s32 $0x10000, s6;
	s16 =	sshrl.u32 s16, $0x3;
	s12 =	sadd.s32 $0x10, s12  }
0x12: {  	s21 =	sshrl.u32 s6, $0x3;
	s11 =	sadd.s32 s13, s16;
	s13 =	sadd.s32 $0xC600, s14  }
0x13: {  	s14 =	smax.u32 s15, $0x1;
	s15 =	sadd.s32 $0x20, s31;
	s16 =	simm.s32 $0x100  }
.LBB2_1:
0x14: {  	[tilespmem:s16], [sflag:$0x2] =	stream.linear.gather [hbm4b:s5+s3], $0x4000, $0x38;
	[tilespmem:$0x17D00] =	vst v63  }
0x15: {  	_ =	swait.ge [sflag:s17], $0x4000  }
0x16: {  	[sflag:s17] =	ssyncset.done $0x0  }
0x17: {  	[sflag:s17] =	ssyncadd.s32 $0xFFFFC000  }
0x18: {  	[spmem:s6] =	stream.linear.scatter [tilespmem:s16], [sflag:$0x2], $0x4000, $0x38;
	[tilespmem:$0x17D00] =	vst v63  }
0x19: {  	_ =	swait.ge [sflag:s17], $0x4000  }
0x1a: {  	[sflag:s17] =	ssyncset.done $0x0  }
0x1b: {  	[sflag:s17] =	ssyncadd.s32 $0xFFFFC000  }
0x1c: {  	[spmem:s7] =	stream.linear.scatter [tilespmem:s16], [sflag:$0x2], $0x4000, $0x38;
	[tilespmem:$0x17D00] =	vst v63  }
0x1d: {  	_ =	swait.ge [sflag:s17], $0x4000  }
0x1e: {  	[sflag:s17] =	ssyncset.done $0x0  }
0x1f: {  	[sflag:s17] =	ssyncadd.s32 $0xFFFFC000  }
0x20: {  	[spmem:s8] =	stream.linear.scatter [tilespmem:s16], [sflag:$0x2], $0x4000, $0x38;
	[tilespmem:$0x17D00] =	vst v63  }
0x21: {  	_ =	swait.ge [sflag:s17], $0x4000  }
0x22: {  	[sflag:s17] =	ssyncset.done $0x0  }
0x23: {  	[sflag:s17] =	ssyncadd.s32 $0xFFFFC000  }
0x24: {  	[spmem:s9] =	stream.linear.scatter [tilespmem:s16], [sflag:$0x2], $0x4000, $0x38;
	[tilespmem:$0x17D00] =	vst v63  }
0x25: {  	_ =	swait.ge [sflag:s17], $0x4000  }
0x26: {  	[sflag:s17] =	ssyncset.done $0x0  }
0x27: {  	[sflag:s17] =	ssyncadd.s32 $0xFFFFC000  }
0x28: {  	[spmem:s10] =	stream.linear.scatter [tilespmem:s16], [sflag:$0x2], $0x3C00, $0x38;
	[tilespmem:$0x17D00] =	vst v63  }
0x29: {  	_ =	swait.ge [sflag:s17], $0x3C00  }
0x2a: {  	[sflag:s17] =	ssyncset.done $0x0  }
0x2b: {  	[sflag:s17] =	ssyncadd.s32 $0xFFFFC400  }
0x2c: {  	[tilespmem:s16], [sflag:$0x2] =	stream.linear.gather [hbm4b:s4+s3], $0x4000, $0x38;
	[tilespmem:$0x17D00] =	vst v63  }
0x2d: {  	_ =	swait.ge [sflag:s17], $0x4000  }
0x2e: {  	[sflag:s17] =	ssyncset.done $0x0  }
0x2f: {  	[sflag:s17] =	ssyncadd.s32 $0xFFFFC000  }
0x30: {  	[bflag:$0x0] =	sbarrier.arrive $0xFFFF  }
0x31: {  	[tilespmem:s3], [sflag:$0x2] =	stream.linear.gather [hbm4b:s11+s3], $0x80, $0x38;
	[tilespmem:$0x17D00] =	vst v63  }
0x32: {  	_ =	swait.ge [sflag:s17], $0x80  }
0x33: {  	[sflag:s17] =	ssyncset.done $0x0  }
0x34: {  	s23 =	simm.s32 $0x0;
	[sflag:s17] =	ssyncadd.s32 $0xFFFFFF80  }
0x35: {  	[tilespmem:s18], [sflag:$0x1] =	stream.linear.gather [hbm4b:s12+s3], $0x80, $0x38;
	[tilespmem:$0x17D00] =	vst v63  }
0x36: {  	s24 =	sand.u32 $0x80, s23  }
0x37: {  	[spmem:s2] =	stream.indirect.scatter.add.f32 [tilespmem:s16], [sflag:$0x2], $0x80, s24, s18, $0xb8;
	[tilespmem:$0x17D00] =	vst v63  }
0x38: {  	_ =	swait.ge [sflag:s17], $0x4000  }
0x39: {  	[sflag:s17] =	ssyncset.done $0x0  }
0x3a: {  	[sflag:s17] =	ssyncadd.s32 $0xFFFFC000  }
0x3b: {  	_ =	swait.ge [sflag:s19], $0x80  }
0x3c: {  	s25 =	simm.s32 $0x80;
	s28 =	simm.s32 $0x400;
	[sflag:s19] =	ssyncset.done $0x0  }
0x3d: {  	s26 =	smov.u32 s15;
	s23 =	sadd.s32 $0x10, s15;
	[sflag:s19] =	ssyncadd.s32 $0xFFFFFF80  }
.LBB2_2:
0x3e: {  	[tilespmem:s24], [sflag:$0x1] =	stream.linear.gather [hbm4b:s26+s3], $0x80, $0x38;
	[tilespmem:$0x17D00] =	vst v63  }
0x3f: {  	s29 =	smov.u32 s28;
	s26 =	smov.u32 s23  }
0x40: {  	s30 =	sadd.s32 $0x200, s28;
	s24 =	sand.u32 $0x80, s25;
	s25 =	sshrl.u32 s29, $0x2  }
0x41: {  	[spmem:s2] =	stream.indirect.scatter.add.f32 [tilespmem:s16], [sflag:$0x2], $0x80, s24, s18, $0xb8;
	[tilespmem:$0x17D00] =	vst v63  }
0x42: {  	p0 =	sne.s32 s28, $0x9800;
	_ =	swait.ge [sflag:s17], $0x4000  }
.Ltmp0:
0x43: {  	[sflag:s17] =	ssyncset.done $0x0;
	(pc) =	sbr.rel @p0 .LBB2_2-.Ltmp0, $4  }
0x44: {  	[sflag:s17] =	ssyncadd.s32 $0xFFFFC000  }
0x45: {  	_ =	swait.ge [sflag:s19], $0x80  }
0x46: {  	[sflag:s19] =	ssyncset.done $0x0  }
0x47: {  	s23 =	sadd.s32 $0x10, s23;
	s28 =	smov.u32 s30;
	[sflag:s19] =	ssyncadd.s32 $0xFFFFFF80  }
0x48: {  	[tilespmem:s24], [sflag:$0x1] =	stream.linear.gather [hbm4b:s26+s3], $0x80, $0x38;
	[tilespmem:$0x17D00] =	vst v63  }
0x49: {  	s31 =	sand.u32 $0x80, s25  }
0x4a: {  	[spmem:s2] =	stream.indirect.scatter.add.f32 [tilespmem:s16], [sflag:$0x2], $0x80, s31, s18, $0xb8;
	[tilespmem:$0x17D00] =	vst v63  }
0x4b: {  	_ =	swait.ge [sflag:s17], $0x4000  }
0x4c: {  	[sflag:s17] =	ssyncset.done $0x0  }
0x4d: {  	[sflag:s17] =	ssyncadd.s32 $0xFFFFC000  }
0x4e: {  	_ =	swait.ge [sflag:s19], $0x80  }
0x4f: {  	[sflag:s19] =	ssyncset.done $0x0  }
0x50: {  	[sflag:s19] =	ssyncadd.s32 $0xFFFFFF80  }
0x51: {  	[tilespmem:s31], [sflag:$0x1] =	stream.linear.gather [hbm4b:s23+s3], $0x80, $0x38;
	[tilespmem:$0x17D00] =	vst v63  }
0x52: {  	_ = 	snop  }
0x53: {  	[spmem:s2] =	stream.indirect.scatter.add.f32 [tilespmem:s16], [sflag:$0x2], $0x80, s18, s18, $0xb8;
	[tilespmem:$0x17D00] =	vst v63  }
0x54: {  	_ =	swait.ge [sflag:s17], $0x4000  }
0x55: {  	[sflag:s17] =	ssyncset.done $0x0  }
0x56: {  	[sflag:s17] =	ssyncadd.s32 $0xFFFFC000  }
0x57: {  	_ =	swait.ge [sflag:s19], $0x80  }
0x58: {  	[sflag:s19] =	ssyncset.done $0x0  }
0x59: {  	[sflag:s19] =	ssyncadd.s32 $0xFFFFFF80  }
0x5a: {  	[spmem:s2] =	stream.indirect.scatter.add.f32 [tilespmem:s16], [sflag:$0x2], $0x80, s3, s18, $0xb8;
	[tilespmem:$0x17D00] =	vst v63  }
0x5b: {  	_ =	swait.ge [sflag:s17], $0x4000  }
0x5c: {  	s22 =	sadd.s32 $0x1, s22;
	[sflag:s17] =	ssyncset.done $0x0  }
0x5d: {  	p0 =	sne.s32 s22, s14;
	[sflag:s17] =	ssyncadd.s32 $0xFFFFC000  }
.Ltmp1:
0x5e: {  	[bflag:$0x0] =	sbarrier.arrive $0xFFFF;
	(pc) =	sbr.rel @p0 .LBB2_1-.Ltmp1, $4  }
0x5f: {  	[hbm:s13], [sflag:s20] =	dma.local [spmem:s21], $0x2780  }
0x60: {  	_ =	swait.ge [sflag:s17], $0x2780  }
0x61: {  	[sflag:s17] =	ssyncset.done $0x0  }
0x62: {  	[sflag:s17] =	ssyncadd.s32 $0xFFFFD880  }
0x63: {  	_ =	sfence.sel $0x180000  }
0x64: {  	[bflag:$0x0] =	sbarrier.arrive $0xFFFF  }
0x65: {  	p0 =	sne.s32 s1, $0x0;
	_ =	strace $0x90000047  }
0x66: {  	s0 =	sadd.s32 @!p0 $0x100000, s0;
	[bflag:$0x2] =	sbarrier.arrive $0xFFFF  }
0x67: {  	[sflag:s0] =	ssyncadd.tile.s32 @!p0 $0x1;
	_ =	shalt  }
.Lfunc_end2:
_tile_overlayer_lowered:
.L_overlay_start_2:
0x68: {  	(tag) =	ssettag $0x2  }
0x69: {  	s0 =	rddreg [dreg:$0x0];
	s2 =	stileid.u32  }
0x6a: {  	s1 =	rddreg [dreg:$0x1];
	p0 =	sne.s32 s2, $0x0  }
0x6b: {  	s3 =	rddreg [dreg:$0x2];
	[bflag:$0x3] =	sbarrier.arrive $0xFFFF;
	s2 =	simm.s32 @!p0 $0x1C02  }
0x6c: {  	[timem:s3], [sflag:s2] =	dma.local @!p0 [hbm:s0], s1  }
0x6d: {  	s0 =	simm.s32 @!p0 $0x2  }
0x6e: {  	_ =	swait.ge @!p0 [sflag:s0], s1  }
0x6f: {  	s1 =	ssub.s32 @!p0 $0x0, s1;
	[sflag:s0] =	ssyncset.done @!p0 $0x0  }
0x70: {  	[sflag:s0] =	ssyncadd.s32 @!p0 s1  }
0x71: {  	[bflag:$0x3] =	sbarrier.arrive $0xFFFF  }
0x72: {  	_ =	shalt  }

</sc_bundles>
